<compile_context>
chip_gen: v7x
topology: tpu7x:2x2x1
jax: 0.10.2.dev20260603
libtpu: 0.0.44.dev20260713+nightly
codegen_flags: <defaults>
</compile_context>

<pallas_src>
import functools

import jax
import jax.numpy as jnp
from jax import lax
from jax.experimental import pallas as pl
from jax.experimental.pallas import tpu as pltpu
from jax.experimental.pallas import tpu_sc as plsc

D = 1024
H = 73
R = 4 * 2048
SCR = 512
NC, NS = 2, 16
NW = NC * NS
RPW = SCR // NW
CH = 8
CHW = CH * D
NCHUNK = RPW // CH
HSTR = R
HWB = H * RPW

_mesh = plsc.VectorSubcoreMesh(
    core_axis_name="c", subcore_axis_name="s", num_cores=NC, num_subcores=NS
)


@functools.partial(
    pl.kernel,
    out_type=jax.ShapeDtypeStruct((SCR * D,), jnp.float32),
    mesh=_mesh,
    scratch_types=[
        pltpu.VMEM((H * D,), jnp.float32),
        pltpu.VMEM((2 * CHW,), jnp.float32),
        pltpu.VMEM((HWB,), jnp.float32),
        pltpu.VMEM((RPW,), jnp.int32),
        pltpu.VMEM_SHARED((H * D,), jnp.float32),
        pltpu.SemaphoreType.DMA,
        pltpu.SemaphoreType.DMA,
        pltpu.SemaphoreType.DMA,
        pltpu.SemaphoreType.DMA,
        pltpu.SemaphoreType.DMA,
        pltpu.SemaphoreType.DMA,
    ],
    compiler_params=pltpu.CompilerParams(needs_layout_passes=False),
)
def _sc_add_pe(x_hbm, hour_hbm, pe_hbm, out_hbm, pe_v, xb_v, hbuf, idx_v,
               pe_sh, pe_sem, hr_sem, in0_sem, in1_sem, out0_sem, out1_sem):
    wid = lax.axis_index("s") * NC + lax.axis_index("c")
    row0 = wid * RPW
    io = lax.broadcasted_iota(jnp.int32, (16,), 0)
    in_sems = (in0_sem, in1_sem)
    out_sems = (out0_sem, out1_sem)

    def in_copy(c, p):
        return pltpu.make_async_copy(
            x_hbm.at[pl.ds((row0 + c * CH) * D, CHW)],
            xb_v.at[pl.ds(p * CHW, CHW)], in_sems[p])

    def out_copy(c, p):
        return pltpu.make_async_copy(
            xb_v.at[pl.ds(p * CHW, CHW)],
            out_hbm.at[pl.ds((row0 + c * CH) * D, CHW)], out_sems[p])

    def hour_dma(h, carry):
        l0 = wid * RPW
        src0 = h * HSTR + (l0 // 128) * 512 + l0 % 128
        pltpu.async_copy(hour_hbm.at[pl.ds(src0, RPW)],
                         hbuf.at[pl.ds(h * RPW, RPW)], hr_sem)
        return carry

    lax.fori_loop(0, H, hour_dma, 0)
    in_copy(0, 0).start()
    in_copy(1, 1).start()

    @pl.when(lax.axis_index("s") == 0)
    def _stage_pe():
        pltpu.sync_copy(pe_hbm, pe_sh)

    plsc.subcore_barrier()
    pltpu.async_copy(pe_sh, pe_v, pe_sem)

    pltpu.make_async_copy(hour_hbm.at[pl.ds(0, HWB)], hbuf, hr_sem).wait()

    def amax_group(g, carry):
        col = g * 16
        best = hbuf[pl.ds(col, 16)]
        besti = io * 0
        for h in range(1, H):
            v = hbuf[pl.ds(h * RPW + col, 16)]
            upd = v > best
            besti = jnp.where(upd, h, besti)
            best = jnp.where(upd, v, best)
        idx_v[pl.ds(col, 16)] = besti * D
        return carry

    lax.fori_loop(0, RPW // 16, amax_group, 0)
    pltpu.make_async_copy(pe_hbm, pe_v, pe_sem).wait()

    def compute(c, p):
        xbase = p * CHW
        g16 = (c * CH) // 16 * 16
        lo = c * CH - g16
        ivec = idx_v[pl.ds(g16, 16)]

        def row_body(j, rcarry):
            pb = jnp.max(jnp.where(io == j + lo, ivec, 0))
            tl = j // 8
            rr = j - tl * 8
            xoff = xbase + tl * 8192 + rr * 128
            for ct in range(8):
                for k in range(8):
                    pv = pe_v[pl.ds(pb + ct * 128 + k * 16, 16)]
                    plsc.addupdate(
                        xb_v.at[pl.ds(xoff + ct * 1024 + k * 16, 16)], pv)
            return rcarry

        lax.fori_loop(0, CH, row_body, 0)

    for c in range(NCHUNK):
        p = c & 1
        q = p ^ 1
        if c + 1 < NCHUNK:
            if c >= 1:
                out_copy(c - 1, q).wait()
            if c + 1 >= 2:
                in_copy(c + 1, q).start()
        in_copy(c, p).wait()
        compute(c, p)
        out_copy(c, p).start()

    out_copy(NCHUNK - 2, 0).wait()
    out_copy(NCHUNK - 1, 1).wait()



TBLK = 512
TGRID = (R - SCR) // TBLK


def _tc_body(x_ref, h_ref, pe_ref, o_ref):
    hv = h_ref[...]
    lane = lax.broadcasted_iota(jnp.int32, (TBLK, H), 1)
    m = jnp.max(hv, axis=1, keepdims=True)
    cand = jnp.where(hv == m, lane, H)
    idx = jnp.min(cand, axis=1, keepdims=True)
    oh = (idx == lane).astype(jnp.bfloat16)
    acc = lax.dot_general(oh, pe_ref[...].astype(jnp.bfloat16),
                          (((1,), (0,)), ((), ())),
                          preferred_element_type=jnp.float32)
    o_ref[...] = x_ref[...] + acc


_tc_call = pl.pallas_call(
    _tc_body,
    grid=(TGRID,),
    in_specs=[
        pl.BlockSpec((TBLK, D), lambda i: (i + SCR // TBLK, 0)),
        pl.BlockSpec((TBLK, H), lambda i: (i + SCR // TBLK, 0)),
        pl.BlockSpec((H, D), lambda i: (0, 0)),
    ],
    out_specs=pl.BlockSpec((TBLK, D), lambda i: (i + SCR // TBLK, 0)),
    out_shape=jax.ShapeDtypeStruct((R, D), jnp.float32),
)


def kernel(x, hour_onehot, pe):
    xf = x.reshape(1024, 8, 8, 128).transpose(0, 2, 1, 3).reshape(-1)
    hf = hour_onehot.reshape(4, 16, 128, H).transpose(3, 1, 0, 2).reshape(-1)
    pf = pe.reshape(-1)
    sc_flat = _sc_add_pe(xf, hf, pf)
    sc2d = sc_flat.reshape(SCR // 8, 8, 8, 128).transpose(0, 2, 1, 3)
    sc2d = sc2d.reshape(SCR, D)

    x2 = x.reshape(R, D)
    h2 = hour_onehot.reshape(R, H)
    pe2 = pe.reshape(H, D)
    tc_out = _tc_call(x2, h2, pe2)

    out = lax.dynamic_update_slice(tc_out, sc2d, (0, 0))
    return out.reshape(x.shape)

# --- scband reference (transcript-rebuilt; emitter-appended) ---
"""Pipeline reference for scband-biphase-positional-encoding-17626545783770 (READ-ONLY COPY).

The authoritative reference and input builder live on the scoring server;
editing this copy changes nothing except your own understanding.
"""

import jax, jax.numpy as jnp
import numpy as np
import math

D_MODEL = 1024
MAX_HOUR = 73


def _build_pe():
    pe = np.zeros((MAX_HOUR, D_MODEL), dtype=np.float64)
    hour_idx = np.arange(0, MAX_HOUR, dtype=np.float64)[:, None]
    hours = hour_idx % 24
    freq_levels = np.array([2 ** (i // (D_MODEL // 4)) for i in range(D_MODEL // 2)], dtype=np.float64)
    mod_factors = np.array([1 + i // (D_MODEL // 4) for i in range(D_MODEL // 2)], dtype=np.float64)
    angle = 2 * math.pi * hours / 24 * freq_levels + math.pi * hours / 2 * mod_factors
    pe[:, 0::2] = np.sin(angle)
    pe[:, 1::2] = np.cos(angle)
    return jnp.asarray(pe[None, :, :], dtype=jnp.float32)  # [1, MAX_HOUR, D_MODEL]


def setup_inputs(seed: int = 0) -> dict:
    key = jax.random.key(seed)
    k1, k2 = jax.random.split(key, 2)
    x = jax.random.normal(k1, (4, 2048, D_MODEL), dtype=jnp.float32)
    hour_onehot = jax.random.uniform(k2, (4, 2048, MAX_HOUR), dtype=jnp.float32)
    pe = _build_pe()
    return {"x": x, "hour_onehot": hour_onehot, "pe": pe}


def reference(x, hour_onehot, pe):
    hour = jnp.argmax(hour_onehot, axis=-1)           # [B, L] int
    gathered = jnp.take(pe, hour, axis=1)             # pe[:, hour] -> [1, B, L, D]
    return (x + gathered)[0]                          # [B, L, D]

if __name__ == "__main__":
    import jax
    _d = setup_inputs()
    print(jax.jit(kernel)(*tuple(_d.values())))

</pallas_src>

<mosaic_0001>
#map = affine_map<(d0, d1) -> (0)>
module attributes {stable_mosaic.version = 14 : i64} {
  func.func @_sc_add_pe(%arg0: i32, %arg1: i32, %arg2: memref<8388608xf32, #tpu.memory_space<hbm>>, %arg3: memref<598016xf32, #tpu.memory_space<hbm>>, %arg4: memref<74752xf32, #tpu.memory_space<hbm>>, %arg5: memref<524288xf32, #tpu.memory_space<hbm>>, %arg6: memref<74752xf32, #tpu.memory_space<vmem>>, %arg7: memref<16384xf32, #tpu.memory_space<vmem>>, %arg8: memref<1168xf32, #tpu.memory_space<vmem>>, %arg9: memref<16xi32, #tpu.memory_space<vmem>>, %arg10: memref<74752xf32, #tpu.memory_space<vmem_shared>>, %arg11: memref<!tpu.dma_semaphore, #tpu.memory_space<semaphore_mem>>, %arg12: memref<!tpu.dma_semaphore, #tpu.memory_space<semaphore_mem>>, %arg13: memref<!tpu.dma_semaphore, #tpu.memory_space<semaphore_mem>>, %arg14: memref<!tpu.dma_semaphore, #tpu.memory_space<semaphore_mem>>, %arg15: memref<!tpu.dma_semaphore, #tpu.memory_space<semaphore_mem>>, %arg16: memref<!tpu.dma_semaphore, #tpu.memory_space<semaphore_mem>>) attributes {dimension_semantics = [#tpu.dimension_semantics<core_parallel>, #tpu.dimension_semantics<subcore_parallel>], iteration_bounds = array<i64: 2, 16>, scalar_prefetch = 0 : i64, scratch_operands = 11 : i64, tpu.core_type = #tpu.core_type<sc_vector_subcore>, window_params = [{transform_indices = #map}, {transform_indices = #map}, {transform_indices = #map}, {transform_indices = #map}]} {
    %mul3A = arith.constant 2 : i32
    %mul3A_0 = arith.muli %arg1, %mul3A : i32
    %add3A = arith.addi %mul3A_0, %arg0 : i32
    %mul3A_1 = arith.constant 16 : i32
    %mul3A_2 = arith.muli %add3A, %mul3A_1 : i32
    %iota3A = tpu.iota {dimensions = array<i32: 0>} : vector<16xi32>
    %scan3A = arith.constant 0 : i32
    %scan3A_3 = arith.constant 0 : i32
    %scan3A_4 = arith.constant 73 : i32
    %scan3A_5 = arith.addi %scan3A_3, %scan3A_4 : i32
    %scan3A_6 = arith.constant 1 : i32
    scf.for %scan3A_765 = %scan3A_3 to %scan3A_5 step %scan3A_6  : i32 {
      %mul3A_766 = arith.constant 16 : i32
      %mul3A_767 = arith.muli %add3A, %mul3A_766 : i32
      %mul3A_768 = arith.constant 8192 : i32
      %mul3A_769 = arith.muli %scan3A_765, %mul3A_768 : i32
      %jit3A_770 = arith.constant 128 : i32
      %div3A = arith.divsi %mul3A_767, %jit3A_770 : i32
      %sign3A = arith.constant 0 : i32
      %sign3A_771 = arith.cmpi sgt, %mul3A_767, %sign3A : i32
      %sign3A_772 = arith.extui %sign3A_771 : i1 to i32
      %sign3A_773 = arith.constant 0 : i32
      %sign3A_774 = arith.cmpi slt, %mul3A_767, %sign3A_773 : i32
      %sign3A_775 = arith.extui %sign3A_774 : i1 to i32
      %sign3A_776 = arith.subi %sign3A_772, %sign3A_775 : i32
      %sign3A_777 = arith.constant 0 : i32
      %sign3A_778 = arith.cmpi sgt, %jit3A_770, %sign3A_777 : i32
      %sign3A_779 = arith.extui %sign3A_778 : i1 to i32
      %sign3A_780 = arith.constant 0 : i32
      %sign3A_781 = arith.cmpi slt, %jit3A_770, %sign3A_780 : i32
      %sign3A_782 = arith.extui %sign3A_781 : i1 to i32
      %sign3A_783 = arith.subi %sign3A_779, %sign3A_782 : i32
      %ne3A = arith.cmpi ne, %sign3A_776, %sign3A_783 : i32
      %rem3A = arith.remsi %mul3A_767, %jit3A_770 : i32
      %ne3A_784 = arith.constant 0 : i32
      %ne3A_785 = arith.cmpi ne, %rem3A, %ne3A_784 : i32
      %and3A = arith.andi %ne3A, %ne3A_785 : i1
      %sub3A = arith.constant 1 : i32
      %sub3A_786 = arith.subi %div3A, %sub3A : i32
      %select_n3A_787 = arith.select %and3A, %sub3A_786, %div3A : i32
      %mul3A_788 = arith.constant 512 : i32
      %mul3A_789 = arith.muli %select_n3A_787, %mul3A_788 : i32
      %add3A_790 = arith.addi %mul3A_769, %mul3A_789 : i32
      %jit3A_791 = arith.constant 128 : i32
      %eq3A_792 = arith.constant 0 : i32
      %eq3A_793 = arith.cmpi eq, %jit3A_791, %eq3A_792 : i32
      %jit3A_794 = arith.constant 1 : i32
      %select_n3A_795 = arith.select %eq3A_793, %jit3A_794, %jit3A_791 : i32
      %rem3A_796 = arith.remsi %mul3A_767, %select_n3A_795 : i32
      %ne3A_797 = arith.constant 0 : i32
      %ne3A_798 = arith.cmpi ne, %rem3A_796, %ne3A_797 : i32
      %lt3A = arith.constant 0 : i32
      %lt3A_799 = arith.cmpi slt, %rem3A_796, %lt3A : i32
      %lt3A_800 = arith.constant 0 : i32
      %lt3A_801 = arith.cmpi slt, %select_n3A_795, %lt3A_800 : i32
      %ne3A_802 = arith.xori %lt3A_799, %lt3A_801 : i1
      %and3A_803 = arith.andi %ne3A_802, %ne3A_798 : i1
      %add3A_804 = arith.addi %rem3A_796, %select_n3A_795 : i32
      %select_n3A_805 = arith.select %and3A_803, %add3A_804, %rem3A_796 : i32
      %add3A_806 = arith.addi %add3A_790, %select_n3A_805 : i32
      %mul3A_807 = arith.constant 16 : i32
      %mul3A_808 = arith.muli %scan3A_765, %mul3A_807 : i32
      %dma_start3A_809 = tpu.memref_slice %arg8[%mul3A_808] : memref<1168xf32, #tpu.memory_space<vmem>> -> memref<16xf32, #tpu.memory_space<vmem>>
      %dma_start3A_810 = tpu.memref_slice %arg3[%add3A_806] : memref<598016xf32, #tpu.memory_space<hbm>> -> memref<16xf32, #tpu.memory_space<hbm>>
      %dma_start3A_811 = tpu.memref_slice %arg8[%mul3A_808] : memref<1168xf32, #tpu.memory_space<vmem>> -> memref<16xf32, #tpu.memory_space<vmem>>
      %dma_start3A_812 = tpu.memref_slice %arg3[%add3A_806] : memref<598016xf32, #tpu.memory_space<hbm>> -> memref<16xf32, #tpu.memory_space<hbm>>
      tpu.enqueue_dma source(%dma_start3A_812 : memref<16xf32, #tpu.memory_space<hbm>>) target(%dma_start3A_811 : memref<16xf32, #tpu.memory_space<vmem>>) target_semaphore(%arg12 : memref<!tpu.dma_semaphore, #tpu.memory_space<semaphore_mem>>)
    }
    %scan3A_7 = arith.constant 73 : i32
    %add3A_8 = arith.constant 0 : i32
    %add3A_9 = arith.addi %mul3A_2, %add3A_8 : i32
    %mul3A_10 = arith.constant 1024 : i32
    %mul3A_11 = arith.muli %add3A_9, %mul3A_10 : i32
    %dma_start3A = arith.constant 0 : i32
    %dma_start3A_12 = tpu.memref_slice %arg7[%dma_start3A] : memref<16384xf32, #tpu.memory_space<vmem>> -> memref<8192xf32, #tpu.memory_space<vmem>>
    %dma_start3A_13 = tpu.memref_slice %arg2[%mul3A_11] : memref<8388608xf32, #tpu.memory_space<hbm>> -> memref<8192xf32, #tpu.memory_space<hbm>>
    %dma_start3A_14 = arith.constant 0 : i32
    %dma_start3A_15 = tpu.memref_slice %arg7[%dma_start3A_14] : memref<16384xf32, #tpu.memory_space<vmem>> -> memref<8192xf32, #tpu.memory_space<vmem>>
    %dma_start3A_16 = tpu.memref_slice %arg2[%mul3A_11] : memref<8388608xf32, #tpu.memory_space<hbm>> -> memref<8192xf32, #tpu.memory_space<hbm>>
    tpu.enqueue_dma source(%dma_start3A_16 : memref<8192xf32, #tpu.memory_space<hbm>>) target(%dma_start3A_15 : memref<8192xf32, #tpu.memory_space<vmem>>) target_semaphore(%arg13 : memref<!tpu.dma_semaphore, #tpu.memory_space<semaphore_mem>>)
    %add3A_17 = arith.constant 8 : i32
    %add3A_18 = arith.addi %mul3A_2, %add3A_17 : i32
    %mul3A_19 = arith.constant 1024 : i32
    %mul3A_20 = arith.muli %add3A_18, %mul3A_19 : i32
    %dma_start3A_21 = arith.constant 8192 : i32
    %dma_start3A_22 = tpu.memref_slice %arg7[%dma_start3A_21] : memref<16384xf32, #tpu.memory_space<vmem>> -> memref<8192xf32, #tpu.memory_space<vmem>>
    %dma_start3A_23 = tpu.memref_slice %arg2[%mul3A_20] : memref<8388608xf32, #tpu.memory_space<hbm>> -> memref<8192xf32, #tpu.memory_space<hbm>>
    %dma_start3A_24 = arith.constant 8192 : i32
    %dma_start3A_25 = tpu.memref_slice %arg7[%dma_start3A_24] : memref<16384xf32, #tpu.memory_space<vmem>> -> memref<8192xf32, #tpu.memory_space<vmem>>
    %dma_start3A_26 = tpu.memref_slice %arg2[%mul3A_20] : memref<8388608xf32, #tpu.memory_space<hbm>> -> memref<8192xf32, #tpu.memory_space<hbm>>
    tpu.enqueue_dma source(%dma_start3A_26 : memref<8192xf32, #tpu.memory_space<hbm>>) target(%dma_start3A_25 : memref<8192xf32, #tpu.memory_space<vmem>>) target_semaphore(%arg14 : memref<!tpu.dma_semaphore, #tpu.memory_space<semaphore_mem>>)
    %eq3A = arith.constant 0 : i32
    %eq3A_27 = arith.cmpi eq, %arg1, %eq3A : i32
    %convert_element_type3A = arith.extui %eq3A_27 : i1 to i32
    %cond3A = arith.constant 0 : i32
    %cond3A_28 = arith.cmpi ne, %convert_element_type3A, %cond3A : i32
    scf.if %cond3A_28 {
      "tpu.region"() ({
        %run_scoped3A = tpu.sem_alloc : memref<!tpu.dma_semaphore, #tpu.memory_space<semaphore_mem>>
        tpu.enqueue_dma source(%arg4 : memref<74752xf32, #tpu.memory_space<hbm>>) target(%arg10 : memref<74752xf32, #tpu.memory_space<vmem_shared>>) target_semaphore(%run_scoped3A : memref<!tpu.dma_semaphore, #tpu.memory_space<semaphore_mem>>)
        tpu.wait_dma2 semaphore(%run_scoped3A : memref<!tpu.dma_semaphore, #tpu.memory_space<semaphore_mem>>) src(%arg4 : memref<74752xf32, #tpu.memory_space<hbm>>) dst(%arg10 : memref<74752xf32, #tpu.memory_space<vmem_shared>>)
        tpu.yield
      }) : () -> ()
    } else {
    }
    %barrier3A = arith.constant 0 : index
    tpu.barrier barrier_id(%barrier3A)
    tpu.enqueue_dma source(%arg10 : memref<74752xf32, #tpu.memory_space<vmem_shared>>) target(%arg6 : memref<74752xf32, #tpu.memory_space<vmem>>) target_semaphore(%arg11 : memref<!tpu.dma_semaphore, #tpu.memory_space<semaphore_mem>>)
    %dma_wait3A = arith.constant 0 : i32
    %dma_wait3A_29 = tpu.memref_slice %arg3[%dma_wait3A] : memref<598016xf32, #tpu.memory_space<hbm>> -> memref<1168xf32, #tpu.memory_space<hbm>>
    %dma_wait3A_30 = arith.constant 0 : i32
    %dma_wait3A_31 = tpu.memref_slice %arg3[%dma_wait3A_30] : memref<598016xf32, #tpu.memory_space<hbm>> -> memref<1168xf32, #tpu.memory_space<hbm>>
    tpu.wait_dma2 semaphore(%arg12 : memref<!tpu.dma_semaphore, #tpu.memory_space<semaphore_mem>>) src(%dma_wait3A_31 : memref<1168xf32, #tpu.memory_space<hbm>>) dst(%arg8 : memref<1168xf32, #tpu.memory_space<vmem>>)
    %scan3A_32 = arith.constant 0 : i32
    %scan3A_33 = arith.constant 0 : i32
    %mul3A_34 = arith.constant 16 : i32
    %mul3A_35 = arith.muli %scan3A_33, %mul3A_34 : i32
    %get3A = arith.index_cast %mul3A_35 : i32 to index
    %get3A_36 = tpu.vector_load %arg8[%get3A] {strides = array<i32>} : memref<1168xf32, #tpu.memory_space<vmem>>, vector<16xf32>,
    %mul3A_37 = arith.constant 0 : i32
    %mul3A_38 = vector.broadcast %mul3A_37 : i32 to vector<16xi32>
    %mul3A_39 = arith.muli %iota3A, %mul3A_38 : vector<16xi32>
    %add3A_40 = arith.constant 16 : i32
    %add3A_41 = arith.addi %add3A_40, %mul3A_35 : i32
    %get3A_42 = arith.index_cast %add3A_41 : i32 to index
    %get3A_43 = tpu.vector_load %arg8[%get3A_42] {strides = array<i32>} : memref<1168xf32, #tpu.memory_space<vmem>>, vector<16xf32>,
    %gt3A = arith.cmpf ogt, %get3A_43, %get3A_36 : vector<16xf32>
    %jit3A = arith.constant 1 : i32
    %broadcast_in_dim3A = vector.broadcast %jit3A : i32 to vector<16xi32>
    %select_n3A = arith.select %gt3A, %broadcast_in_dim3A, %mul3A_39 : vector<16xi1>, vector<16xi32>
    %select_n3A_44 = arith.select %gt3A, %get3A_43, %get3A_36 : vector<16xi1>, vector<16xf32>
    %add3A_45 = arith.constant 32 : i32
    %add3A_46 = arith.addi %add3A_45, %mul3A_35 : i32
    %get3A_47 = arith.index_cast %add3A_46 : i32 to index
    %get3A_48 = tpu.vector_load %arg8[%get3A_47] {strides = array<i32>} : memref<1168xf32, #tpu.memory_space<vmem>>, vector<16xf32>,
    %gt3A_49 = arith.cmpf ogt, %get3A_48, %select_n3A_44 : vector<16xf32>
    %jit3A_50 = arith.constant 2 : i32
    %broadcast_in_dim3A_51 = vector.broadcast %jit3A_50 : i32 to vector<16xi32>
    %select_n3A_52 = arith.select %gt3A_49, %broadcast_in_dim3A_51, %select_n3A : vector<16xi1>, vector<16xi32>
    %select_n3A_53 = arith.select %gt3A_49, %get3A_48, %select_n3A_44 : vector<16xi1>, vector<16xf32>
    %add3A_54 = arith.constant 48 : i32
    %add3A_55 = arith.addi %add3A_54, %mul3A_35 : i32
    %get3A_56 = arith.index_cast %add3A_55 : i32 to index
    %get3A_57 = tpu.vector_load %arg8[%get3A_56] {strides = array<i32>} : memref<1168xf32, #tpu.memory_space<vmem>>, vector<16xf32>,
    %gt3A_58 = arith.cmpf ogt, %get3A_57, %select_n3A_53 : vector<16xf32>
    %jit3A_59 = arith.constant 3 : i32
    %broadcast_in_dim3A_60 = vector.broadcast %jit3A_59 : i32 to vector<16xi32>
    %select_n3A_61 = arith.select %gt3A_58, %broadcast_in_dim3A_60, %select_n3A_52 : vector<16xi1>, vector<16xi32>
    %select_n3A_62 = arith.select %gt3A_58, %get3A_57, %select_n3A_53 : vector<16xi1>, vector<16xf32>
    %add3A_63 = arith.constant 64 : i32
    %add3A_64 = arith.addi %add3A_63, %mul3A_35 : i32
    %get3A_65 = arith.index_cast %add3A_64 : i32 to index
    %get3A_66 = tpu.vector_load %arg8[%get3A_65] {strides = array<i32>} : memref<1168xf32, #tpu.memory_space<vmem>>, vector<16xf32>,
    %gt3A_67 = arith.cmpf ogt, %get3A_66, %select_n3A_62 : vector<16xf32>
    %jit3A_68 = arith.constant 4 : i32
    %broadcast_in_dim3A_69 = vector.broadcast %jit3A_68 : i32 to vector<16xi32>
    %select_n3A_70 = arith.select %gt3A_67, %broadcast_in_dim3A_69, %select_n3A_61 : vector<16xi1>, vector<16xi32>
    %select_n3A_71 = arith.select %gt3A_67, %get3A_66, %select_n3A_62 : vector<16xi1>, vector<16xf32>
    %add3A_72 = arith.constant 80 : i32
    %add3A_73 = arith.addi %add3A_72, %mul3A_35 : i32
    %get3A_74 = arith.index_cast %add3A_73 : i32 to index
    %get3A_75 = tpu.vector_load %arg8[%get3A_74] {strides = array<i32>} : memref<1168xf32, #tpu.memory_space<vmem>>, vector<16xf32>,
    %gt3A_76 = arith.cmpf ogt, %get3A_75, %select_n3A_71 : vector<16xf32>
    %jit3A_77 = arith.constant 5 : i32
    %broadcast_in_dim3A_78 = vector.broadcast %jit3A_77 : i32 to vector<16xi32>
    %select_n3A_79 = arith.select %gt3A_76, %broadcast_in_dim3A_78, %select_n3A_70 : vector<16xi1>, vector<16xi32>
    %select_n3A_80 = arith.select %gt3A_76, %get3A_75, %select_n3A_71 : vector<16xi1>, vector<16xf32>
    %add3A_81 = arith.constant 96 : i32
    %add3A_82 = arith.addi %add3A_81, %mul3A_35 : i32
    %get3A_83 = arith.index_cast %add3A_82 : i32 to index
    %get3A_84 = tpu.vector_load %arg8[%get3A_83] {strides = array<i32>} : memref<1168xf32, #tpu.memory_space<vmem>>, vector<16xf32>,
    %gt3A_85 = arith.cmpf ogt, %get3A_84, %select_n3A_80 : vector<16xf32>
    %jit3A_86 = arith.constant 6 : i32
    %broadcast_in_dim3A_87 = vector.broadcast %jit3A_86 : i32 to vector<16xi32>
    %select_n3A_88 = arith.select %gt3A_85, %broadcast_in_dim3A_87, %select_n3A_79 : vector<16xi1>, vector<16xi32>
    %select_n3A_89 = arith.select %gt3A_85, %get3A_84, %select_n3A_80 : vector<16xi1>, vector<16xf32>
    %add3A_90 = arith.constant 112 : i32
    %add3A_91 = arith.addi %add3A_90, %mul3A_35 : i32
    %get3A_92 = arith.index_cast %add3A_91 : i32 to index
    %get3A_93 = tpu.vector_load %arg8[%get3A_92] {strides = array<i32>} : memref<1168xf32, #tpu.memory_space<vmem>>, vector<16xf32>,
    %gt3A_94 = arith.cmpf ogt, %get3A_93, %select_n3A_89 : vector<16xf32>
    %jit3A_95 = arith.constant 7 : i32
    %broadcast_in_dim3A_96 = vector.broadcast %jit3A_95 : i32 to vector<16xi32>
    %select_n3A_97 = arith.select %gt3A_94, %broadcast_in_dim3A_96, %select_n3A_88 : vector<16xi1>, vector<16xi32>
    %select_n3A_98 = arith.select %gt3A_94, %get3A_93, %select_n3A_89 : vector<16xi1>, vector<16xf32>
    %add3A_99 = arith.constant 128 : i32
    %add3A_100 = arith.addi %add3A_99, %mul3A_35 : i32
    %get3A_101 = arith.index_cast %add3A_100 : i32 to index
    %get3A_102 = tpu.vector_load %arg8[%get3A_101] {strides = array<i32>} : memref<1168xf32, #tpu.memory_space<vmem>>, vector<16xf32>,
    %gt3A_103 = arith.cmpf ogt, %get3A_102, %select_n3A_98 : vector<16xf32>
    %jit3A_104 = arith.constant 8 : i32
    %broadcast_in_dim3A_105 = vector.broadcast %jit3A_104 : i32 to vector<16xi32>
    %select_n3A_106 = arith.select %gt3A_103, %broadcast_in_dim3A_105, %select_n3A_97 : vector<16xi1>, vector<16xi32>
    %select_n3A_107 = arith.select %gt3A_103, %get3A_102, %select_n3A_98 : vector<16xi1>, vector<16xf32>
    %add3A_108 = arith.constant 144 : i32
    %add3A_109 = arith.addi %add3A_108, %mul3A_35 : i32
    %get3A_110 = arith.index_cast %add3A_109 : i32 to index
    %get3A_111 = tpu.vector_load %arg8[%get3A_110] {strides = array<i32>} : memref<1168xf32, #tpu.memory_space<vmem>>, vector<16xf32>,
    %gt3A_112 = arith.cmpf ogt, %get3A_111, %select_n3A_107 : vector<16xf32>
    %jit3A_113 = arith.constant 9 : i32
    %broadcast_in_dim3A_114 = vector.broadcast %jit3A_113 : i32 to vector<16xi32>
    %select_n3A_115 = arith.select %gt3A_112, %broadcast_in_dim3A_114, %select_n3A_106 : vector<16xi1>, vector<16xi32>
    %select_n3A_116 = arith.select %gt3A_112, %get3A_111, %select_n3A_107 : vector<16xi1>, vector<16xf32>
    %add3A_117 = arith.constant 160 : i32
    %add3A_118 = arith.addi %add3A_117, %mul3A_35 : i32
    %get3A_119 = arith.index_cast %add3A_118 : i32 to index
    %get3A_120 = tpu.vector_load %arg8[%get3A_119] {strides = array<i32>} : memref<1168xf32, #tpu.memory_space<vmem>>, vector<16xf32>,
    %gt3A_121 = arith.cmpf ogt, %get3A_120, %select_n3A_116 : vector<16xf32>
    %jit3A_122 = arith.constant 10 : i32
    %broadcast_in_dim3A_123 = vector.broadcast %jit3A_122 : i32 to vector<16xi32>
    %select_n3A_124 = arith.select %gt3A_121, %broadcast_in_dim3A_123, %select_n3A_115 : vector<16xi1>, vector<16xi32>
    %select_n3A_125 = arith.select %gt3A_121, %get3A_120, %select_n3A_116 : vector<16xi1>, vector<16xf32>
    %add3A_126 = arith.constant 176 : i32
    %add3A_127 = arith.addi %add3A_126, %mul3A_35 : i32
    %get3A_128 = arith.index_cast %add3A_127 : i32 to index
    %get3A_129 = tpu.vector_load %arg8[%get3A_128] {strides = array<i32>} : memref<1168xf32, #tpu.memory_space<vmem>>, vector<16xf32>,
    %gt3A_130 = arith.cmpf ogt, %get3A_129, %select_n3A_125 : vector<16xf32>
    %jit3A_131 = arith.constant 11 : i32
    %broadcast_in_dim3A_132 = vector.broadcast %jit3A_131 : i32 to vector<16xi32>
    %select_n3A_133 = arith.select %gt3A_130, %broadcast_in_dim3A_132, %select_n3A_124 : vector<16xi1>, vector<16xi32>
    %select_n3A_134 = arith.select %gt3A_130, %get3A_129, %select_n3A_125 : vector<16xi1>, vector<16xf32>
    %add3A_135 = arith.constant 192 : i32
    %add3A_136 = arith.addi %add3A_135, %mul3A_35 : i32
    %get3A_137 = arith.index_cast %add3A_136 : i32 to index
    %get3A_138 = tpu.vector_load %arg8[%get3A_137] {strides = array<i32>} : memref<1168xf32, #tpu.memory_space<vmem>>, vector<16xf32>,
    %gt3A_139 = arith.cmpf ogt, %get3A_138, %select_n3A_134 : vector<16xf32>
    %jit3A_140 = arith.constant 12 : i32
    %broadcast_in_dim3A_141 = vector.broadcast %jit3A_140 : i32 to vector<16xi32>
    %select_n3A_142 = arith.select %gt3A_139, %broadcast_in_dim3A_141, %select_n3A_133 : vector<16xi1>, vector<16xi32>
    %select_n3A_143 = arith.select %gt3A_139, %get3A_138, %select_n3A_134 : vector<16xi1>, vector<16xf32>
    %add3A_144 = arith.constant 208 : i32
    %add3A_145 = arith.addi %add3A_144, %mul3A_35 : i32
    %get3A_146 = arith.index_cast %add3A_145 : i32 to index
    %get3A_147 = tpu.vector_load %arg8[%get3A_146] {strides = array<i32>} : memref<1168xf32, #tpu.memory_space<vmem>>, vector<16xf32>,
    %gt3A_148 = arith.cmpf ogt, %get3A_147, %select_n3A_143 : vector<16xf32>
    %jit3A_149 = arith.constant 13 : i32
    %broadcast_in_dim3A_150 = vector.broadcast %jit3A_149 : i32 to vector<16xi32>
    %select_n3A_151 = arith.select %gt3A_148, %broadcast_in_dim3A_150, %select_n3A_142 : vector<16xi1>, vector<16xi32>
    %select_n3A_152 = arith.select %gt3A_148, %get3A_147, %select_n3A_143 : vector<16xi1>, vector<16xf32>
    %add3A_153 = arith.constant 224 : i32
    %add3A_154 = arith.addi %add3A_153, %mul3A_35 : i32
    %get3A_155 = arith.index_cast %add3A_154 : i32 to index
    %get3A_156 = tpu.vector_load %arg8[%get3A_155] {strides = array<i32>} : memref<1168xf32, #tpu.memory_space<vmem>>, vector<16xf32>,
    %gt3A_157 = arith.cmpf ogt, %get3A_156, %select_n3A_152 : vector<16xf32>
    %jit3A_158 = arith.constant 14 : i32
    %broadcast_in_dim3A_159 = vector.broadcast %jit3A_158 : i32 to vector<16xi32>
    %select_n3A_160 = arith.select %gt3A_157, %broadcast_in_dim3A_159, %select_n3A_151 : vector<16xi1>, vector<16xi32>
    %select_n3A_161 = arith.select %gt3A_157, %get3A_156, %select_n3A_152 : vector<16xi1>, vector<16xf32>
    %add3A_162 = arith.constant 240 : i32
    %add3A_163 = arith.addi %add3A_162, %mul3A_35 : i32
    %get3A_164 = arith.index_cast %add3A_163 : i32 to index
    %get3A_165 = tpu.vector_load %arg8[%get3A_164] {strides = array<i32>} : memref<1168xf32, #tpu.memory_space<vmem>>, vector<16xf32>,
    %gt3A_166 = arith.cmpf ogt, %get3A_165, %select_n3A_161 : vector<16xf32>
    %jit3A_167 = arith.constant 15 : i32
    %broadcast_in_dim3A_168 = vector.broadcast %jit3A_167 : i32 to vector<16xi32>
    %select_n3A_169 = arith.select %gt3A_166, %broadcast_in_dim3A_168, %select_n3A_160 : vector<16xi1>, vector<16xi32>
    %select_n3A_170 = arith.select %gt3A_166, %get3A_165, %select_n3A_161 : vector<16xi1>, vector<16xf32>
    %add3A_171 = arith.constant 256 : i32
    %add3A_172 = arith.addi %add3A_171, %mul3A_35 : i32
    %get3A_173 = arith.index_cast %add3A_172 : i32 to index
    %get3A_174 = tpu.vector_load %arg8[%get3A_173] {strides = array<i32>} : memref<1168xf32, #tpu.memory_space<vmem>>, vector<16xf32>,
    %gt3A_175 = arith.cmpf ogt, %get3A_174, %select_n3A_170 : vector<16xf32>
    %jit3A_176 = arith.constant 16 : i32
    %broadcast_in_dim3A_177 = vector.broadcast %jit3A_176 : i32 to vector<16xi32>
    %select_n3A_178 = arith.select %gt3A_175, %broadcast_in_dim3A_177, %select_n3A_169 : vector<16xi1>, vector<16xi32>
    %select_n3A_179 = arith.select %gt3A_175, %get3A_174, %select_n3A_170 : vector<16xi1>, vector<16xf32>
    %add3A_180 = arith.constant 272 : i32
    %add3A_181 = arith.addi %add3A_180, %mul3A_35 : i32
    %get3A_182 = arith.index_cast %add3A_181 : i32 to index
    %get3A_183 = tpu.vector_load %arg8[%get3A_182] {strides = array<i32>} : memref<1168xf32, #tpu.memory_space<vmem>>, vector<16xf32>,
    %gt3A_184 = arith.cmpf ogt, %get3A_183, %select_n3A_179 : vector<16xf32>
    %jit3A_185 = arith.constant 17 : i32
    %broadcast_in_dim3A_186 = vector.broadcast %jit3A_185 : i32 to vector<16xi32>
    %select_n3A_187 = arith.select %gt3A_184, %broadcast_in_dim3A_186, %select_n3A_178 : vector<16xi1>, vector<16xi32>
    %select_n3A_188 = arith.select %gt3A_184, %get3A_183, %select_n3A_179 : vector<16xi1>, vector<16xf32>
    %add3A_189 = arith.constant 288 : i32
    %add3A_190 = arith.addi %add3A_189, %mul3A_35 : i32
    %get3A_191 = arith.index_cast %add3A_190 : i32 to index
    %get3A_192 = tpu.vector_load %arg8[%get3A_191] {strides = array<i32>} : memref<1168xf32, #tpu.memory_space<vmem>>, vector<16xf32>,
    %gt3A_193 = arith.cmpf ogt, %get3A_192, %select_n3A_188 : vector<16xf32>
    %jit3A_194 = arith.constant 18 : i32
    %broadcast_in_dim3A_195 = vector.broadcast %jit3A_194 : i32 to vector<16xi32>
    %select_n3A_196 = arith.select %gt3A_193, %broadcast_in_dim3A_195, %select_n3A_187 : vector<16xi1>, vector<16xi32>
    %select_n3A_197 = arith.select %gt3A_193, %get3A_192, %select_n3A_188 : vector<16xi1>, vector<16xf32>
    %add3A_198 = arith.constant 304 : i32
    %add3A_199 = arith.addi %add3A_198, %mul3A_35 : i32
    %get3A_200 = arith.index_cast %add3A_199 : i32 to index
    %get3A_201 = tpu.vector_load %arg8[%get3A_200] {strides = array<i32>} : memref<1168xf32, #tpu.memory_space<vmem>>, vector<16xf32>,
    %gt3A_202 = arith.cmpf ogt, %get3A_201, %select_n3A_197 : vector<16xf32>
    %jit3A_203 = arith.constant 19 : i32
    %broadcast_in_dim3A_204 = vector.broadcast %jit3A_203 : i32 to vector<16xi32>
    %select_n3A_205 = arith.select %gt3A_202, %broadcast_in_dim3A_204, %select_n3A_196 : vector<16xi1>, vector<16xi32>
    %select_n3A_206 = arith.select %gt3A_202, %get3A_201, %select_n3A_197 : vector<16xi1>, vector<16xf32>
    %add3A_207 = arith.constant 320 : i32
    %add3A_208 = arith.addi %add3A_207, %mul3A_35 : i32
    %get3A_209 = arith.index_cast %add3A_208 : i32 to index
    %get3A_210 = tpu.vector_load %arg8[%get3A_209] {strides = array<i32>} : memref<1168xf32, #tpu.memory_space<vmem>>, vector<16xf32>,
    %gt3A_211 = arith.cmpf ogt, %get3A_210, %select_n3A_206 : vector<16xf32>
    %jit3A_212 = arith.constant 20 : i32
    %broadcast_in_dim3A_213 = vector.broadcast %jit3A_212 : i32 to vector<16xi32>
    %select_n3A_214 = arith.select %gt3A_211, %broadcast_in_dim3A_213, %select_n3A_205 : vector<16xi1>, vector<16xi32>
    %select_n3A_215 = arith.select %gt3A_211, %get3A_210, %select_n3A_206 : vector<16xi1>, vector<16xf32>
    %add3A_216 = arith.constant 336 : i32
    %add3A_217 = arith.addi %add3A_216, %mul3A_35 : i32
    %get3A_218 = arith.index_cast %add3A_217 : i32 to index
    %get3A_219 = tpu.vector_load %arg8[%get3A_218] {strides = array<i32>} : memref<1168xf32, #tpu.memory_space<vmem>>, vector<16xf32>,
    %gt3A_220 = arith.cmpf ogt, %get3A_219, %select_n3A_215 : vector<16xf32>
    %jit3A_221 = arith.constant 21 : i32
    %broadcast_in_dim3A_222 = vector.broadcast %jit3A_221 : i32 to vector<16xi32>
    %select_n3A_223 = arith.select %gt3A_220, %broadcast_in_dim3A_222, %select_n3A_214 : vector<16xi1>, vector<16xi32>
    %select_n3A_224 = arith.select %gt3A_220, %get3A_219, %select_n3A_215 : vector<16xi1>, vector<16xf32>
    %add3A_225 = arith.constant 352 : i32
    %add3A_226 = arith.addi %add3A_225, %mul3A_35 : i32
    %get3A_227 = arith.index_cast %add3A_226 : i32 to index
    %get3A_228 = tpu.vector_load %arg8[%get3A_227] {strides = array<i32>} : memref<1168xf32, #tpu.memory_space<vmem>>, vector<16xf32>,
    %gt3A_229 = arith.cmpf ogt, %get3A_228, %select_n3A_224 : vector<16xf32>
    %jit3A_230 = arith.constant 22 : i32
    %broadcast_in_dim3A_231 = vector.broadcast %jit3A_230 : i32 to vector<16xi32>
    %select_n3A_232 = arith.select %gt3A_229, %broadcast_in_dim3A_231, %select_n3A_223 : vector<16xi1>, vector<16xi32>
    %select_n3A_233 = arith.select %gt3A_229, %get3A_228, %select_n3A_224 : vector<16xi1>, vector<16xf32>
    %add3A_234 = arith.constant 368 : i32
    %add3A_235 = arith.addi %add3A_234, %mul3A_35 : i32
    %get3A_236 = arith.index_cast %add3A_235 : i32 to index
    %get3A_237 = tpu.vector_load %arg8[%get3A_236] {strides = array<i32>} : memref<1168xf32, #tpu.memory_space<vmem>>, vector<16xf32>,
    %gt3A_238 = arith.cmpf ogt, %get3A_237, %select_n3A_233 : vector<16xf32>
    %jit3A_239 = arith.constant 23 : i32
    %broadcast_in_dim3A_240 = vector.broadcast %jit3A_239 : i32 to vector<16xi32>
    %select_n3A_241 = arith.select %gt3A_238, %broadcast_in_dim3A_240, %select_n3A_232 : vector<16xi1>, vector<16xi32>
    %select_n3A_242 = arith.select %gt3A_238, %get3A_237, %select_n3A_233 : vector<16xi1>, vector<16xf32>
    %add3A_243 = arith.constant 384 : i32
    %add3A_244 = arith.addi %add3A_243, %mul3A_35 : i32
    %get3A_245 = arith.index_cast %add3A_244 : i32 to index
    %get3A_246 = tpu.vector_load %arg8[%get3A_245] {strides = array<i32>} : memref<1168xf32, #tpu.memory_space<vmem>>, vector<16xf32>,
    %gt3A_247 = arith.cmpf ogt, %get3A_246, %select_n3A_242 : vector<16xf32>
    %jit3A_248 = arith.constant 24 : i32
    %broadcast_in_dim3A_249 = vector.broadcast %jit3A_248 : i32 to vector<16xi32>
    %select_n3A_250 = arith.select %gt3A_247, %broadcast_in_dim3A_249, %select_n3A_241 : vector<16xi1>, vector<16xi32>
    %select_n3A_251 = arith.select %gt3A_247, %get3A_246, %select_n3A_242 : vector<16xi1>, vector<16xf32>
    %add3A_252 = arith.constant 400 : i32
    %add3A_253 = arith.addi %add3A_252, %mul3A_35 : i32
    %get3A_254 = arith.index_cast %add3A_253 : i32 to index
    %get3A_255 = tpu.vector_load %arg8[%get3A_254] {strides = array<i32>} : memref<1168xf32, #tpu.memory_space<vmem>>, vector<16xf32>,
    %gt3A_256 = arith.cmpf ogt, %get3A_255, %select_n3A_251 : vector<16xf32>
    %jit3A_257 = arith.constant 25 : i32
    %broadcast_in_dim3A_258 = vector.broadcast %jit3A_257 : i32 to vector<16xi32>
    %select_n3A_259 = arith.select %gt3A_256, %broadcast_in_dim3A_258, %select_n3A_250 : vector<16xi1>, vector<16xi32>
    %select_n3A_260 = arith.select %gt3A_256, %get3A_255, %select_n3A_251 : vector<16xi1>, vector<16xf32>
    %add3A_261 = arith.constant 416 : i32
    %add3A_262 = arith.addi %add3A_261, %mul3A_35 : i32
    %get3A_263 = arith.index_cast %add3A_262 : i32 to index
    %get3A_264 = tpu.vector_load %arg8[%get3A_263] {strides = array<i32>} : memref<1168xf32, #tpu.memory_space<vmem>>, vector<16xf32>,
    %gt3A_265 = arith.cmpf ogt, %get3A_264, %select_n3A_260 : vector<16xf32>
    %jit3A_266 = arith.constant 26 : i32
    %broadcast_in_dim3A_267 = vector.broadcast %jit3A_266 : i32 to vector<16xi32>
    %select_n3A_268 = arith.select %gt3A_265, %broadcast_in_dim3A_267, %select_n3A_259 : vector<16xi1>, vector<16xi32>
    %select_n3A_269 = arith.select %gt3A_265, %get3A_264, %select_n3A_260 : vector<16xi1>, vector<16xf32>
    %add3A_270 = arith.constant 432 : i32
    %add3A_271 = arith.addi %add3A_270, %mul3A_35 : i32
    %get3A_272 = arith.index_cast %add3A_271 : i32 to index
    %get3A_273 = tpu.vector_load %arg8[%get3A_272] {strides = array<i32>} : memref<1168xf32, #tpu.memory_space<vmem>>, vector<16xf32>,
    %gt3A_274 = arith.cmpf ogt, %get3A_273, %select_n3A_269 : vector<16xf32>
    %jit3A_275 = arith.constant 27 : i32
    %broadcast_in_dim3A_276 = vector.broadcast %jit3A_275 : i32 to vector<16xi32>
    %select_n3A_277 = arith.select %gt3A_274, %broadcast_in_dim3A_276, %select_n3A_268 : vector<16xi1>, vector<16xi32>
    %select_n3A_278 = arith.select %gt3A_274, %get3A_273, %select_n3A_269 : vector<16xi1>, vector<16xf32>
    %add3A_279 = arith.constant 448 : i32
    %add3A_280 = arith.addi %add3A_279, %mul3A_35 : i32
    %get3A_281 = arith.index_cast %add3A_280 : i32 to index
    %get3A_282 = tpu.vector_load %arg8[%get3A_281] {strides = array<i32>} : memref<1168xf32, #tpu.memory_space<vmem>>, vector<16xf32>,
    %gt3A_283 = arith.cmpf ogt, %get3A_282, %select_n3A_278 : vector<16xf32>
    %jit3A_284 = arith.constant 28 : i32
    %broadcast_in_dim3A_285 = vector.broadcast %jit3A_284 : i32 to vector<16xi32>
    %select_n3A_286 = arith.select %gt3A_283, %broadcast_in_dim3A_285, %select_n3A_277 : vector<16xi1>, vector<16xi32>
    %select_n3A_287 = arith.select %gt3A_283, %get3A_282, %select_n3A_278 : vector<16xi1>, vector<16xf32>
    %add3A_288 = arith.constant 464 : i32
    %add3A_289 = arith.addi %add3A_288, %mul3A_35 : i32
    %get3A_290 = arith.index_cast %add3A_289 : i32 to index
    %get3A_291 = tpu.vector_load %arg8[%get3A_290] {strides = array<i32>} : memref<1168xf32, #tpu.memory_space<vmem>>, vector<16xf32>,
    %gt3A_292 = arith.cmpf ogt, %get3A_291, %select_n3A_287 : vector<16xf32>
    %jit3A_293 = arith.constant 29 : i32
    %broadcast_in_dim3A_294 = vector.broadcast %jit3A_293 : i32 to vector<16xi32>
    %select_n3A_295 = arith.select %gt3A_292, %broadcast_in_dim3A_294, %select_n3A_286 : vector<16xi1>, vector<16xi32>
    %select_n3A_296 = arith.select %gt3A_292, %get3A_291, %select_n3A_287 : vector<16xi1>, vector<16xf32>
    %add3A_297 = arith.constant 480 : i32
    %add3A_298 = arith.addi %add3A_297, %mul3A_35 : i32
    %get3A_299 = arith.index_cast %add3A_298 : i32 to index
    %get3A_300 = tpu.vector_load %arg8[%get3A_299] {strides = array<i32>} : memref<1168xf32, #tpu.memory_space<vmem>>, vector<16xf32>,
    %gt3A_301 = arith.cmpf ogt, %get3A_300, %select_n3A_296 : vector<16xf32>
    %jit3A_302 = arith.constant 30 : i32
    %broadcast_in_dim3A_303 = vector.broadcast %jit3A_302 : i32 to vector<16xi32>
    %select_n3A_304 = arith.select %gt3A_301, %broadcast_in_dim3A_303, %select_n3A_295 : vector<16xi1>, vector<16xi32>
    %select_n3A_305 = arith.select %gt3A_301, %get3A_300, %select_n3A_296 : vector<16xi1>, vector<16xf32>
    %add3A_306 = arith.constant 496 : i32
    %add3A_307 = arith.addi %add3A_306, %mul3A_35 : i32
    %get3A_308 = arith.index_cast %add3A_307 : i32 to index
    %get3A_309 = tpu.vector_load %arg8[%get3A_308] {strides = array<i32>} : memref<1168xf32, #tpu.memory_space<vmem>>, vector<16xf32>,
    %gt3A_310 = arith.cmpf ogt, %get3A_309, %select_n3A_305 : vector<16xf32>
    %jit3A_311 = arith.constant 31 : i32
    %broadcast_in_dim3A_312 = vector.broadcast %jit3A_311 : i32 to vector<16xi32>
    %select_n3A_313 = arith.select %gt3A_310, %broadcast_in_dim3A_312, %select_n3A_304 : vector<16xi1>, vector<16xi32>
    %select_n3A_314 = arith.select %gt3A_310, %get3A_309, %select_n3A_305 : vector<16xi1>, vector<16xf32>
    %add3A_315 = arith.constant 512 : i32
    %add3A_316 = arith.addi %add3A_315, %mul3A_35 : i32
    %get3A_317 = arith.index_cast %add3A_316 : i32 to index
    %get3A_318 = tpu.vector_load %arg8[%get3A_317] {strides = array<i32>} : memref<1168xf32, #tpu.memory_space<vmem>>, vector<16xf32>,
    %gt3A_319 = arith.cmpf ogt, %get3A_318, %select_n3A_314 : vector<16xf32>
    %jit3A_320 = arith.constant 32 : i32
    %broadcast_in_dim3A_321 = vector.broadcast %jit3A_320 : i32 to vector<16xi32>
    %select_n3A_322 = arith.select %gt3A_319, %broadcast_in_dim3A_321, %select_n3A_313 : vector<16xi1>, vector<16xi32>
    %select_n3A_323 = arith.select %gt3A_319, %get3A_318, %select_n3A_314 : vector<16xi1>, vector<16xf32>
    %add3A_324 = arith.constant 528 : i32
    %add3A_325 = arith.addi %add3A_324, %mul3A_35 : i32
    %get3A_326 = arith.index_cast %add3A_325 : i32 to index
    %get3A_327 = tpu.vector_load %arg8[%get3A_326] {strides = array<i32>} : memref<1168xf32, #tpu.memory_space<vmem>>, vector<16xf32>,
    %gt3A_328 = arith.cmpf ogt, %get3A_327, %select_n3A_323 : vector<16xf32>
    %jit3A_329 = arith.constant 33 : i32
    %broadcast_in_dim3A_330 = vector.broadcast %jit3A_329 : i32 to vector<16xi32>
    %select_n3A_331 = arith.select %gt3A_328, %broadcast_in_dim3A_330, %select_n3A_322 : vector<16xi1>, vector<16xi32>
    %select_n3A_332 = arith.select %gt3A_328, %get3A_327, %select_n3A_323 : vector<16xi1>, vector<16xf32>
    %add3A_333 = arith.constant 544 : i32
    %add3A_334 = arith.addi %add3A_333, %mul3A_35 : i32
    %get3A_335 = arith.index_cast %add3A_334 : i32 to index
    %get3A_336 = tpu.vector_load %arg8[%get3A_335] {strides = array<i32>} : memref<1168xf32, #tpu.memory_space<vmem>>, vector<16xf32>,
    %gt3A_337 = arith.cmpf ogt, %get3A_336, %select_n3A_332 : vector<16xf32>
    %jit3A_338 = arith.constant 34 : i32
    %broadcast_in_dim3A_339 = vector.broadcast %jit3A_338 : i32 to vector<16xi32>
    %select_n3A_340 = arith.select %gt3A_337, %broadcast_in_dim3A_339, %select_n3A_331 : vector<16xi1>, vector<16xi32>
    %select_n3A_341 = arith.select %gt3A_337, %get3A_336, %select_n3A_332 : vector<16xi1>, vector<16xf32>
    %add3A_342 = arith.constant 560 : i32
    %add3A_343 = arith.addi %add3A_342, %mul3A_35 : i32
    %get3A_344 = arith.index_cast %add3A_343 : i32 to index
    %get3A_345 = tpu.vector_load %arg8[%get3A_344] {strides = array<i32>} : memref<1168xf32, #tpu.memory_space<vmem>>, vector<16xf32>,
    %gt3A_346 = arith.cmpf ogt, %get3A_345, %select_n3A_341 : vector<16xf32>
    %jit3A_347 = arith.constant 35 : i32
    %broadcast_in_dim3A_348 = vector.broadcast %jit3A_347 : i32 to vector<16xi32>
    %select_n3A_349 = arith.select %gt3A_346, %broadcast_in_dim3A_348, %select_n3A_340 : vector<16xi1>, vector<16xi32>
    %select_n3A_350 = arith.select %gt3A_346, %get3A_345, %select_n3A_341 : vector<16xi1>, vector<16xf32>
    %add3A_351 = arith.constant 576 : i32
    %add3A_352 = arith.addi %add3A_351, %mul3A_35 : i32
    %get3A_353 = arith.index_cast %add3A_352 : i32 to index
    %get3A_354 = tpu.vector_load %arg8[%get3A_353] {strides = array<i32>} : memref<1168xf32, #tpu.memory_space<vmem>>, vector<16xf32>,
    %gt3A_355 = arith.cmpf ogt, %get3A_354, %select_n3A_350 : vector<16xf32>
    %jit3A_356 = arith.constant 36 : i32
    %broadcast_in_dim3A_357 = vector.broadcast %jit3A_356 : i32 to vector<16xi32>
    %select_n3A_358 = arith.select %gt3A_355, %broadcast_in_dim3A_357, %select_n3A_349 : vector<16xi1>, vector<16xi32>
    %select_n3A_359 = arith.select %gt3A_355, %get3A_354, %select_n3A_350 : vector<16xi1>, vector<16xf32>
    %add3A_360 = arith.constant 592 : i32
    %add3A_361 = arith.addi %add3A_360, %mul3A_35 : i32
    %get3A_362 = arith.index_cast %add3A_361 : i32 to index
    %get3A_363 = tpu.vector_load %arg8[%get3A_362] {strides = array<i32>} : memref<1168xf32, #tpu.memory_space<vmem>>, vector<16xf32>,
    %gt3A_364 = arith.cmpf ogt, %get3A_363, %select_n3A_359 : vector<16xf32>
    %jit3A_365 = arith.constant 37 : i32
    %broadcast_in_dim3A_366 = vector.broadcast %jit3A_365 : i32 to vector<16xi32>
    %select_n3A_367 = arith.select %gt3A_364, %broadcast_in_dim3A_366, %select_n3A_358 : vector<16xi1>, vector<16xi32>
    %select_n3A_368 = arith.select %gt3A_364, %get3A_363, %select_n3A_359 : vector<16xi1>, vector<16xf32>
    %add3A_369 = arith.constant 608 : i32
    %add3A_370 = arith.addi %add3A_369, %mul3A_35 : i32
    %get3A_371 = arith.index_cast %add3A_370 : i32 to index
    %get3A_372 = tpu.vector_load %arg8[%get3A_371] {strides = array<i32>} : memref<1168xf32, #tpu.memory_space<vmem>>, vector<16xf32>,
    %gt3A_373 = arith.cmpf ogt, %get3A_372, %select_n3A_368 : vector<16xf32>
    %jit3A_374 = arith.constant 38 : i32
    %broadcast_in_dim3A_375 = vector.broadcast %jit3A_374 : i32 to vector<16xi32>
    %select_n3A_376 = arith.select %gt3A_373, %broadcast_in_dim3A_375, %select_n3A_367 : vector<16xi1>, vector<16xi32>
    %select_n3A_377 = arith.select %gt3A_373, %get3A_372, %select_n3A_368 : vector<16xi1>, vector<16xf32>
    %add3A_378 = arith.constant 624 : i32
    %add3A_379 = arith.addi %add3A_378, %mul3A_35 : i32
    %get3A_380 = arith.index_cast %add3A_379 : i32 to index
    %get3A_381 = tpu.vector_load %arg8[%get3A_380] {strides = array<i32>} : memref<1168xf32, #tpu.memory_space<vmem>>, vector<16xf32>,
    %gt3A_382 = arith.cmpf ogt, %get3A_381, %select_n3A_377 : vector<16xf32>
    %jit3A_383 = arith.constant 39 : i32
    %broadcast_in_dim3A_384 = vector.broadcast %jit3A_383 : i32 to vector<16xi32>
    %select_n3A_385 = arith.select %gt3A_382, %broadcast_in_dim3A_384, %select_n3A_376 : vector<16xi1>, vector<16xi32>
    %select_n3A_386 = arith.select %gt3A_382, %get3A_381, %select_n3A_377 : vector<16xi1>, vector<16xf32>
    %add3A_387 = arith.constant 640 : i32
    %add3A_388 = arith.addi %add3A_387, %mul3A_35 : i32
    %get3A_389 = arith.index_cast %add3A_388 : i32 to index
    %get3A_390 = tpu.vector_load %arg8[%get3A_389] {strides = array<i32>} : memref<1168xf32, #tpu.memory_space<vmem>>, vector<16xf32>,
    %gt3A_391 = arith.cmpf ogt, %get3A_390, %select_n3A_386 : vector<16xf32>
    %jit3A_392 = arith.constant 40 : i32
    %broadcast_in_dim3A_393 = vector.broadcast %jit3A_392 : i32 to vector<16xi32>
    %select_n3A_394 = arith.select %gt3A_391, %broadcast_in_dim3A_393, %select_n3A_385 : vector<16xi1>, vector<16xi32>
    %select_n3A_395 = arith.select %gt3A_391, %get3A_390, %select_n3A_386 : vector<16xi1>, vector<16xf32>
    %add3A_396 = arith.constant 656 : i32
    %add3A_397 = arith.addi %add3A_396, %mul3A_35 : i32
    %get3A_398 = arith.index_cast %add3A_397 : i32 to index
    %get3A_399 = tpu.vector_load %arg8[%get3A_398] {strides = array<i32>} : memref<1168xf32, #tpu.memory_space<vmem>>, vector<16xf32>,
    %gt3A_400 = arith.cmpf ogt, %get3A_399, %select_n3A_395 : vector<16xf32>
    %jit3A_401 = arith.constant 41 : i32
    %broadcast_in_dim3A_402 = vector.broadcast %jit3A_401 : i32 to vector<16xi32>
    %select_n3A_403 = arith.select %gt3A_400, %broadcast_in_dim3A_402, %select_n3A_394 : vector<16xi1>, vector<16xi32>
    %select_n3A_404 = arith.select %gt3A_400, %get3A_399, %select_n3A_395 : vector<16xi1>, vector<16xf32>
    %add3A_405 = arith.constant 672 : i32
    %add3A_406 = arith.addi %add3A_405, %mul3A_35 : i32
    %get3A_407 = arith.index_cast %add3A_406 : i32 to index
    %get3A_408 = tpu.vector_load %arg8[%get3A_407] {strides = array<i32>} : memref<1168xf32, #tpu.memory_space<vmem>>, vector<16xf32>,
    %gt3A_409 = arith.cmpf ogt, %get3A_408, %select_n3A_404 : vector<16xf32>
    %jit3A_410 = arith.constant 42 : i32
    %broadcast_in_dim3A_411 = vector.broadcast %jit3A_410 : i32 to vector<16xi32>
    %select_n3A_412 = arith.select %gt3A_409, %broadcast_in_dim3A_411, %select_n3A_403 : vector<16xi1>, vector<16xi32>
    %select_n3A_413 = arith.select %gt3A_409, %get3A_408, %select_n3A_404 : vector<16xi1>, vector<16xf32>
    %add3A_414 = arith.constant 688 : i32
    %add3A_415 = arith.addi %add3A_414, %mul3A_35 : i32
    %get3A_416 = arith.index_cast %add3A_415 : i32 to index
    %get3A_417 = tpu.vector_load %arg8[%get3A_416] {strides = array<i32>} : memref<1168xf32, #tpu.memory_space<vmem>>, vector<16xf32>,
    %gt3A_418 = arith.cmpf ogt, %get3A_417, %select_n3A_413 : vector<16xf32>
    %jit3A_419 = arith.constant 43 : i32
    %broadcast_in_dim3A_420 = vector.broadcast %jit3A_419 : i32 to vector<16xi32>
    %select_n3A_421 = arith.select %gt3A_418, %broadcast_in_dim3A_420, %select_n3A_412 : vector<16xi1>, vector<16xi32>
    %select_n3A_422 = arith.select %gt3A_418, %get3A_417, %select_n3A_413 : vector<16xi1>, vector<16xf32>
    %add3A_423 = arith.constant 704 : i32
    %add3A_424 = arith.addi %add3A_423, %mul3A_35 : i32
    %get3A_425 = arith.index_cast %add3A_424 : i32 to index
    %get3A_426 = tpu.vector_load %arg8[%get3A_425] {strides = array<i32>} : memref<1168xf32, #tpu.memory_space<vmem>>, vector<16xf32>,
    %gt3A_427 = arith.cmpf ogt, %get3A_426, %select_n3A_422 : vector<16xf32>
    %jit3A_428 = arith.constant 44 : i32
    %broadcast_in_dim3A_429 = vector.broadcast %jit3A_428 : i32 to vector<16xi32>
    %select_n3A_430 = arith.select %gt3A_427, %broadcast_in_dim3A_429, %select_n3A_421 : vector<16xi1>, vector<16xi32>
    %select_n3A_431 = arith.select %gt3A_427, %get3A_426, %select_n3A_422 : vector<16xi1>, vector<16xf32>
    %add3A_432 = arith.constant 720 : i32
    %add3A_433 = arith.addi %add3A_432, %mul3A_35 : i32
    %get3A_434 = arith.index_cast %add3A_433 : i32 to index
    %get3A_435 = tpu.vector_load %arg8[%get3A_434] {strides = array<i32>} : memref<1168xf32, #tpu.memory_space<vmem>>, vector<16xf32>,
    %gt3A_436 = arith.cmpf ogt, %get3A_435, %select_n3A_431 : vector<16xf32>
    %jit3A_437 = arith.constant 45 : i32
    %broadcast_in_dim3A_438 = vector.broadcast %jit3A_437 : i32 to vector<16xi32>
    %select_n3A_439 = arith.select %gt3A_436, %broadcast_in_dim3A_438, %select_n3A_430 : vector<16xi1>, vector<16xi32>
    %select_n3A_440 = arith.select %gt3A_436, %get3A_435, %select_n3A_431 : vector<16xi1>, vector<16xf32>
    %add3A_441 = arith.constant 736 : i32
    %add3A_442 = arith.addi %add3A_441, %mul3A_35 : i32
    %get3A_443 = arith.index_cast %add3A_442 : i32 to index
    %get3A_444 = tpu.vector_load %arg8[%get3A_443] {strides = array<i32>} : memref<1168xf32, #tpu.memory_space<vmem>>, vector<16xf32>,
    %gt3A_445 = arith.cmpf ogt, %get3A_444, %select_n3A_440 : vector<16xf32>
    %jit3A_446 = arith.constant 46 : i32
    %broadcast_in_dim3A_447 = vector.broadcast %jit3A_446 : i32 to vector<16xi32>
    %select_n3A_448 = arith.select %gt3A_445, %broadcast_in_dim3A_447, %select_n3A_439 : vector<16xi1>, vector<16xi32>
    %select_n3A_449 = arith.select %gt3A_445, %get3A_444, %select_n3A_440 : vector<16xi1>, vector<16xf32>
    %add3A_450 = arith.constant 752 : i32
    %add3A_451 = arith.addi %add3A_450, %mul3A_35 : i32
    %get3A_452 = arith.index_cast %add3A_451 : i32 to index
    %get3A_453 = tpu.vector_load %arg8[%get3A_452] {strides = array<i32>} : memref<1168xf32, #tpu.memory_space<vmem>>, vector<16xf32>,
    %gt3A_454 = arith.cmpf ogt, %get3A_453, %select_n3A_449 : vector<16xf32>
    %jit3A_455 = arith.constant 47 : i32
    %broadcast_in_dim3A_456 = vector.broadcast %jit3A_455 : i32 to vector<16xi32>
    %select_n3A_457 = arith.select %gt3A_454, %broadcast_in_dim3A_456, %select_n3A_448 : vector<16xi1>, vector<16xi32>
    %select_n3A_458 = arith.select %gt3A_454, %get3A_453, %select_n3A_449 : vector<16xi1>, vector<16xf32>
    %add3A_459 = arith.constant 768 : i32
    %add3A_460 = arith.addi %add3A_459, %mul3A_35 : i32
    %get3A_461 = arith.index_cast %add3A_460 : i32 to index
    %get3A_462 = tpu.vector_load %arg8[%get3A_461] {strides = array<i32>} : memref<1168xf32, #tpu.memory_space<vmem>>, vector<16xf32>,
    %gt3A_463 = arith.cmpf ogt, %get3A_462, %select_n3A_458 : vector<16xf32>
    %jit3A_464 = arith.constant 48 : i32
    %broadcast_in_dim3A_465 = vector.broadcast %jit3A_464 : i32 to vector<16xi32>
    %select_n3A_466 = arith.select %gt3A_463, %broadcast_in_dim3A_465, %select_n3A_457 : vector<16xi1>, vector<16xi32>
    %select_n3A_467 = arith.select %gt3A_463, %get3A_462, %select_n3A_458 : vector<16xi1>, vector<16xf32>
    %add3A_468 = arith.constant 784 : i32
    %add3A_469 = arith.addi %add3A_468, %mul3A_35 : i32
    %get3A_470 = arith.index_cast %add3A_469 : i32 to index
    %get3A_471 = tpu.vector_load %arg8[%get3A_470] {strides = array<i32>} : memref<1168xf32, #tpu.memory_space<vmem>>, vector<16xf32>,
    %gt3A_472 = arith.cmpf ogt, %get3A_471, %select_n3A_467 : vector<16xf32>
    %jit3A_473 = arith.constant 49 : i32
    %broadcast_in_dim3A_474 = vector.broadcast %jit3A_473 : i32 to vector<16xi32>
    %select_n3A_475 = arith.select %gt3A_472, %broadcast_in_dim3A_474, %select_n3A_466 : vector<16xi1>, vector<16xi32>
    %select_n3A_476 = arith.select %gt3A_472, %get3A_471, %select_n3A_467 : vector<16xi1>, vector<16xf32>
    %add3A_477 = arith.constant 800 : i32
    %add3A_478 = arith.addi %add3A_477, %mul3A_35 : i32
    %get3A_479 = arith.index_cast %add3A_478 : i32 to index
    %get3A_480 = tpu.vector_load %arg8[%get3A_479] {strides = array<i32>} : memref<1168xf32, #tpu.memory_space<vmem>>, vector<16xf32>,
    %gt3A_481 = arith.cmpf ogt, %get3A_480, %select_n3A_476 : vector<16xf32>
    %jit3A_482 = arith.constant 50 : i32
    %broadcast_in_dim3A_483 = vector.broadcast %jit3A_482 : i32 to vector<16xi32>
    %select_n3A_484 = arith.select %gt3A_481, %broadcast_in_dim3A_483, %select_n3A_475 : vector<16xi1>, vector<16xi32>
    %select_n3A_485 = arith.select %gt3A_481, %get3A_480, %select_n3A_476 : vector<16xi1>, vector<16xf32>
    %add3A_486 = arith.constant 816 : i32
    %add3A_487 = arith.addi %add3A_486, %mul3A_35 : i32
    %get3A_488 = arith.index_cast %add3A_487 : i32 to index
    %get3A_489 = tpu.vector_load %arg8[%get3A_488] {strides = array<i32>} : memref<1168xf32, #tpu.memory_space<vmem>>, vector<16xf32>,
    %gt3A_490 = arith.cmpf ogt, %get3A_489, %select_n3A_485 : vector<16xf32>
    %jit3A_491 = arith.constant 51 : i32
    %broadcast_in_dim3A_492 = vector.broadcast %jit3A_491 : i32 to vector<16xi32>
    %select_n3A_493 = arith.select %gt3A_490, %broadcast_in_dim3A_492, %select_n3A_484 : vector<16xi1>, vector<16xi32>
    %select_n3A_494 = arith.select %gt3A_490, %get3A_489, %select_n3A_485 : vector<16xi1>, vector<16xf32>
    %add3A_495 = arith.constant 832 : i32
    %add3A_496 = arith.addi %add3A_495, %mul3A_35 : i32
    %get3A_497 = arith.index_cast %add3A_496 : i32 to index
    %get3A_498 = tpu.vector_load %arg8[%get3A_497] {strides = array<i32>} : memref<1168xf32, #tpu.memory_space<vmem>>, vector<16xf32>,
    %gt3A_499 = arith.cmpf ogt, %get3A_498, %select_n3A_494 : vector<16xf32>
    %jit3A_500 = arith.constant 52 : i32
    %broadcast_in_dim3A_501 = vector.broadcast %jit3A_500 : i32 to vector<16xi32>
    %select_n3A_502 = arith.select %gt3A_499, %broadcast_in_dim3A_501, %select_n3A_493 : vector<16xi1>, vector<16xi32>
    %select_n3A_503 = arith.select %gt3A_499, %get3A_498, %select_n3A_494 : vector<16xi1>, vector<16xf32>
    %add3A_504 = arith.constant 848 : i32
    %add3A_505 = arith.addi %add3A_504, %mul3A_35 : i32
    %get3A_506 = arith.index_cast %add3A_505 : i32 to index
    %get3A_507 = tpu.vector_load %arg8[%get3A_506] {strides = array<i32>} : memref<1168xf32, #tpu.memory_space<vmem>>, vector<16xf32>,
    %gt3A_508 = arith.cmpf ogt, %get3A_507, %select_n3A_503 : vector<16xf32>
    %jit3A_509 = arith.constant 53 : i32
    %broadcast_in_dim3A_510 = vector.broadcast %jit3A_509 : i32 to vector<16xi32>
    %select_n3A_511 = arith.select %gt3A_508, %broadcast_in_dim3A_510, %select_n3A_502 : vector<16xi1>, vector<16xi32>
    %select_n3A_512 = arith.select %gt3A_508, %get3A_507, %select_n3A_503 : vector<16xi1>, vector<16xf32>
    %add3A_513 = arith.constant 864 : i32
    %add3A_514 = arith.addi %add3A_513, %mul3A_35 : i32
    %get3A_515 = arith.index_cast %add3A_514 : i32 to index
    %get3A_516 = tpu.vector_load %arg8[%get3A_515] {strides = array<i32>} : memref<1168xf32, #tpu.memory_space<vmem>>, vector<16xf32>,
    %gt3A_517 = arith.cmpf ogt, %get3A_516, %select_n3A_512 : vector<16xf32>
    %jit3A_518 = arith.constant 54 : i32
    %broadcast_in_dim3A_519 = vector.broadcast %jit3A_518 : i32 to vector<16xi32>
    %select_n3A_520 = arith.select %gt3A_517, %broadcast_in_dim3A_519, %select_n3A_511 : vector<16xi1>, vector<16xi32>
    %select_n3A_521 = arith.select %gt3A_517, %get3A_516, %select_n3A_512 : vector<16xi1>, vector<16xf32>
    %add3A_522 = arith.constant 880 : i32
    %add3A_523 = arith.addi %add3A_522, %mul3A_35 : i32
    %get3A_524 = arith.index_cast %add3A_523 : i32 to index
    %get3A_525 = tpu.vector_load %arg8[%get3A_524] {strides = array<i32>} : memref<1168xf32, #tpu.memory_space<vmem>>, vector<16xf32>,
    %gt3A_526 = arith.cmpf ogt, %get3A_525, %select_n3A_521 : vector<16xf32>
    %jit3A_527 = arith.constant 55 : i32
    %broadcast_in_dim3A_528 = vector.broadcast %jit3A_527 : i32 to vector<16xi32>
    %select_n3A_529 = arith.select %gt3A_526, %broadcast_in_dim3A_528, %select_n3A_520 : vector<16xi1>, vector<16xi32>
    %select_n3A_530 = arith.select %gt3A_526, %get3A_525, %select_n3A_521 : vector<16xi1>, vector<16xf32>
    %add3A_531 = arith.constant 896 : i32
    %add3A_532 = arith.addi %add3A_531, %mul3A_35 : i32
    %get3A_533 = arith.index_cast %add3A_532 : i32 to index
    %get3A_534 = tpu.vector_load %arg8[%get3A_533] {strides = array<i32>} : memref<1168xf32, #tpu.memory_space<vmem>>, vector<16xf32>,
    %gt3A_535 = arith.cmpf ogt, %get3A_534, %select_n3A_530 : vector<16xf32>
    %jit3A_536 = arith.constant 56 : i32
    %broadcast_in_dim3A_537 = vector.broadcast %jit3A_536 : i32 to vector<16xi32>
    %select_n3A_538 = arith.select %gt3A_535, %broadcast_in_dim3A_537, %select_n3A_529 : vector<16xi1>, vector<16xi32>
    %select_n3A_539 = arith.select %gt3A_535, %get3A_534, %select_n3A_530 : vector<16xi1>, vector<16xf32>
    %add3A_540 = arith.constant 912 : i32
    %add3A_541 = arith.addi %add3A_540, %mul3A_35 : i32
    %get3A_542 = arith.index_cast %add3A_541 : i32 to index
    %get3A_543 = tpu.vector_load %arg8[%get3A_542] {strides = array<i32>} : memref<1168xf32, #tpu.memory_space<vmem>>, vector<16xf32>,
    %gt3A_544 = arith.cmpf ogt, %get3A_543, %select_n3A_539 : vector<16xf32>
    %jit3A_545 = arith.constant 57 : i32
    %broadcast_in_dim3A_546 = vector.broadcast %jit3A_545 : i32 to vector<16xi32>
    %select_n3A_547 = arith.select %gt3A_544, %broadcast_in_dim3A_546, %select_n3A_538 : vector<16xi1>, vector<16xi32>
    %select_n3A_548 = arith.select %gt3A_544, %get3A_543, %select_n3A_539 : vector<16xi1>, vector<16xf32>
    %add3A_549 = arith.constant 928 : i32
    %add3A_550 = arith.addi %add3A_549, %mul3A_35 : i32
    %get3A_551 = arith.index_cast %add3A_550 : i32 to index
    %get3A_552 = tpu.vector_load %arg8[%get3A_551] {strides = array<i32>} : memref<1168xf32, #tpu.memory_space<vmem>>, vector<16xf32>,
    %gt3A_553 = arith.cmpf ogt, %get3A_552, %select_n3A_548 : vector<16xf32>
    %jit3A_554 = arith.constant 58 : i32
    %broadcast_in_dim3A_555 = vector.broadcast %jit3A_554 : i32 to vector<16xi32>
    %select_n3A_556 = arith.select %gt3A_553, %broadcast_in_dim3A_555, %select_n3A_547 : vector<16xi1>, vector<16xi32>
    %select_n3A_557 = arith.select %gt3A_553, %get3A_552, %select_n3A_548 : vector<16xi1>, vector<16xf32>
    %add3A_558 = arith.constant 944 : i32
    %add3A_559 = arith.addi %add3A_558, %mul3A_35 : i32
    %get3A_560 = arith.index_cast %add3A_559 : i32 to index
    %get3A_561 = tpu.vector_load %arg8[%get3A_560] {strides = array<i32>} : memref<1168xf32, #tpu.memory_space<vmem>>, vector<16xf32>,
    %gt3A_562 = arith.cmpf ogt, %get3A_561, %select_n3A_557 : vector<16xf32>
    %jit3A_563 = arith.constant 59 : i32
    %broadcast_in_dim3A_564 = vector.broadcast %jit3A_563 : i32 to vector<16xi32>
    %select_n3A_565 = arith.select %gt3A_562, %broadcast_in_dim3A_564, %select_n3A_556 : vector<16xi1>, vector<16xi32>
    %select_n3A_566 = arith.select %gt3A_562, %get3A_561, %select_n3A_557 : vector<16xi1>, vector<16xf32>
    %add3A_567 = arith.constant 960 : i32
    %add3A_568 = arith.addi %add3A_567, %mul3A_35 : i32
    %get3A_569 = arith.index_cast %add3A_568 : i32 to index
    %get3A_570 = tpu.vector_load %arg8[%get3A_569] {strides = array<i32>} : memref<1168xf32, #tpu.memory_space<vmem>>, vector<16xf32>,
    %gt3A_571 = arith.cmpf ogt, %get3A_570, %select_n3A_566 : vector<16xf32>
    %jit3A_572 = arith.constant 60 : i32
    %broadcast_in_dim3A_573 = vector.broadcast %jit3A_572 : i32 to vector<16xi32>
    %select_n3A_574 = arith.select %gt3A_571, %broadcast_in_dim3A_573, %select_n3A_565 : vector<16xi1>, vector<16xi32>
    %select_n3A_575 = arith.select %gt3A_571, %get3A_570, %select_n3A_566 : vector<16xi1>, vector<16xf32>
    %add3A_576 = arith.constant 976 : i32
    %add3A_577 = arith.addi %add3A_576, %mul3A_35 : i32
    %get3A_578 = arith.index_cast %add3A_577 : i32 to index
    %get3A_579 = tpu.vector_load %arg8[%get3A_578] {strides = array<i32>} : memref<1168xf32, #tpu.memory_space<vmem>>, vector<16xf32>,
    %gt3A_580 = arith.cmpf ogt, %get3A_579, %select_n3A_575 : vector<16xf32>
    %jit3A_581 = arith.constant 61 : i32
    %broadcast_in_dim3A_582 = vector.broadcast %jit3A_581 : i32 to vector<16xi32>
    %select_n3A_583 = arith.select %gt3A_580, %broadcast_in_dim3A_582, %select_n3A_574 : vector<16xi1>, vector<16xi32>
    %select_n3A_584 = arith.select %gt3A_580, %get3A_579, %select_n3A_575 : vector<16xi1>, vector<16xf32>
    %add3A_585 = arith.constant 992 : i32
    %add3A_586 = arith.addi %add3A_585, %mul3A_35 : i32
    %get3A_587 = arith.index_cast %add3A_586 : i32 to index
    %get3A_588 = tpu.vector_load %arg8[%get3A_587] {strides = array<i32>} : memref<1168xf32, #tpu.memory_space<vmem>>, vector<16xf32>,
    %gt3A_589 = arith.cmpf ogt, %get3A_588, %select_n3A_584 : vector<16xf32>
    %jit3A_590 = arith.constant 62 : i32
    %broadcast_in_dim3A_591 = vector.broadcast %jit3A_590 : i32 to vector<16xi32>
    %select_n3A_592 = arith.select %gt3A_589, %broadcast_in_dim3A_591, %select_n3A_583 : vector<16xi1>, vector<16xi32>
    %select_n3A_593 = arith.select %gt3A_589, %get3A_588, %select_n3A_584 : vector<16xi1>, vector<16xf32>
    %add3A_594 = arith.constant 1008 : i32
    %add3A_595 = arith.addi %add3A_594, %mul3A_35 : i32
    %get3A_596 = arith.index_cast %add3A_595 : i32 to index
    %get3A_597 = tpu.vector_load %arg8[%get3A_596] {strides = array<i32>} : memref<1168xf32, #tpu.memory_space<vmem>>, vector<16xf32>,
    %gt3A_598 = arith.cmpf ogt, %get3A_597, %select_n3A_593 : vector<16xf32>
    %jit3A_599 = arith.constant 63 : i32
    %broadcast_in_dim3A_600 = vector.broadcast %jit3A_599 : i32 to vector<16xi32>
    %select_n3A_601 = arith.select %gt3A_598, %broadcast_in_dim3A_600, %select_n3A_592 : vector<16xi1>, vector<16xi32>
    %select_n3A_602 = arith.select %gt3A_598, %get3A_597, %select_n3A_593 : vector<16xi1>, vector<16xf32>
    %add3A_603 = arith.constant 1024 : i32
    %add3A_604 = arith.addi %add3A_603, %mul3A_35 : i32
    %get3A_605 = arith.index_cast %add3A_604 : i32 to index
    %get3A_606 = tpu.vector_load %arg8[%get3A_605] {strides = array<i32>} : memref<1168xf32, #tpu.memory_space<vmem>>, vector<16xf32>,
    %gt3A_607 = arith.cmpf ogt, %get3A_606, %select_n3A_602 : vector<16xf32>
    %jit3A_608 = arith.constant 64 : i32
    %broadcast_in_dim3A_609 = vector.broadcast %jit3A_608 : i32 to vector<16xi32>
    %select_n3A_610 = arith.select %gt3A_607, %broadcast_in_dim3A_609, %select_n3A_601 : vector<16xi1>, vector<16xi32>
    %select_n3A_611 = arith.select %gt3A_607, %get3A_606, %select_n3A_602 : vector<16xi1>, vector<16xf32>
    %add3A_612 = arith.constant 1040 : i32
    %add3A_613 = arith.addi %add3A_612, %mul3A_35 : i32
    %get3A_614 = arith.index_cast %add3A_613 : i32 to index
    %get3A_615 = tpu.vector_load %arg8[%get3A_614] {strides = array<i32>} : memref<1168xf32, #tpu.memory_space<vmem>>, vector<16xf32>,
    %gt3A_616 = arith.cmpf ogt, %get3A_615, %select_n3A_611 : vector<16xf32>
    %jit3A_617 = arith.constant 65 : i32
    %broadcast_in_dim3A_618 = vector.broadcast %jit3A_617 : i32 to vector<16xi32>
    %select_n3A_619 = arith.select %gt3A_616, %broadcast_in_dim3A_618, %select_n3A_610 : vector<16xi1>, vector<16xi32>
    %select_n3A_620 = arith.select %gt3A_616, %get3A_615, %select_n3A_611 : vector<16xi1>, vector<16xf32>
    %add3A_621 = arith.constant 1056 : i32
    %add3A_622 = arith.addi %add3A_621, %mul3A_35 : i32
    %get3A_623 = arith.index_cast %add3A_622 : i32 to index
    %get3A_624 = tpu.vector_load %arg8[%get3A_623] {strides = array<i32>} : memref<1168xf32, #tpu.memory_space<vmem>>, vector<16xf32>,
    %gt3A_625 = arith.cmpf ogt, %get3A_624, %select_n3A_620 : vector<16xf32>
    %jit3A_626 = arith.constant 66 : i32
    %broadcast_in_dim3A_627 = vector.broadcast %jit3A_626 : i32 to vector<16xi32>
    %select_n3A_628 = arith.select %gt3A_625, %broadcast_in_dim3A_627, %select_n3A_619 : vector<16xi1>, vector<16xi32>
    %select_n3A_629 = arith.select %gt3A_625, %get3A_624, %select_n3A_620 : vector<16xi1>, vector<16xf32>
    %add3A_630 = arith.constant 1072 : i32
    %add3A_631 = arith.addi %add3A_630, %mul3A_35 : i32
    %get3A_632 = arith.index_cast %add3A_631 : i32 to index
    %get3A_633 = tpu.vector_load %arg8[%get3A_632] {strides = array<i32>} : memref<1168xf32, #tpu.memory_space<vmem>>, vector<16xf32>,
    %gt3A_634 = arith.cmpf ogt, %get3A_633, %select_n3A_629 : vector<16xf32>
    %jit3A_635 = arith.constant 67 : i32
    %broadcast_in_dim3A_636 = vector.broadcast %jit3A_635 : i32 to vector<16xi32>
    %select_n3A_637 = arith.select %gt3A_634, %broadcast_in_dim3A_636, %select_n3A_628 : vector<16xi1>, vector<16xi32>
    %select_n3A_638 = arith.select %gt3A_634, %get3A_633, %select_n3A_629 : vector<16xi1>, vector<16xf32>
    %add3A_639 = arith.constant 1088 : i32
    %add3A_640 = arith.addi %add3A_639, %mul3A_35 : i32
    %get3A_641 = arith.index_cast %add3A_640 : i32 to index
    %get3A_642 = tpu.vector_load %arg8[%get3A_641] {strides = array<i32>} : memref<1168xf32, #tpu.memory_space<vmem>>, vector<16xf32>,
    %gt3A_643 = arith.cmpf ogt, %get3A_642, %select_n3A_638 : vector<16xf32>
    %jit3A_644 = arith.constant 68 : i32
    %broadcast_in_dim3A_645 = vector.broadcast %jit3A_644 : i32 to vector<16xi32>
    %select_n3A_646 = arith.select %gt3A_643, %broadcast_in_dim3A_645, %select_n3A_637 : vector<16xi1>, vector<16xi32>
    %select_n3A_647 = arith.select %gt3A_643, %get3A_642, %select_n3A_638 : vector<16xi1>, vector<16xf32>
    %add3A_648 = arith.constant 1104 : i32
    %add3A_649 = arith.addi %add3A_648, %mul3A_35 : i32
    %get3A_650 = arith.index_cast %add3A_649 : i32 to index
    %get3A_651 = tpu.vector_load %arg8[%get3A_650] {strides = array<i32>} : memref<1168xf32, #tpu.memory_space<vmem>>, vector<16xf32>,
    %gt3A_652 = arith.cmpf ogt, %get3A_651, %select_n3A_647 : vector<16xf32>
    %jit3A_653 = arith.constant 69 : i32
    %broadcast_in_dim3A_654 = vector.broadcast %jit3A_653 : i32 to vector<16xi32>
    %select_n3A_655 = arith.select %gt3A_652, %broadcast_in_dim3A_654, %select_n3A_646 : vector<16xi1>, vector<16xi32>
    %select_n3A_656 = arith.select %gt3A_652, %get3A_651, %select_n3A_647 : vector<16xi1>, vector<16xf32>
    %add3A_657 = arith.constant 1120 : i32
    %add3A_658 = arith.addi %add3A_657, %mul3A_35 : i32
    %get3A_659 = arith.index_cast %add3A_658 : i32 to index
    %get3A_660 = tpu.vector_load %arg8[%get3A_659] {strides = array<i32>} : memref<1168xf32, #tpu.memory_space<vmem>>, vector<16xf32>,
    %gt3A_661 = arith.cmpf ogt, %get3A_660, %select_n3A_656 : vector<16xf32>
    %jit3A_662 = arith.constant 70 : i32
    %broadcast_in_dim3A_663 = vector.broadcast %jit3A_662 : i32 to vector<16xi32>
    %select_n3A_664 = arith.select %gt3A_661, %broadcast_in_dim3A_663, %select_n3A_655 : vector<16xi1>, vector<16xi32>
    %select_n3A_665 = arith.select %gt3A_661, %get3A_660, %select_n3A_656 : vector<16xi1>, vector<16xf32>
    %add3A_666 = arith.constant 1136 : i32
    %add3A_667 = arith.addi %add3A_666, %mul3A_35 : i32
    %get3A_668 = arith.index_cast %add3A_667 : i32 to index
    %get3A_669 = tpu.vector_load %arg8[%get3A_668] {strides = array<i32>} : memref<1168xf32, #tpu.memory_space<vmem>>, vector<16xf32>,
    %gt3A_670 = arith.cmpf ogt, %get3A_669, %select_n3A_665 : vector<16xf32>
    %jit3A_671 = arith.constant 71 : i32
    %broadcast_in_dim3A_672 = vector.broadcast %jit3A_671 : i32 to vector<16xi32>
    %select_n3A_673 = arith.select %gt3A_670, %broadcast_in_dim3A_672, %select_n3A_664 : vector<16xi1>, vector<16xi32>
    %select_n3A_674 = arith.select %gt3A_670, %get3A_669, %select_n3A_665 : vector<16xi1>, vector<16xf32>
    %add3A_675 = arith.constant 1152 : i32
    %add3A_676 = arith.addi %add3A_675, %mul3A_35 : i32
    %get3A_677 = arith.index_cast %add3A_676 : i32 to index
    %get3A_678 = tpu.vector_load %arg8[%get3A_677] {strides = array<i32>} : memref<1168xf32, #tpu.memory_space<vmem>>, vector<16xf32>,
    %gt3A_679 = arith.cmpf ogt, %get3A_678, %select_n3A_674 : vector<16xf32>
    %jit3A_680 = arith.constant 72 : i32
    %broadcast_in_dim3A_681 = vector.broadcast %jit3A_680 : i32 to vector<16xi32>
    %select_n3A_682 = arith.select %gt3A_679, %broadcast_in_dim3A_681, %select_n3A_673 : vector<16xi1>, vector<16xi32>
    %select_n3A_683 = arith.select %gt3A_679, %get3A_678, %select_n3A_674 : vector<16xi1>, vector<16xf32>
    %mul3A_684 = arith.constant 1024 : i32
    %mul3A_685 = vector.broadcast %mul3A_684 : i32 to vector<16xi32>
    %mul3A_686 = arith.muli %select_n3A_682, %mul3A_685 : vector<16xi32>
    %swap3A = arith.index_cast %mul3A_35 : i32 to index
    %swap3A_687 = tpu.vector_load %arg9[%swap3A] {strides = array<i32>} : memref<16xi32, #tpu.memory_space<vmem>>, vector<16xi32>,
    tpu.vector_store %arg9[%swap3A], %mul3A_686 {strides = array<i32>} : memref<16xi32, #tpu.memory_space<vmem>>, vector<16xi32>,
    %scan3A_688 = arith.constant 1 : i32
    tpu.wait_dma2 semaphore(%arg11 : memref<!tpu.dma_semaphore, #tpu.memory_space<semaphore_mem>>) src(%arg4 : memref<74752xf32, #tpu.memory_space<hbm>>) dst(%arg6 : memref<74752xf32, #tpu.memory_space<vmem>>)
    %add3A_689 = arith.constant 0 : i32
    %add3A_690 = arith.addi %mul3A_2, %add3A_689 : i32
    %mul3A_691 = arith.constant 1024 : i32
    %mul3A_692 = arith.muli %add3A_690, %mul3A_691 : i32
    %dma_wait3A_693 = arith.constant 0 : i32
    %dma_wait3A_694 = tpu.memref_slice %arg7[%dma_wait3A_693] : memref<16384xf32, #tpu.memory_space<vmem>> -> memref<8192xf32, #tpu.memory_space<vmem>>
    %dma_wait3A_695 = tpu.memref_slice %arg2[%mul3A_692] : memref<8388608xf32, #tpu.memory_space<hbm>> -> memref<8192xf32, #tpu.memory_space<hbm>>
    %dma_wait3A_696 = arith.constant 0 : i32
    %dma_wait3A_697 = tpu.memref_slice %arg7[%dma_wait3A_696] : memref<16384xf32, #tpu.memory_space<vmem>> -> memref<8192xf32, #tpu.memory_space<vmem>>
    %dma_wait3A_698 = tpu.memref_slice %arg2[%mul3A_692] : memref<8388608xf32, #tpu.memory_space<hbm>> -> memref<8192xf32, #tpu.memory_space<hbm>>
    tpu.wait_dma2 semaphore(%arg13 : memref<!tpu.dma_semaphore, #tpu.memory_space<semaphore_mem>>) src(%dma_wait3A_698 : memref<8192xf32, #tpu.memory_space<hbm>>) dst(%dma_wait3A_697 : memref<8192xf32, #tpu.memory_space<vmem>>)
    %get3A_699 = arith.constant 0 : index
    %get3A_700 = tpu.vector_load %arg9[%get3A_699] {strides = array<i32>} : memref<16xi32, #tpu.memory_space<vmem>>, vector<16xi32>,
    %scan3A_701 = arith.constant 0 : i32
    %scan3A_702 = arith.constant 0 : i32
    %scan3A_703 = arith.constant 8 : i32
    %scan3A_704 = arith.addi %scan3A_702, %scan3A_703 : i32
    %scan3A_705 = arith.constant 1 : i32
    scf.for %scan3A_765 = %scan3A_702 to %scan3A_704 step %scan3A_705  : i32 {
      %add3A_766 = arith.constant 0 : i32
      %add3A_767 = arith.addi %scan3A_765, %add3A_766 : i32
      %eq3A_768 = vector.broadcast %add3A_767 : i32 to vector<16xi32>
      %eq3A_769 = arith.cmpi eq, %iota3A, %eq3A_768 : vector<16xi32>
      %jit3A_770 = arith.constant 0 : i32
      %broadcast_in_dim3A_771 = vector.broadcast %jit3A_770 : i32 to vector<16xi32>
      %select_n3A_772 = arith.select %eq3A_769, %get3A_700, %broadcast_in_dim3A_771 : vector<16xi1>, vector<16xi32>
      %reduce_max3A = arith.constant true
      %reduce_max3A_773 = vector.broadcast %reduce_max3A : i1 to vector<16xi1>
      %reduce_max3A_774 = arith.constant -2147483648 : i32
      %reduce_max3A_775 = vector.broadcast %reduce_max3A_774 : i32 to vector<16xi32>
      %reduce_max3A_776 = arith.xori %select_n3A_772, %reduce_max3A_775 : vector<16xi32>
      %reduce_max3A_777 = tpu.scan <max>, %reduce_max3A_776 masked %reduce_max3A_773 : vector<16xi32>, vector<16xi1> -> vector<16xi32>
      %reduce_max3A_778 = arith.xori %reduce_max3A_777, %reduce_max3A_775 : vector<16xi32>
      %reduce_max3A_779 = vector.extract %reduce_max3A_778[15] : i32 from vector<16xi32>
      %jit3A_780 = arith.constant 8 : i32
      %div3A = arith.divsi %scan3A_765, %jit3A_780 : i32
      %sign3A = arith.constant 0 : i32
      %sign3A_781 = arith.cmpi sgt, %scan3A_765, %sign3A : i32
      %sign3A_782 = arith.extui %sign3A_781 : i1 to i32
      %sign3A_783 = arith.constant 0 : i32
      %sign3A_784 = arith.cmpi slt, %scan3A_765, %sign3A_783 : i32
      %sign3A_785 = arith.extui %sign3A_784 : i1 to i32
      %sign3A_786 = arith.subi %sign3A_782, %sign3A_785 : i32
      %sign3A_787 = arith.constant 0 : i32
      %sign3A_788 = arith.cmpi sgt, %jit3A_780, %sign3A_787 : i32
      %sign3A_789 = arith.extui %sign3A_788 : i1 to i32
      %sign3A_790 = arith.constant 0 : i32
      %sign3A_791 = arith.cmpi slt, %jit3A_780, %sign3A_790 : i32
      %sign3A_792 = arith.extui %sign3A_791 : i1 to i32
      %sign3A_793 = arith.subi %sign3A_789, %sign3A_792 : i32
      %ne3A = arith.cmpi ne, %sign3A_786, %sign3A_793 : i32
      %rem3A = arith.remsi %scan3A_765, %jit3A_780 : i32
      %ne3A_794 = arith.constant 0 : i32
      %ne3A_795 = arith.cmpi ne, %rem3A, %ne3A_794 : i32
      %and3A = arith.andi %ne3A, %ne3A_795 : i1
      %sub3A = arith.constant 1 : i32
      %sub3A_796 = arith.subi %div3A, %sub3A : i32
      %select_n3A_797 = arith.select %and3A, %sub3A_796, %div3A : i32
      %mul3A_798 = arith.constant 8 : i32
      %mul3A_799 = arith.muli %select_n3A_797, %mul3A_798 : i32
      %sub3A_800 = arith.subi %scan3A_765, %mul3A_799 : i32
      %mul3A_801 = arith.constant 8192 : i32
      %mul3A_802 = arith.muli %select_n3A_797, %mul3A_801 : i32
      %add3A_803 = arith.constant 0 : i32
      %add3A_804 = arith.addi %add3A_803, %mul3A_802 : i32
      %mul3A_805 = arith.constant 128 : i32
      %mul3A_806 = arith.muli %sub3A_800, %mul3A_805 : i32
      %add3A_807 = arith.addi %add3A_804, %mul3A_806 : i32
      %add3A_808 = arith.constant 0 : i32
      %add3A_809 = arith.addi %reduce_max3A_779, %add3A_808 : i32
      %add3A_810 = arith.constant 0 : i32
      %add3A_811 = arith.addi %add3A_809, %add3A_810 : i32
      %get3A_812 = arith.index_cast %add3A_811 : i32 to index
      %get3A_813 = tpu.vector_load %arg6[%get3A_812] {strides = array<i32>} : memref<74752xf32, #tpu.memory_space<vmem>>, vector<16xf32>,
      %add3A_814 = arith.constant 0 : i32
      %add3A_815 = arith.addi %add3A_807, %add3A_814 : i32
      %add3A_816 = arith.constant 0 : i32
      %add3A_817 = arith.addi %add3A_815, %add3A_816 : i32
      %swap3A_818 = arith.index_cast %add3A_817 : i32 to index
      %swap3A_819 = tpu.vector_load %arg7[%swap3A_818] {strides = array<i32>} : memref<16384xf32, #tpu.memory_space<vmem>>, vector<16xf32>,
      tpu.vector_store %arg7[%swap3A_818], %get3A_813 {add = true, strides = array<i32>} : memref<16384xf32, #tpu.memory_space<vmem>>, vector<16xf32>,
      %add3A_820 = arith.constant 0 : i32
      %add3A_821 = arith.addi %reduce_max3A_779, %add3A_820 : i32
      %add3A_822 = arith.constant 16 : i32
      %add3A_823 = arith.addi %add3A_821, %add3A_822 : i32
      %get3A_824 = arith.index_cast %add3A_823 : i32 to index
      %get3A_825 = tpu.vector_load %arg6[%get3A_824] {strides = array<i32>} : memref<74752xf32, #tpu.memory_space<vmem>>, vector<16xf32>,
      %add3A_826 = arith.constant 0 : i32
      %add3A_827 = arith.addi %add3A_807, %add3A_826 : i32
      %add3A_828 = arith.constant 16 : i32
      %add3A_829 = arith.addi %add3A_827, %add3A_828 : i32
      %swap3A_830 = arith.index_cast %add3A_829 : i32 to index
      %swap3A_831 = tpu.vector_load %arg7[%swap3A_830] {strides = array<i32>} : memref<16384xf32, #tpu.memory_space<vmem>>, vector<16xf32>,
      tpu.vector_store %arg7[%swap3A_830], %get3A_825 {add = true, strides = array<i32>} : memref<16384xf32, #tpu.memory_space<vmem>>, vector<16xf32>,
      %add3A_832 = arith.constant 0 : i32
      %add3A_833 = arith.addi %reduce_max3A_779, %add3A_832 : i32
      %add3A_834 = arith.constant 32 : i32
      %add3A_835 = arith.addi %add3A_833, %add3A_834 : i32
      %get3A_836 = arith.index_cast %add3A_835 : i32 to index
      %get3A_837 = tpu.vector_load %arg6[%get3A_836] {strides = array<i32>} : memref<74752xf32, #tpu.memory_space<vmem>>, vector<16xf32>,
      %add3A_838 = arith.constant 0 : i32
      %add3A_839 = arith.addi %add3A_807, %add3A_838 : i32
      %add3A_840 = arith.constant 32 : i32
      %add3A_841 = arith.addi %add3A_839, %add3A_840 : i32
      %swap3A_842 = arith.index_cast %add3A_841 : i32 to index
      %swap3A_843 = tpu.vector_load %arg7[%swap3A_842] {strides = array<i32>} : memref<16384xf32, #tpu.memory_space<vmem>>, vector<16xf32>,
      tpu.vector_store %arg7[%swap3A_842], %get3A_837 {add = true, strides = array<i32>} : memref<16384xf32, #tpu.memory_space<vmem>>, vector<16xf32>,
      %add3A_844 = arith.constant 0 : i32
      %add3A_845 = arith.addi %reduce_max3A_779, %add3A_844 : i32
      %add3A_846 = arith.constant 48 : i32
      %add3A_847 = arith.addi %add3A_845, %add3A_846 : i32
      %get3A_848 = arith.index_cast %add3A_847 : i32 to index
      %get3A_849 = tpu.vector_load %arg6[%get3A_848] {strides = array<i32>} : memref<74752xf32, #tpu.memory_space<vmem>>, vector<16xf32>,
      %add3A_850 = arith.constant 0 : i32
      %add3A_851 = arith.addi %add3A_807, %add3A_850 : i32
      %add3A_852 = arith.constant 48 : i32
      %add3A_853 = arith.addi %add3A_851, %add3A_852 : i32
      %swap3A_854 = arith.index_cast %add3A_853 : i32 to index
      %swap3A_855 = tpu.vector_load %arg7[%swap3A_854] {strides = array<i32>} : memref<16384xf32, #tpu.memory_space<vmem>>, vector<16xf32>,
      tpu.vector_store %arg7[%swap3A_854], %get3A_849 {add = true, strides = array<i32>} : memref<16384xf32, #tpu.memory_space<vmem>>, vector<16xf32>,
      %add3A_856 = arith.constant 0 : i32
      %add3A_857 = arith.addi %reduce_max3A_779, %add3A_856 : i32
      %add3A_858 = arith.constant 64 : i32
      %add3A_859 = arith.addi %add3A_857, %add3A_858 : i32
      %get3A_860 = arith.index_cast %add3A_859 : i32 to index
      %get3A_861 = tpu.vector_load %arg6[%get3A_860] {strides = array<i32>} : memref<74752xf32, #tpu.memory_space<vmem>>, vector<16xf32>,
      %add3A_862 = arith.constant 0 : i32
      %add3A_863 = arith.addi %add3A_807, %add3A_862 : i32
      %add3A_864 = arith.constant 64 : i32
      %add3A_865 = arith.addi %add3A_863, %add3A_864 : i32
      %swap3A_866 = arith.index_cast %add3A_865 : i32 to index
      %swap3A_867 = tpu.vector_load %arg7[%swap3A_866] {strides = array<i32>} : memref<16384xf32, #tpu.memory_space<vmem>>, vector<16xf32>,
      tpu.vector_store %arg7[%swap3A_866], %get3A_861 {add = true, strides = array<i32>} : memref<16384xf32, #tpu.memory_space<vmem>>, vector<16xf32>,
      %add3A_868 = arith.constant 0 : i32
      %add3A_869 = arith.addi %reduce_max3A_779, %add3A_868 : i32
      %add3A_870 = arith.constant 80 : i32
      %add3A_871 = arith.addi %add3A_869, %add3A_870 : i32
      %get3A_872 = arith.index_cast %add3A_871 : i32 to index
      %get3A_873 = tpu.vector_load %arg6[%get3A_872] {strides = array<i32>} : memref<74752xf32, #tpu.memory_space<vmem>>, vector<16xf32>,
      %add3A_874 = arith.constant 0 : i32
      %add3A_875 = arith.addi %add3A_807, %add3A_874 : i32
      %add3A_876 = arith.constant 80 : i32
      %add3A_877 = arith.addi %add3A_875, %add3A_876 : i32
      %swap3A_878 = arith.index_cast %add3A_877 : i32 to index
      %swap3A_879 = tpu.vector_load %arg7[%swap3A_878] {strides = array<i32>} : memref<16384xf32, #tpu.memory_space<vmem>>, vector<16xf32>,
      tpu.vector_store %arg7[%swap3A_878], %get3A_873 {add = true, strides = array<i32>} : memref<16384xf32, #tpu.memory_space<vmem>>, vector<16xf32>,
      %add3A_880 = arith.constant 0 : i32
      %add3A_881 = arith.addi %reduce_max3A_779, %add3A_880 : i32
      %add3A_882 = arith.constant 96 : i32
      %add3A_883 = arith.addi %add3A_881, %add3A_882 : i32
      %get3A_884 = arith.index_cast %add3A_883 : i32 to index
      %get3A_885 = tpu.vector_load %arg6[%get3A_884] {strides = array<i32>} : memref<74752xf32, #tpu.memory_space<vmem>>, vector<16xf32>,
      %add3A_886 = arith.constant 0 : i32
      %add3A_887 = arith.addi %add3A_807, %add3A_886 : i32
      %add3A_888 = arith.constant 96 : i32
      %add3A_889 = arith.addi %add3A_887, %add3A_888 : i32
      %swap3A_890 = arith.index_cast %add3A_889 : i32 to index
      %swap3A_891 = tpu.vector_load %arg7[%swap3A_890] {strides = array<i32>} : memref<16384xf32, #tpu.memory_space<vmem>>, vector<16xf32>,
      tpu.vector_store %arg7[%swap3A_890], %get3A_885 {add = true, strides = array<i32>} : memref<16384xf32, #tpu.memory_space<vmem>>, vector<16xf32>,
      %add3A_892 = arith.constant 0 : i32
      %add3A_893 = arith.addi %reduce_max3A_779, %add3A_892 : i32
      %add3A_894 = arith.constant 112 : i32
      %add3A_895 = arith.addi %add3A_893, %add3A_894 : i32
      %get3A_896 = arith.index_cast %add3A_895 : i32 to index
      %get3A_897 = tpu.vector_load %arg6[%get3A_896] {strides = array<i32>} : memref<74752xf32, #tpu.memory_space<vmem>>, vector<16xf32>,
      %add3A_898 = arith.constant 0 : i32
      %add3A_899 = arith.addi %add3A_807, %add3A_898 : i32
      %add3A_900 = arith.constant 112 : i32
      %add3A_901 = arith.addi %add3A_899, %add3A_900 : i32
      %swap3A_902 = arith.index_cast %add3A_901 : i32 to index
      %swap3A_903 = tpu.vector_load %arg7[%swap3A_902] {strides = array<i32>} : memref<16384xf32, #tpu.memory_space<vmem>>, vector<16xf32>,
      tpu.vector_store %arg7[%swap3A_902], %get3A_897 {add = true, strides = array<i32>} : memref<16384xf32, #tpu.memory_space<vmem>>, vector<16xf32>,
      %add3A_904 = arith.constant 128 : i32
      %add3A_905 = arith.addi %reduce_max3A_779, %add3A_904 : i32
      %add3A_906 = arith.constant 0 : i32
      %add3A_907 = arith.addi %add3A_905, %add3A_906 : i32
      %get3A_908 = arith.index_cast %add3A_907 : i32 to index
      %get3A_909 = tpu.vector_load %arg6[%get3A_908] {strides = array<i32>} : memref<74752xf32, #tpu.memory_space<vmem>>, vector<16xf32>,
      %add3A_910 = arith.constant 1024 : i32
      %add3A_911 = arith.addi %add3A_807, %add3A_910 : i32
      %add3A_912 = arith.constant 0 : i32
      %add3A_913 = arith.addi %add3A_911, %add3A_912 : i32
      %swap3A_914 = arith.index_cast %add3A_913 : i32 to index
      %swap3A_915 = tpu.vector_load %arg7[%swap3A_914] {strides = array<i32>} : memref<16384xf32, #tpu.memory_space<vmem>>, vector<16xf32>,
      tpu.vector_store %arg7[%swap3A_914], %get3A_909 {add = true, strides = array<i32>} : memref<16384xf32, #tpu.memory_space<vmem>>, vector<16xf32>,
      %add3A_916 = arith.constant 128 : i32
      %add3A_917 = arith.addi %reduce_max3A_779, %add3A_916 : i32
      %add3A_918 = arith.constant 16 : i32
      %add3A_919 = arith.addi %add3A_917, %add3A_918 : i32
      %get3A_920 = arith.index_cast %add3A_919 : i32 to index
      %get3A_921 = tpu.vector_load %arg6[%get3A_920] {strides = array<i32>} : memref<74752xf32, #tpu.memory_space<vmem>>, vector<16xf32>,
      %add3A_922 = arith.constant 1024 : i32
      %add3A_923 = arith.addi %add3A_807, %add3A_922 : i32
      %add3A_924 = arith.constant 16 : i32
      %add3A_925 = arith.addi %add3A_923, %add3A_924 : i32
      %swap3A_926 = arith.index_cast %add3A_925 : i32 to index
      %swap3A_927 = tpu.vector_load %arg7[%swap3A_926] {strides = array<i32>} : memref<16384xf32, #tpu.memory_space<vmem>>, vector<16xf32>,
      tpu.vector_store %arg7[%swap3A_926], %get3A_921 {add = true, strides = array<i32>} : memref<16384xf32, #tpu.memory_space<vmem>>, vector<16xf32>,
      %add3A_928 = arith.constant 128 : i32
      %add3A_929 = arith.addi %reduce_max3A_779, %add3A_928 : i32
      %add3A_930 = arith.constant 32 : i32
      %add3A_931 = arith.addi %add3A_929, %add3A_930 : i32
      %get3A_932 = arith.index_cast %add3A_931 : i32 to index
      %get3A_933 = tpu.vector_load %arg6[%get3A_932] {strides = array<i32>} : memref<74752xf32, #tpu.memory_space<vmem>>, vector<16xf32>,
      %add3A_934 = arith.constant 1024 : i32
      %add3A_935 = arith.addi %add3A_807, %add3A_934 : i32
      %add3A_936 = arith.constant 32 : i32
      %add3A_937 = arith.addi %add3A_935, %add3A_936 : i32
      %swap3A_938 = arith.index_cast %add3A_937 : i32 to index
      %swap3A_939 = tpu.vector_load %arg7[%swap3A_938] {strides = array<i32>} : memref<16384xf32, #tpu.memory_space<vmem>>, vector<16xf32>,
      tpu.vector_store %arg7[%swap3A_938], %get3A_933 {add = true, strides = array<i32>} : memref<16384xf32, #tpu.memory_space<vmem>>, vector<16xf32>,
      %add3A_940 = arith.constant 128 : i32
      %add3A_941 = arith.addi %reduce_max3A_779, %add3A_940 : i32
      %add3A_942 = arith.constant 48 : i32
      %add3A_943 = arith.addi %add3A_941, %add3A_942 : i32
      %get3A_944 = arith.index_cast %add3A_943 : i32 to index
      %get3A_945 = tpu.vector_load %arg6[%get3A_944] {strides = array<i32>} : memref<74752xf32, #tpu.memory_space<vmem>>, vector<16xf32>,
      %add3A_946 = arith.constant 1024 : i32
      %add3A_947 = arith.addi %add3A_807, %add3A_946 : i32
      %add3A_948 = arith.constant 48 : i32
      %add3A_949 = arith.addi %add3A_947, %add3A_948 : i32
      %swap3A_950 = arith.index_cast %add3A_949 : i32 to index
      %swap3A_951 = tpu.vector_load %arg7[%swap3A_950] {strides = array<i32>} : memref<16384xf32, #tpu.memory_space<vmem>>, vector<16xf32>,
      tpu.vector_store %arg7[%swap3A_950], %get3A_945 {add = true, strides = array<i32>} : memref<16384xf32, #tpu.memory_space<vmem>>, vector<16xf32>,
      %add3A_952 = arith.constant 128 : i32
      %add3A_953 = arith.addi %reduce_max3A_779, %add3A_952 : i32
      %add3A_954 = arith.constant 64 : i32
      %add3A_955 = arith.addi %add3A_953, %add3A_954 : i32
      %get3A_956 = arith.index_cast %add3A_955 : i32 to index
      %get3A_957 = tpu.vector_load %arg6[%get3A_956] {strides = array<i32>} : memref<74752xf32, #tpu.memory_space<vmem>>, vector<16xf32>,
      %add3A_958 = arith.constant 1024 : i32
      %add3A_959 = arith.addi %add3A_807, %add3A_958 : i32
      %add3A_960 = arith.constant 64 : i32
      %add3A_961 = arith.addi %add3A_959, %add3A_960 : i32
      %swap3A_962 = arith.index_cast %add3A_961 : i32 to index
      %swap3A_963 = tpu.vector_load %arg7[%swap3A_962] {strides = array<i32>} : memref<16384xf32, #tpu.memory_space<vmem>>, vector<16xf32>,
      tpu.vector_store %arg7[%swap3A_962], %get3A_957 {add = true, strides = array<i32>} : memref<16384xf32, #tpu.memory_space<vmem>>, vector<16xf32>,
      %add3A_964 = arith.constant 128 : i32
      %add3A_965 = arith.addi %reduce_max3A_779, %add3A_964 : i32
      %add3A_966 = arith.constant 80 : i32
      %add3A_967 = arith.addi %add3A_965, %add3A_966 : i32
      %get3A_968 = arith.index_cast %add3A_967 : i32 to index
      %get3A_969 = tpu.vector_load %arg6[%get3A_968] {strides = array<i32>} : memref<74752xf32, #tpu.memory_space<vmem>>, vector<16xf32>,
      %add3A_970 = arith.constant 1024 : i32
      %add3A_971 = arith.addi %add3A_807, %add3A_970 : i32
      %add3A_972 = arith.constant 80 : i32
      %add3A_973 = arith.addi %add3A_971, %add3A_972 : i32
      %swap3A_974 = arith.index_cast %add3A_973 : i32 to index
      %swap3A_975 = tpu.vector_load %arg7[%swap3A_974] {strides = array<i32>} : memref<16384xf32, #tpu.memory_space<vmem>>, vector<16xf32>,
      tpu.vector_store %arg7[%swap3A_974], %get3A_969 {add = true, strides = array<i32>} : memref<16384xf32, #tpu.memory_space<vmem>>, vector<16xf32>,
      %add3A_976 = arith.constant 128 : i32
      %add3A_977 = arith.addi %reduce_max3A_779, %add3A_976 : i32
      %add3A_978 = arith.constant 96 : i32
      %add3A_979 = arith.addi %add3A_977, %add3A_978 : i32
      %get3A_980 = arith.index_cast %add3A_979 : i32 to index
      %get3A_981 = tpu.vector_load %arg6[%get3A_980] {strides = array<i32>} : memref<74752xf32, #tpu.memory_space<vmem>>, vector<16xf32>,
      %add3A_982 = arith.constant 1024 : i32
      %add3A_983 = arith.addi %add3A_807, %add3A_982 : i32
      %add3A_984 = arith.constant 96 : i32
      %add3A_985 = arith.addi %add3A_983, %add3A_984 : i32
      %swap3A_986 = arith.index_cast %add3A_985 : i32 to index
      %swap3A_987 = tpu.vector_load %arg7[%swap3A_986] {strides = array<i32>} : memref<16384xf32, #tpu.memory_space<vmem>>, vector<16xf32>,
      tpu.vector_store %arg7[%swap3A_986], %get3A_981 {add = true, strides = array<i32>} : memref<16384xf32, #tpu.memory_space<vmem>>, vector<16xf32>,
      %add3A_988 = arith.constant 128 : i32
      %add3A_989 = arith.addi %reduce_max3A_779, %add3A_988 : i32
      %add3A_990 = arith.constant 112 : i32
      %add3A_991 = arith.addi %add3A_989, %add3A_990 : i32
      %get3A_992 = arith.index_cast %add3A_991 : i32 to index
      %get3A_993 = tpu.vector_load %arg6[%get3A_992] {strides = array<i32>} : memref<74752xf32, #tpu.memory_space<vmem>>, vector<16xf32>,
      %add3A_994 = arith.constant 1024 : i32
      %add3A_995 = arith.addi %add3A_807, %add3A_994 : i32
      %add3A_996 = arith.constant 112 : i32
      %add3A_997 = arith.addi %add3A_995, %add3A_996 : i32
      %swap3A_998 = arith.index_cast %add3A_997 : i32 to index
      %swap3A_999 = tpu.vector_load %arg7[%swap3A_998] {strides = array<i32>} : memref<16384xf32, #tpu.memory_space<vmem>>, vector<16xf32>,
      tpu.vector_store %arg7[%swap3A_998], %get3A_993 {add = true, strides = array<i32>} : memref<16384xf32, #tpu.memory_space<vmem>>, vector<16xf32>,
      %add3A_1000 = arith.constant 256 : i32
      %add3A_1001 = arith.addi %reduce_max3A_779, %add3A_1000 : i32
      %add3A_1002 = arith.constant 0 : i32
      %add3A_1003 = arith.addi %add3A_1001, %add3A_1002 : i32
      %get3A_1004 = arith.index_cast %add3A_1003 : i32 to index
      %get3A_1005 = tpu.vector_load %arg6[%get3A_1004] {strides = array<i32>} : memref<74752xf32, #tpu.memory_space<vmem>>, vector<16xf32>,
      %add3A_1006 = arith.constant 2048 : i32
      %add3A_1007 = arith.addi %add3A_807, %add3A_1006 : i32
      %add3A_1008 = arith.constant 0 : i32
      %add3A_1009 = arith.addi %add3A_1007, %add3A_1008 : i32
      %swap3A_1010 = arith.index_cast %add3A_1009 : i32 to index
      %swap3A_1011 = tpu.vector_load %arg7[%swap3A_1010] {strides = array<i32>} : memref<16384xf32, #tpu.memory_space<vmem>>, vector<16xf32>,
      tpu.vector_store %arg7[%swap3A_1010], %get3A_1005 {add = true, strides = array<i32>} : memref<16384xf32, #tpu.memory_space<vmem>>, vector<16xf32>,
      %add3A_1012 = arith.constant 256 : i32
      %add3A_1013 = arith.addi %reduce_max3A_779, %add3A_1012 : i32
      %add3A_1014 = arith.constant 16 : i32
      %add3A_1015 = arith.addi %add3A_1013, %add3A_1014 : i32
      %get3A_1016 = arith.index_cast %add3A_1015 : i32 to index
      %get3A_1017 = tpu.vector_load %arg6[%get3A_1016] {strides = array<i32>} : memref<74752xf32, #tpu.memory_space<vmem>>, vector<16xf32>,
      %add3A_1018 = arith.constant 2048 : i32
      %add3A_1019 = arith.addi %add3A_807, %add3A_1018 : i32
      %add3A_1020 = arith.constant 16 : i32
      %add3A_1021 = arith.addi %add3A_1019, %add3A_1020 : i32
      %swap3A_1022 = arith.index_cast %add3A_1021 : i32 to index
      %swap3A_1023 = tpu.vector_load %arg7[%swap3A_1022] {strides = array<i32>} : memref<16384xf32, #tpu.memory_space<vmem>>, vector<16xf32>,
      tpu.vector_store %arg7[%swap3A_1022], %get3A_1017 {add = true, strides = array<i32>} : memref<16384xf32, #tpu.memory_space<vmem>>, vector<16xf32>,
      %add3A_1024 = arith.constant 256 : i32
      %add3A_1025 = arith.addi %reduce_max3A_779, %add3A_1024 : i32
      %add3A_1026 = arith.constant 32 : i32
      %add3A_1027 = arith.addi %add3A_1025, %add3A_1026 : i32
      %get3A_1028 = arith.index_cast %add3A_1027 : i32 to index
      %get3A_1029 = tpu.vector_load %arg6[%get3A_1028] {strides = array<i32>} : memref<74752xf32, #tpu.memory_space<vmem>>, vector<16xf32>,
      %add3A_1030 = arith.constant 2048 : i32
      %add3A_1031 = arith.addi %add3A_807, %add3A_1030 : i32
      %add3A_1032 = arith.constant 32 : i32
      %add3A_1033 = arith.addi %add3A_1031, %add3A_1032 : i32
      %swap3A_1034 = arith.index_cast %add3A_1033 : i32 to index
      %swap3A_1035 = tpu.vector_load %arg7[%swap3A_1034] {strides = array<i32>} : memref<16384xf32, #tpu.memory_space<vmem>>, vector<16xf32>,
      tpu.vector_store %arg7[%swap3A_1034], %get3A_1029 {add = true, strides = array<i32>} : memref<16384xf32, #tpu.memory_space<vmem>>, vector<16xf32>,
      %add3A_1036 = arith.constant 256 : i32
      %add3A_1037 = arith.addi %reduce_max3A_779, %add3A_1036 : i32
      %add3A_1038 = arith.constant 48 : i32
      %add3A_1039 = arith.addi %add3A_1037, %add3A_1038 : i32
      %get3A_1040 = arith.index_cast %add3A_1039 : i32 to index
      %get3A_1041 = tpu.vector_load %arg6[%get3A_1040] {strides = array<i32>} : memref<74752xf32, #tpu.memory_space<vmem>>, vector<16xf32>,
      %add3A_1042 = arith.constant 2048 : i32
      %add3A_1043 = arith.addi %add3A_807, %add3A_1042 : i32
      %add3A_1044 = arith.constant 48 : i32
      %add3A_1045 = arith.addi %add3A_1043, %add3A_1044 : i32
      %swap3A_1046 = arith.index_cast %add3A_1045 : i32 to index
      %swap3A_1047 = tpu.vector_load %arg7[%swap3A_1046] {strides = array<i32>} : memref<16384xf32, #tpu.memory_space<vmem>>, vector<16xf32>,
      tpu.vector_store %arg7[%swap3A_1046], %get3A_1041 {add = true, strides = array<i32>} : memref<16384xf32, #tpu.memory_space<vmem>>, vector<16xf32>,
      %add3A_1048 = arith.constant 256 : i32
      %add3A_1049 = arith.addi %reduce_max3A_779, %add3A_1048 : i32
      %add3A_1050 = arith.constant 64 : i32
      %add3A_1051 = arith.addi %add3A_1049, %add3A_1050 : i32
      %get3A_1052 = arith.index_cast %add3A_1051 : i32 to index
      %get3A_1053 = tpu.vector_load %arg6[%get3A_1052] {strides = array<i32>} : memref<74752xf32, #tpu.memory_space<vmem>>, vector<16xf32>,
      %add3A_1054 = arith.constant 2048 : i32
      %add3A_1055 = arith.addi %add3A_807, %add3A_1054 : i32
      %add3A_1056 = arith.constant 64 : i32
      %add3A_1057 = arith.addi %add3A_1055, %add3A_1056 : i32
      %swap3A_1058 = arith.index_cast %add3A_1057 : i32 to index
      %swap3A_1059 = tpu.vector_load %arg7[%swap3A_1058] {strides = array<i32>} : memref<16384xf32, #tpu.memory_space<vmem>>, vector<16xf32>,
      tpu.vector_store %arg7[%swap3A_1058], %get3A_1053 {add = true, strides = array<i32>} : memref<16384xf32, #tpu.memory_space<vmem>>, vector<16xf32>,
      %add3A_1060 = arith.constant 256 : i32
      %add3A_1061 = arith.addi %reduce_max3A_779, %add3A_1060 : i32
      %add3A_1062 = arith.constant 80 : i32
      %add3A_1063 = arith.addi %add3A_1061, %add3A_1062 : i32
      %get3A_1064 = arith.index_cast %add3A_1063 : i32 to index
      %get3A_1065 = tpu.vector_load %arg6[%get3A_1064] {strides = array<i32>} : memref<74752xf32, #tpu.memory_space<vmem>>, vector<16xf32>,
      %add3A_1066 = arith.constant 2048 : i32
      %add3A_1067 = arith.addi %add3A_807, %add3A_1066 : i32
      %add3A_1068 = arith.constant 80 : i32
      %add3A_1069 = arith.addi %add3A_1067, %add3A_1068 : i32
      %swap3A_1070 = arith.index_cast %add3A_1069 : i32 to index
      %swap3A_1071 = tpu.vector_load %arg7[%swap3A_1070] {strides = array<i32>} : memref<16384xf32, #tpu.memory_space<vmem>>, vector<16xf32>,
      tpu.vector_store %arg7[%swap3A_1070], %get3A_1065 {add = true, strides = array<i32>} : memref<16384xf32, #tpu.memory_space<vmem>>, vector<16xf32>,
      %add3A_1072 = arith.constant 256 : i32
      %add3A_1073 = arith.addi %reduce_max3A_779, %add3A_1072 : i32
      %add3A_1074 = arith.constant 96 : i32
      %add3A_1075 = arith.addi %add3A_1073, %add3A_1074 : i32
      %get3A_1076 = arith.index_cast %add3A_1075 : i32 to index
      %get3A_1077 = tpu.vector_load %arg6[%get3A_1076] {strides = array<i32>} : memref<74752xf32, #tpu.memory_space<vmem>>, vector<16xf32>,
      %add3A_1078 = arith.constant 2048 : i32
      %add3A_1079 = arith.addi %add3A_807, %add3A_1078 : i32
      %add3A_1080 = arith.constant 96 : i32
      %add3A_1081 = arith.addi %add3A_1079, %add3A_1080 : i32
      %swap3A_1082 = arith.index_cast %add3A_1081 : i32 to index
      %swap3A_1083 = tpu.vector_load %arg7[%swap3A_1082] {strides = array<i32>} : memref<16384xf32, #tpu.memory_space<vmem>>, vector<16xf32>,
      tpu.vector_store %arg7[%swap3A_1082], %get3A_1077 {add = true, strides = array<i32>} : memref<16384xf32, #tpu.memory_space<vmem>>, vector<16xf32>,
      %add3A_1084 = arith.constant 256 : i32
      %add3A_1085 = arith.addi %reduce_max3A_779, %add3A_1084 : i32
      %add3A_1086 = arith.constant 112 : i32
      %add3A_1087 = arith.addi %add3A_1085, %add3A_1086 : i32
      %get3A_1088 = arith.index_cast %add3A_1087 : i32 to index
      %get3A_1089 = tpu.vector_load %arg6[%get3A_1088] {strides = array<i32>} : memref<74752xf32, #tpu.memory_space<vmem>>, vector<16xf32>,
      %add3A_1090 = arith.constant 2048 : i32
      %add3A_1091 = arith.addi %add3A_807, %add3A_1090 : i32
      %add3A_1092 = arith.constant 112 : i32
      %add3A_1093 = arith.addi %add3A_1091, %add3A_1092 : i32
      %swap3A_1094 = arith.index_cast %add3A_1093 : i32 to index
      %swap3A_1095 = tpu.vector_load %arg7[%swap3A_1094] {strides = array<i32>} : memref<16384xf32, #tpu.memory_space<vmem>>, vector<16xf32>,
      tpu.vector_store %arg7[%swap3A_1094], %get3A_1089 {add = true, strides = array<i32>} : memref<16384xf32, #tpu.memory_space<vmem>>, vector<16xf32>,
      %add3A_1096 = arith.constant 384 : i32
      %add3A_1097 = arith.addi %reduce_max3A_779, %add3A_1096 : i32
      %add3A_1098 = arith.constant 0 : i32
      %add3A_1099 = arith.addi %add3A_1097, %add3A_1098 : i32
      %get3A_1100 = arith.index_cast %add3A_1099 : i32 to index
      %get3A_1101 = tpu.vector_load %arg6[%get3A_1100] {strides = array<i32>} : memref<74752xf32, #tpu.memory_space<vmem>>, vector<16xf32>,
      %add3A_1102 = arith.constant 3072 : i32
      %add3A_1103 = arith.addi %add3A_807, %add3A_1102 : i32
      %add3A_1104 = arith.constant 0 : i32
      %add3A_1105 = arith.addi %add3A_1103, %add3A_1104 : i32
      %swap3A_1106 = arith.index_cast %add3A_1105 : i32 to index
      %swap3A_1107 = tpu.vector_load %arg7[%swap3A_1106] {strides = array<i32>} : memref<16384xf32, #tpu.memory_space<vmem>>, vector<16xf32>,
      tpu.vector_store %arg7[%swap3A_1106], %get3A_1101 {add = true, strides = array<i32>} : memref<16384xf32, #tpu.memory_space<vmem>>, vector<16xf32>,
      %add3A_1108 = arith.constant 384 : i32
      %add3A_1109 = arith.addi %reduce_max3A_779, %add3A_1108 : i32
      %add3A_1110 = arith.constant 16 : i32
      %add3A_1111 = arith.addi %add3A_1109, %add3A_1110 : i32
      %get3A_1112 = arith.index_cast %add3A_1111 : i32 to index
      %get3A_1113 = tpu.vector_load %arg6[%get3A_1112] {strides = array<i32>} : memref<74752xf32, #tpu.memory_space<vmem>>, vector<16xf32>,
      %add3A_1114 = arith.constant 3072 : i32
      %add3A_1115 = arith.addi %add3A_807, %add3A_1114 : i32
      %add3A_1116 = arith.constant 16 : i32
      %add3A_1117 = arith.addi %add3A_1115, %add3A_1116 : i32
      %swap3A_1118 = arith.index_cast %add3A_1117 : i32 to index
      %swap3A_1119 = tpu.vector_load %arg7[%swap3A_1118] {strides = array<i32>} : memref<16384xf32, #tpu.memory_space<vmem>>, vector<16xf32>,
      tpu.vector_store %arg7[%swap3A_1118], %get3A_1113 {add = true, strides = array<i32>} : memref<16384xf32, #tpu.memory_space<vmem>>, vector<16xf32>,
      %add3A_1120 = arith.constant 384 : i32
      %add3A_1121 = arith.addi %reduce_max3A_779, %add3A_1120 : i32
      %add3A_1122 = arith.constant 32 : i32
      %add3A_1123 = arith.addi %add3A_1121, %add3A_1122 : i32
      %get3A_1124 = arith.index_cast %add3A_1123 : i32 to index
      %get3A_1125 = tpu.vector_load %arg6[%get3A_1124] {strides = array<i32>} : memref<74752xf32, #tpu.memory_space<vmem>>, vector<16xf32>,
      %add3A_1126 = arith.constant 3072 : i32
      %add3A_1127 = arith.addi %add3A_807, %add3A_1126 : i32
      %add3A_1128 = arith.constant 32 : i32
      %add3A_1129 = arith.addi %add3A_1127, %add3A_1128 : i32
      %swap3A_1130 = arith.index_cast %add3A_1129 : i32 to index
      %swap3A_1131 = tpu.vector_load %arg7[%swap3A_1130] {strides = array<i32>} : memref<16384xf32, #tpu.memory_space<vmem>>, vector<16xf32>,
      tpu.vector_store %arg7[%swap3A_1130], %get3A_1125 {add = true, strides = array<i32>} : memref<16384xf32, #tpu.memory_space<vmem>>, vector<16xf32>,
      %add3A_1132 = arith.constant 384 : i32
      %add3A_1133 = arith.addi %reduce_max3A_779, %add3A_1132 : i32
      %add3A_1134 = arith.constant 48 : i32
      %add3A_1135 = arith.addi %add3A_1133, %add3A_1134 : i32
      %get3A_1136 = arith.index_cast %add3A_1135 : i32 to index
      %get3A_1137 = tpu.vector_load %arg6[%get3A_1136] {strides = array<i32>} : memref<74752xf32, #tpu.memory_space<vmem>>, vector<16xf32>,
      %add3A_1138 = arith.constant 3072 : i32
      %add3A_1139 = arith.addi %add3A_807, %add3A_1138 : i32
      %add3A_1140 = arith.constant 48 : i32
      %add3A_1141 = arith.addi %add3A_1139, %add3A_1140 : i32
      %swap3A_1142 = arith.index_cast %add3A_1141 : i32 to index
      %swap3A_1143 = tpu.vector_load %arg7[%swap3A_1142] {strides = array<i32>} : memref<16384xf32, #tpu.memory_space<vmem>>, vector<16xf32>,
      tpu.vector_store %arg7[%swap3A_1142], %get3A_1137 {add = true, strides = array<i32>} : memref<16384xf32, #tpu.memory_space<vmem>>, vector<16xf32>,
      %add3A_1144 = arith.constant 384 : i32
      %add3A_1145 = arith.addi %reduce_max3A_779, %add3A_1144 : i32
      %add3A_1146 = arith.constant 64 : i32
      %add3A_1147 = arith.addi %add3A_1145, %add3A_1146 : i32
      %get3A_1148 = arith.index_cast %add3A_1147 : i32 to index
      %get3A_1149 = tpu.vector_load %arg6[%get3A_1148] {strides = array<i32>} : memref<74752xf32, #tpu.memory_space<vmem>>, vector<16xf32>,
      %add3A_1150 = arith.constant 3072 : i32
      %add3A_1151 = arith.addi %add3A_807, %add3A_1150 : i32
      %add3A_1152 = arith.constant 64 : i32
      %add3A_1153 = arith.addi %add3A_1151, %add3A_1152 : i32
      %swap3A_1154 = arith.index_cast %add3A_1153 : i32 to index
      %swap3A_1155 = tpu.vector_load %arg7[%swap3A_1154] {strides = array<i32>} : memref<16384xf32, #tpu.memory_space<vmem>>, vector<16xf32>,
      tpu.vector_store %arg7[%swap3A_1154], %get3A_1149 {add = true, strides = array<i32>} : memref<16384xf32, #tpu.memory_space<vmem>>, vector<16xf32>,
      %add3A_1156 = arith.constant 384 : i32
      %add3A_1157 = arith.addi %reduce_max3A_779, %add3A_1156 : i32
      %add3A_1158 = arith.constant 80 : i32
      %add3A_1159 = arith.addi %add3A_1157, %add3A_1158 : i32
      %get3A_1160 = arith.index_cast %add3A_1159 : i32 to index
      %get3A_1161 = tpu.vector_load %arg6[%get3A_1160] {strides = array<i32>} : memref<74752xf32, #tpu.memory_space<vmem>>, vector<16xf32>,
      %add3A_1162 = arith.constant 3072 : i32
      %add3A_1163 = arith.addi %add3A_807, %add3A_1162 : i32
      %add3A_1164 = arith.constant 80 : i32
      %add3A_1165 = arith.addi %add3A_1163, %add3A_1164 : i32
      %swap3A_1166 = arith.index_cast %add3A_1165 : i32 to index
      %swap3A_1167 = tpu.vector_load %arg7[%swap3A_1166] {strides = array<i32>} : memref<16384xf32, #tpu.memory_space<vmem>>, vector<16xf32>,
      tpu.vector_store %arg7[%swap3A_1166], %get3A_1161 {add = true, strides = array<i32>} : memref<16384xf32, #tpu.memory_space<vmem>>, vector<16xf32>,
      %add3A_1168 = arith.constant 384 : i32
      %add3A_1169 = arith.addi %reduce_max3A_779, %add3A_1168 : i32
      %add3A_1170 = arith.constant 96 : i32
      %add3A_1171 = arith.addi %add3A_1169, %add3A_1170 : i32
      %get3A_1172 = arith.index_cast %add3A_1171 : i32 to index
      %get3A_1173 = tpu.vector_load %arg6[%get3A_1172] {strides = array<i32>} : memref<74752xf32, #tpu.memory_space<vmem>>, vector<16xf32>,
      %add3A_1174 = arith.constant 3072 : i32
      %add3A_1175 = arith.addi %add3A_807, %add3A_1174 : i32
      %add3A_1176 = arith.constant 96 : i32
      %add3A_1177 = arith.addi %add3A_1175, %add3A_1176 : i32
      %swap3A_1178 = arith.index_cast %add3A_1177 : i32 to index
      %swap3A_1179 = tpu.vector_load %arg7[%swap3A_1178] {strides = array<i32>} : memref<16384xf32, #tpu.memory_space<vmem>>, vector<16xf32>,
      tpu.vector_store %arg7[%swap3A_1178], %get3A_1173 {add = true, strides = array<i32>} : memref<16384xf32, #tpu.memory_space<vmem>>, vector<16xf32>,
      %add3A_1180 = arith.constant 384 : i32
      %add3A_1181 = arith.addi %reduce_max3A_779, %add3A_1180 : i32
      %add3A_1182 = arith.constant 112 : i32
      %add3A_1183 = arith.addi %add3A_1181, %add3A_1182 : i32
      %get3A_1184 = arith.index_cast %add3A_1183 : i32 to index
      %get3A_1185 = tpu.vector_load %arg6[%get3A_1184] {strides = array<i32>} : memref<74752xf32, #tpu.memory_space<vmem>>, vector<16xf32>,
      %add3A_1186 = arith.constant 3072 : i32
      %add3A_1187 = arith.addi %add3A_807, %add3A_1186 : i32
      %add3A_1188 = arith.constant 112 : i32
      %add3A_1189 = arith.addi %add3A_1187, %add3A_1188 : i32
      %swap3A_1190 = arith.index_cast %add3A_1189 : i32 to index
      %swap3A_1191 = tpu.vector_load %arg7[%swap3A_1190] {strides = array<i32>} : memref<16384xf32, #tpu.memory_space<vmem>>, vector<16xf32>,
      tpu.vector_store %arg7[%swap3A_1190], %get3A_1185 {add = true, strides = array<i32>} : memref<16384xf32, #tpu.memory_space<vmem>>, vector<16xf32>,
      %add3A_1192 = arith.constant 512 : i32
      %add3A_1193 = arith.addi %reduce_max3A_779, %add3A_1192 : i32
      %add3A_1194 = arith.constant 0 : i32
      %add3A_1195 = arith.addi %add3A_1193, %add3A_1194 : i32
      %get3A_1196 = arith.index_cast %add3A_1195 : i32 to index
      %get3A_1197 = tpu.vector_load %arg6[%get3A_1196] {strides = array<i32>} : memref<74752xf32, #tpu.memory_space<vmem>>, vector<16xf32>,
      %add3A_1198 = arith.constant 4096 : i32
      %add3A_1199 = arith.addi %add3A_807, %add3A_1198 : i32
      %add3A_1200 = arith.constant 0 : i32
      %add3A_1201 = arith.addi %add3A_1199, %add3A_1200 : i32
      %swap3A_1202 = arith.index_cast %add3A_1201 : i32 to index
      %swap3A_1203 = tpu.vector_load %arg7[%swap3A_1202] {strides = array<i32>} : memref<16384xf32, #tpu.memory_space<vmem>>, vector<16xf32>,
      tpu.vector_store %arg7[%swap3A_1202], %get3A_1197 {add = true, strides = array<i32>} : memref<16384xf32, #tpu.memory_space<vmem>>, vector<16xf32>,
      %add3A_1204 = arith.constant 512 : i32
      %add3A_1205 = arith.addi %reduce_max3A_779, %add3A_1204 : i32
      %add3A_1206 = arith.constant 16 : i32
      %add3A_1207 = arith.addi %add3A_1205, %add3A_1206 : i32
      %get3A_1208 = arith.index_cast %add3A_1207 : i32 to index
      %get3A_1209 = tpu.vector_load %arg6[%get3A_1208] {strides = array<i32>} : memref<74752xf32, #tpu.memory_space<vmem>>, vector<16xf32>,
      %add3A_1210 = arith.constant 4096 : i32
      %add3A_1211 = arith.addi %add3A_807, %add3A_1210 : i32
      %add3A_1212 = arith.constant 16 : i32
      %add3A_1213 = arith.addi %add3A_1211, %add3A_1212 : i32
      %swap3A_1214 = arith.index_cast %add3A_1213 : i32 to index
      %swap3A_1215 = tpu.vector_load %arg7[%swap3A_1214] {strides = array<i32>} : memref<16384xf32, #tpu.memory_space<vmem>>, vector<16xf32>,
      tpu.vector_store %arg7[%swap3A_1214], %get3A_1209 {add = true, strides = array<i32>} : memref<16384xf32, #tpu.memory_space<vmem>>, vector<16xf32>,
      %add3A_1216 = arith.constant 512 : i32
      %add3A_1217 = arith.addi %reduce_max3A_779, %add3A_1216 : i32
      %add3A_1218 = arith.constant 32 : i32
      %add3A_1219 = arith.addi %add3A_1217, %add3A_1218 : i32
      %get3A_1220 = arith.index_cast %add3A_1219 : i32 to index
      %get3A_1221 = tpu.vector_load %arg6[%get3A_1220] {strides = array<i32>} : memref<74752xf32, #tpu.memory_space<vmem>>, vector<16xf32>,
      %add3A_1222 = arith.constant 4096 : i32
      %add3A_1223 = arith.addi %add3A_807, %add3A_1222 : i32
      %add3A_1224 = arith.constant 32 : i32
      %add3A_1225 = arith.addi %add3A_1223, %add3A_1224 : i32
      %swap3A_1226 = arith.index_cast %add3A_1225 : i32 to index
      %swap3A_1227 = tpu.vector_load %arg7[%swap3A_1226] {strides = array<i32>} : memref<16384xf32, #tpu.memory_space<vmem>>, vector<16xf32>,
      tpu.vector_store %arg7[%swap3A_1226], %get3A_1221 {add = true, strides = array<i32>} : memref<16384xf32, #tpu.memory_space<vmem>>, vector<16xf32>,
      %add3A_1228 = arith.constant 512 : i32
      %add3A_1229 = arith.addi %reduce_max3A_779, %add3A_1228 : i32
      %add3A_1230 = arith.constant 48 : i32
      %add3A_1231 = arith.addi %add3A_1229, %add3A_1230 : i32
      %get3A_1232 = arith.index_cast %add3A_1231 : i32 to index
      %get3A_1233 = tpu.vector_load %arg6[%get3A_1232] {strides = array<i32>} : memref<74752xf32, #tpu.memory_space<vmem>>, vector<16xf32>,
      %add3A_1234 = arith.constant 4096 : i32
      %add3A_1235 = arith.addi %add3A_807, %add3A_1234 : i32
      %add3A_1236 = arith.constant 48 : i32
      %add3A_1237 = arith.addi %add3A_1235, %add3A_1236 : i32
      %swap3A_1238 = arith.index_cast %add3A_1237 : i32 to index
      %swap3A_1239 = tpu.vector_load %arg7[%swap3A_1238] {strides = array<i32>} : memref<16384xf32, #tpu.memory_space<vmem>>, vector<16xf32>,
      tpu.vector_store %arg7[%swap3A_1238], %get3A_1233 {add = true, strides = array<i32>} : memref<16384xf32, #tpu.memory_space<vmem>>, vector<16xf32>,
      %add3A_1240 = arith.constant 512 : i32
      %add3A_1241 = arith.addi %reduce_max3A_779, %add3A_1240 : i32
      %add3A_1242 = arith.constant 64 : i32
      %add3A_1243 = arith.addi %add3A_1241, %add3A_1242 : i32
      %get3A_1244 = arith.index_cast %add3A_1243 : i32 to index
      %get3A_1245 = tpu.vector_load %arg6[%get3A_1244] {strides = array<i32>} : memref<74752xf32, #tpu.memory_space<vmem>>, vector<16xf32>,
      %add3A_1246 = arith.constant 4096 : i32
      %add3A_1247 = arith.addi %add3A_807, %add3A_1246 : i32
      %add3A_1248 = arith.constant 64 : i32
      %add3A_1249 = arith.addi %add3A_1247, %add3A_1248 : i32
      %swap3A_1250 = arith.index_cast %add3A_1249 : i32 to index
      %swap3A_1251 = tpu.vector_load %arg7[%swap3A_1250] {strides = array<i32>} : memref<16384xf32, #tpu.memory_space<vmem>>, vector<16xf32>,
      tpu.vector_store %arg7[%swap3A_1250], %get3A_1245 {add = true, strides = array<i32>} : memref<16384xf32, #tpu.memory_space<vmem>>, vector<16xf32>,
      %add3A_1252 = arith.constant 512 : i32
      %add3A_1253 = arith.addi %reduce_max3A_779, %add3A_1252 : i32
      %add3A_1254 = arith.constant 80 : i32
      %add3A_1255 = arith.addi %add3A_1253, %add3A_1254 : i32
      %get3A_1256 = arith.index_cast %add3A_1255 : i32 to index
      %get3A_1257 = tpu.vector_load %arg6[%get3A_1256] {strides = array<i32>} : memref<74752xf32, #tpu.memory_space<vmem>>, vector<16xf32>,
      %add3A_1258 = arith.constant 4096 : i32
      %add3A_1259 = arith.addi %add3A_807, %add3A_1258 : i32
      %add3A_1260 = arith.constant 80 : i32
      %add3A_1261 = arith.addi %add3A_1259, %add3A_1260 : i32
      %swap3A_1262 = arith.index_cast %add3A_1261 : i32 to index
      %swap3A_1263 = tpu.vector_load %arg7[%swap3A_1262] {strides = array<i32>} : memref<16384xf32, #tpu.memory_space<vmem>>, vector<16xf32>,
      tpu.vector_store %arg7[%swap3A_1262], %get3A_1257 {add = true, strides = array<i32>} : memref<16384xf32, #tpu.memory_space<vmem>>, vector<16xf32>,
      %add3A_1264 = arith.constant 512 : i32
      %add3A_1265 = arith.addi %reduce_max3A_779, %add3A_1264 : i32
      %add3A_1266 = arith.constant 96 : i32
      %add3A_1267 = arith.addi %add3A_1265, %add3A_1266 : i32
      %get3A_1268 = arith.index_cast %add3A_1267 : i32 to index
      %get3A_1269 = tpu.vector_load %arg6[%get3A_1268] {strides = array<i32>} : memref<74752xf32, #tpu.memory_space<vmem>>, vector<16xf32>,
      %add3A_1270 = arith.constant 4096 : i32
      %add3A_1271 = arith.addi %add3A_807, %add3A_1270 : i32
      %add3A_1272 = arith.constant 96 : i32
      %add3A_1273 = arith.addi %add3A_1271, %add3A_1272 : i32
      %swap3A_1274 = arith.index_cast %add3A_1273 : i32 to index
      %swap3A_1275 = tpu.vector_load %arg7[%swap3A_1274] {strides = array<i32>} : memref<16384xf32, #tpu.memory_space<vmem>>, vector<16xf32>,
      tpu.vector_store %arg7[%swap3A_1274], %get3A_1269 {add = true, strides = array<i32>} : memref<16384xf32, #tpu.memory_space<vmem>>, vector<16xf32>,
      %add3A_1276 = arith.constant 512 : i32
      %add3A_1277 = arith.addi %reduce_max3A_779, %add3A_1276 : i32
      %add3A_1278 = arith.constant 112 : i32
      %add3A_1279 = arith.addi %add3A_1277, %add3A_1278 : i32
      %get3A_1280 = arith.index_cast %add3A_1279 : i32 to index
      %get3A_1281 = tpu.vector_load %arg6[%get3A_1280] {strides = array<i32>} : memref<74752xf32, #tpu.memory_space<vmem>>, vector<16xf32>,
      %add3A_1282 = arith.constant 4096 : i32
      %add3A_1283 = arith.addi %add3A_807, %add3A_1282 : i32
      %add3A_1284 = arith.constant 112 : i32
      %add3A_1285 = arith.addi %add3A_1283, %add3A_1284 : i32
      %swap3A_1286 = arith.index_cast %add3A_1285 : i32 to index
      %swap3A_1287 = tpu.vector_load %arg7[%swap3A_1286] {strides = array<i32>} : memref<16384xf32, #tpu.memory_space<vmem>>, vector<16xf32>,
      tpu.vector_store %arg7[%swap3A_1286], %get3A_1281 {add = true, strides = array<i32>} : memref<16384xf32, #tpu.memory_space<vmem>>, vector<16xf32>,
      %add3A_1288 = arith.constant 640 : i32
      %add3A_1289 = arith.addi %reduce_max3A_779, %add3A_1288 : i32
      %add3A_1290 = arith.constant 0 : i32
      %add3A_1291 = arith.addi %add3A_1289, %add3A_1290 : i32
      %get3A_1292 = arith.index_cast %add3A_1291 : i32 to index
      %get3A_1293 = tpu.vector_load %arg6[%get3A_1292] {strides = array<i32>} : memref<74752xf32, #tpu.memory_space<vmem>>, vector<16xf32>,
      %add3A_1294 = arith.constant 5120 : i32
      %add3A_1295 = arith.addi %add3A_807, %add3A_1294 : i32
      %add3A_1296 = arith.constant 0 : i32
      %add3A_1297 = arith.addi %add3A_1295, %add3A_1296 : i32
      %swap3A_1298 = arith.index_cast %add3A_1297 : i32 to index
      %swap3A_1299 = tpu.vector_load %arg7[%swap3A_1298] {strides = array<i32>} : memref<16384xf32, #tpu.memory_space<vmem>>, vector<16xf32>,
      tpu.vector_store %arg7[%swap3A_1298], %get3A_1293 {add = true, strides = array<i32>} : memref<16384xf32, #tpu.memory_space<vmem>>, vector<16xf32>,
      %add3A_1300 = arith.constant 640 : i32
      %add3A_1301 = arith.addi %reduce_max3A_779, %add3A_1300 : i32
      %add3A_1302 = arith.constant 16 : i32
      %add3A_1303 = arith.addi %add3A_1301, %add3A_1302 : i32
      %get3A_1304 = arith.index_cast %add3A_1303 : i32 to index
      %get3A_1305 = tpu.vector_load %arg6[%get3A_1304] {strides = array<i32>} : memref<74752xf32, #tpu.memory_space<vmem>>, vector<16xf32>,
      %add3A_1306 = arith.constant 5120 : i32
      %add3A_1307 = arith.addi %add3A_807, %add3A_1306 : i32
      %add3A_1308 = arith.constant 16 : i32
      %add3A_1309 = arith.addi %add3A_1307, %add3A_1308 : i32
      %swap3A_1310 = arith.index_cast %add3A_1309 : i32 to index
      %swap3A_1311 = tpu.vector_load %arg7[%swap3A_1310] {strides = array<i32>} : memref<16384xf32, #tpu.memory_space<vmem>>, vector<16xf32>,
      tpu.vector_store %arg7[%swap3A_1310], %get3A_1305 {add = true, strides = array<i32>} : memref<16384xf32, #tpu.memory_space<vmem>>, vector<16xf32>,
      %add3A_1312 = arith.constant 640 : i32
      %add3A_1313 = arith.addi %reduce_max3A_779, %add3A_1312 : i32
      %add3A_1314 = arith.constant 32 : i32
      %add3A_1315 = arith.addi %add3A_1313, %add3A_1314 : i32
      %get3A_1316 = arith.index_cast %add3A_1315 : i32 to index
      %get3A_1317 = tpu.vector_load %arg6[%get3A_1316] {strides = array<i32>} : memref<74752xf32, #tpu.memory_space<vmem>>, vector<16xf32>,
      %add3A_1318 = arith.constant 5120 : i32
      %add3A_1319 = arith.addi %add3A_807, %add3A_1318 : i32
      %add3A_1320 = arith.constant 32 : i32
      %add3A_1321 = arith.addi %add3A_1319, %add3A_1320 : i32
      %swap3A_1322 = arith.index_cast %add3A_1321 : i32 to index
      %swap3A_1323 = tpu.vector_load %arg7[%swap3A_1322] {strides = array<i32>} : memref<16384xf32, #tpu.memory_space<vmem>>, vector<16xf32>,
      tpu.vector_store %arg7[%swap3A_1322], %get3A_1317 {add = true, strides = array<i32>} : memref<16384xf32, #tpu.memory_space<vmem>>, vector<16xf32>,
      %add3A_1324 = arith.constant 640 : i32
      %add3A_1325 = arith.addi %reduce_max3A_779, %add3A_1324 : i32
      %add3A_1326 = arith.constant 48 : i32
      %add3A_1327 = arith.addi %add3A_1325, %add3A_1326 : i32
      %get3A_1328 = arith.index_cast %add3A_1327 : i32 to index
      %get3A_1329 = tpu.vector_load %arg6[%get3A_1328] {strides = array<i32>} : memref<74752xf32, #tpu.memory_space<vmem>>, vector<16xf32>,
      %add3A_1330 = arith.constant 5120 : i32
      %add3A_1331 = arith.addi %add3A_807, %add3A_1330 : i32
      %add3A_1332 = arith.constant 48 : i32
      %add3A_1333 = arith.addi %add3A_1331, %add3A_1332 : i32
      %swap3A_1334 = arith.index_cast %add3A_1333 : i32 to index
      %swap3A_1335 = tpu.vector_load %arg7[%swap3A_1334] {strides = array<i32>} : memref<16384xf32, #tpu.memory_space<vmem>>, vector<16xf32>,
      tpu.vector_store %arg7[%swap3A_1334], %get3A_1329 {add = true, strides = array<i32>} : memref<16384xf32, #tpu.memory_space<vmem>>, vector<16xf32>,
      %add3A_1336 = arith.constant 640 : i32
      %add3A_1337 = arith.addi %reduce_max3A_779, %add3A_1336 : i32
      %add3A_1338 = arith.constant 64 : i32
      %add3A_1339 = arith.addi %add3A_1337, %add3A_1338 : i32
      %get3A_1340 = arith.index_cast %add3A_1339 : i32 to index
      %get3A_1341 = tpu.vector_load %arg6[%get3A_1340] {strides = array<i32>} : memref<74752xf32, #tpu.memory_space<vmem>>, vector<16xf32>,
      %add3A_1342 = arith.constant 5120 : i32
      %add3A_1343 = arith.addi %add3A_807, %add3A_1342 : i32
      %add3A_1344 = arith.constant 64 : i32
      %add3A_1345 = arith.addi %add3A_1343, %add3A_1344 : i32
      %swap3A_1346 = arith.index_cast %add3A_1345 : i32 to index
      %swap3A_1347 = tpu.vector_load %arg7[%swap3A_1346] {strides = array<i32>} : memref<16384xf32, #tpu.memory_space<vmem>>, vector<16xf32>,
      tpu.vector_store %arg7[%swap3A_1346], %get3A_1341 {add = true, strides = array<i32>} : memref<16384xf32, #tpu.memory_space<vmem>>, vector<16xf32>,
      %add3A_1348 = arith.constant 640 : i32
      %add3A_1349 = arith.addi %reduce_max3A_779, %add3A_1348 : i32
      %add3A_1350 = arith.constant 80 : i32
      %add3A_1351 = arith.addi %add3A_1349, %add3A_1350 : i32
      %get3A_1352 = arith.index_cast %add3A_1351 : i32 to index
      %get3A_1353 = tpu.vector_load %arg6[%get3A_1352] {strides = array<i32>} : memref<74752xf32, #tpu.memory_space<vmem>>, vector<16xf32>,
      %add3A_1354 = arith.constant 5120 : i32
      %add3A_1355 = arith.addi %add3A_807, %add3A_1354 : i32
      %add3A_1356 = arith.constant 80 : i32
      %add3A_1357 = arith.addi %add3A_1355, %add3A_1356 : i32
      %swap3A_1358 = arith.index_cast %add3A_1357 : i32 to index
      %swap3A_1359 = tpu.vector_load %arg7[%swap3A_1358] {strides = array<i32>} : memref<16384xf32, #tpu.memory_space<vmem>>, vector<16xf32>,
      tpu.vector_store %arg7[%swap3A_1358], %get3A_1353 {add = true, strides = array<i32>} : memref<16384xf32, #tpu.memory_space<vmem>>, vector<16xf32>,
      %add3A_1360 = arith.constant 640 : i32
      %add3A_1361 = arith.addi %reduce_max3A_779, %add3A_1360 : i32
      %add3A_1362 = arith.constant 96 : i32
      %add3A_1363 = arith.addi %add3A_1361, %add3A_1362 : i32
      %get3A_1364 = arith.index_cast %add3A_1363 : i32 to index
      %get3A_1365 = tpu.vector_load %arg6[%get3A_1364] {strides = array<i32>} : memref<74752xf32, #tpu.memory_space<vmem>>, vector<16xf32>,
      %add3A_1366 = arith.constant 5120 : i32
      %add3A_1367 = arith.addi %add3A_807, %add3A_1366 : i32
      %add3A_1368 = arith.constant 96 : i32
      %add3A_1369 = arith.addi %add3A_1367, %add3A_1368 : i32
      %swap3A_1370 = arith.index_cast %add3A_1369 : i32 to index
      %swap3A_1371 = tpu.vector_load %arg7[%swap3A_1370] {strides = array<i32>} : memref<16384xf32, #tpu.memory_space<vmem>>, vector<16xf32>,
      tpu.vector_store %arg7[%swap3A_1370], %get3A_1365 {add = true, strides = array<i32>} : memref<16384xf32, #tpu.memory_space<vmem>>, vector<16xf32>,
      %add3A_1372 = arith.constant 640 : i32
      %add3A_1373 = arith.addi %reduce_max3A_779, %add3A_1372 : i32
      %add3A_1374 = arith.constant 112 : i32
      %add3A_1375 = arith.addi %add3A_1373, %add3A_1374 : i32
      %get3A_1376 = arith.index_cast %add3A_1375 : i32 to index
      %get3A_1377 = tpu.vector_load %arg6[%get3A_1376] {strides = array<i32>} : memref<74752xf32, #tpu.memory_space<vmem>>, vector<16xf32>,
      %add3A_1378 = arith.constant 5120 : i32
      %add3A_1379 = arith.addi %add3A_807, %add3A_1378 : i32
      %add3A_1380 = arith.constant 112 : i32
      %add3A_1381 = arith.addi %add3A_1379, %add3A_1380 : i32
      %swap3A_1382 = arith.index_cast %add3A_1381 : i32 to index
      %swap3A_1383 = tpu.vector_load %arg7[%swap3A_1382] {strides = array<i32>} : memref<16384xf32, #tpu.memory_space<vmem>>, vector<16xf32>,
      tpu.vector_store %arg7[%swap3A_1382], %get3A_1377 {add = true, strides = array<i32>} : memref<16384xf32, #tpu.memory_space<vmem>>, vector<16xf32>,
      %add3A_1384 = arith.constant 768 : i32
      %add3A_1385 = arith.addi %reduce_max3A_779, %add3A_1384 : i32
      %add3A_1386 = arith.constant 0 : i32
      %add3A_1387 = arith.addi %add3A_1385, %add3A_1386 : i32
      %get3A_1388 = arith.index_cast %add3A_1387 : i32 to index
      %get3A_1389 = tpu.vector_load %arg6[%get3A_1388] {strides = array<i32>} : memref<74752xf32, #tpu.memory_space<vmem>>, vector<16xf32>,
      %add3A_1390 = arith.constant 6144 : i32
      %add3A_1391 = arith.addi %add3A_807, %add3A_1390 : i32
      %add3A_1392 = arith.constant 0 : i32
      %add3A_1393 = arith.addi %add3A_1391, %add3A_1392 : i32
      %swap3A_1394 = arith.index_cast %add3A_1393 : i32 to index
      %swap3A_1395 = tpu.vector_load %arg7[%swap3A_1394] {strides = array<i32>} : memref<16384xf32, #tpu.memory_space<vmem>>, vector<16xf32>,
      tpu.vector_store %arg7[%swap3A_1394], %get3A_1389 {add = true, strides = array<i32>} : memref<16384xf32, #tpu.memory_space<vmem>>, vector<16xf32>,
      %add3A_1396 = arith.constant 768 : i32
      %add3A_1397 = arith.addi %reduce_max3A_779, %add3A_1396 : i32
      %add3A_1398 = arith.constant 16 : i32
      %add3A_1399 = arith.addi %add3A_1397, %add3A_1398 : i32
      %get3A_1400 = arith.index_cast %add3A_1399 : i32 to index
      %get3A_1401 = tpu.vector_load %arg6[%get3A_1400] {strides = array<i32>} : memref<74752xf32, #tpu.memory_space<vmem>>, vector<16xf32>,
      %add3A_1402 = arith.constant 6144 : i32
      %add3A_1403 = arith.addi %add3A_807, %add3A_1402 : i32
      %add3A_1404 = arith.constant 16 : i32
      %add3A_1405 = arith.addi %add3A_1403, %add3A_1404 : i32
      %swap3A_1406 = arith.index_cast %add3A_1405 : i32 to index
      %swap3A_1407 = tpu.vector_load %arg7[%swap3A_1406] {strides = array<i32>} : memref<16384xf32, #tpu.memory_space<vmem>>, vector<16xf32>,
      tpu.vector_store %arg7[%swap3A_1406], %get3A_1401 {add = true, strides = array<i32>} : memref<16384xf32, #tpu.memory_space<vmem>>, vector<16xf32>,
      %add3A_1408 = arith.constant 768 : i32
      %add3A_1409 = arith.addi %reduce_max3A_779, %add3A_1408 : i32
      %add3A_1410 = arith.constant 32 : i32
      %add3A_1411 = arith.addi %add3A_1409, %add3A_1410 : i32
      %get3A_1412 = arith.index_cast %add3A_1411 : i32 to index
      %get3A_1413 = tpu.vector_load %arg6[%get3A_1412] {strides = array<i32>} : memref<74752xf32, #tpu.memory_space<vmem>>, vector<16xf32>,
      %add3A_1414 = arith.constant 6144 : i32
      %add3A_1415 = arith.addi %add3A_807, %add3A_1414 : i32
      %add3A_1416 = arith.constant 32 : i32
      %add3A_1417 = arith.addi %add3A_1415, %add3A_1416 : i32
      %swap3A_1418 = arith.index_cast %add3A_1417 : i32 to index
      %swap3A_1419 = tpu.vector_load %arg7[%swap3A_1418] {strides = array<i32>} : memref<16384xf32, #tpu.memory_space<vmem>>, vector<16xf32>,
      tpu.vector_store %arg7[%swap3A_1418], %get3A_1413 {add = true, strides = array<i32>} : memref<16384xf32, #tpu.memory_space<vmem>>, vector<16xf32>,
      %add3A_1420 = arith.constant 768 : i32
      %add3A_1421 = arith.addi %reduce_max3A_779, %add3A_1420 : i32
      %add3A_1422 = arith.constant 48 : i32
      %add3A_1423 = arith.addi %add3A_1421, %add3A_1422 : i32
      %get3A_1424 = arith.index_cast %add3A_1423 : i32 to index
      %get3A_1425 = tpu.vector_load %arg6[%get3A_1424] {strides = array<i32>} : memref<74752xf32, #tpu.memory_space<vmem>>, vector<16xf32>,
      %add3A_1426 = arith.constant 6144 : i32
      %add3A_1427 = arith.addi %add3A_807, %add3A_1426 : i32
      %add3A_1428 = arith.constant 48 : i32
      %add3A_1429 = arith.addi %add3A_1427, %add3A_1428 : i32
      %swap3A_1430 = arith.index_cast %add3A_1429 : i32 to index
      %swap3A_1431 = tpu.vector_load %arg7[%swap3A_1430] {strides = array<i32>} : memref<16384xf32, #tpu.memory_space<vmem>>, vector<16xf32>,
      tpu.vector_store %arg7[%swap3A_1430], %get3A_1425 {add = true, strides = array<i32>} : memref<16384xf32, #tpu.memory_space<vmem>>, vector<16xf32>,
      %add3A_1432 = arith.constant 768 : i32
      %add3A_1433 = arith.addi %reduce_max3A_779, %add3A_1432 : i32
      %add3A_1434 = arith.constant 64 : i32
      %add3A_1435 = arith.addi %add3A_1433, %add3A_1434 : i32
      %get3A_1436 = arith.index_cast %add3A_1435 : i32 to index
      %get3A_1437 = tpu.vector_load %arg6[%get3A_1436] {strides = array<i32>} : memref<74752xf32, #tpu.memory_space<vmem>>, vector<16xf32>,
      %add3A_1438 = arith.constant 6144 : i32
      %add3A_1439 = arith.addi %add3A_807, %add3A_1438 : i32
      %add3A_1440 = arith.constant 64 : i32
      %add3A_1441 = arith.addi %add3A_1439, %add3A_1440 : i32
      %swap3A_1442 = arith.index_cast %add3A_1441 : i32 to index
      %swap3A_1443 = tpu.vector_load %arg7[%swap3A_1442] {strides = array<i32>} : memref<16384xf32, #tpu.memory_space<vmem>>, vector<16xf32>,
      tpu.vector_store %arg7[%swap3A_1442], %get3A_1437 {add = true, strides = array<i32>} : memref<16384xf32, #tpu.memory_space<vmem>>, vector<16xf32>,
      %add3A_1444 = arith.constant 768 : i32
      %add3A_1445 = arith.addi %reduce_max3A_779, %add3A_1444 : i32
      %add3A_1446 = arith.constant 80 : i32
      %add3A_1447 = arith.addi %add3A_1445, %add3A_1446 : i32
      %get3A_1448 = arith.index_cast %add3A_1447 : i32 to index
      %get3A_1449 = tpu.vector_load %arg6[%get3A_1448] {strides = array<i32>} : memref<74752xf32, #tpu.memory_space<vmem>>, vector<16xf32>,
      %add3A_1450 = arith.constant 6144 : i32
      %add3A_1451 = arith.addi %add3A_807, %add3A_1450 : i32
      %add3A_1452 = arith.constant 80 : i32
      %add3A_1453 = arith.addi %add3A_1451, %add3A_1452 : i32
      %swap3A_1454 = arith.index_cast %add3A_1453 : i32 to index
      %swap3A_1455 = tpu.vector_load %arg7[%swap3A_1454] {strides = array<i32>} : memref<16384xf32, #tpu.memory_space<vmem>>, vector<16xf32>,
      tpu.vector_store %arg7[%swap3A_1454], %get3A_1449 {add = true, strides = array<i32>} : memref<16384xf32, #tpu.memory_space<vmem>>, vector<16xf32>,
      %add3A_1456 = arith.constant 768 : i32
      %add3A_1457 = arith.addi %reduce_max3A_779, %add3A_1456 : i32
      %add3A_1458 = arith.constant 96 : i32
      %add3A_1459 = arith.addi %add3A_1457, %add3A_1458 : i32
      %get3A_1460 = arith.index_cast %add3A_1459 : i32 to index
      %get3A_1461 = tpu.vector_load %arg6[%get3A_1460] {strides = array<i32>} : memref<74752xf32, #tpu.memory_space<vmem>>, vector<16xf32>,
      %add3A_1462 = arith.constant 6144 : i32
      %add3A_1463 = arith.addi %add3A_807, %add3A_1462 : i32
      %add3A_1464 = arith.constant 96 : i32
      %add3A_1465 = arith.addi %add3A_1463, %add3A_1464 : i32
      %swap3A_1466 = arith.index_cast %add3A_1465 : i32 to index
      %swap3A_1467 = tpu.vector_load %arg7[%swap3A_1466] {strides = array<i32>} : memref<16384xf32, #tpu.memory_space<vmem>>, vector<16xf32>,
      tpu.vector_store %arg7[%swap3A_1466], %get3A_1461 {add = true, strides = array<i32>} : memref<16384xf32, #tpu.memory_space<vmem>>, vector<16xf32>,
      %add3A_1468 = arith.constant 768 : i32
      %add3A_1469 = arith.addi %reduce_max3A_779, %add3A_1468 : i32
      %add3A_1470 = arith.constant 112 : i32
      %add3A_1471 = arith.addi %add3A_1469, %add3A_1470 : i32
      %get3A_1472 = arith.index_cast %add3A_1471 : i32 to index
      %get3A_1473 = tpu.vector_load %arg6[%get3A_1472] {strides = array<i32>} : memref<74752xf32, #tpu.memory_space<vmem>>, vector<16xf32>,
      %add3A_1474 = arith.constant 6144 : i32
      %add3A_1475 = arith.addi %add3A_807, %add3A_1474 : i32
      %add3A_1476 = arith.constant 112 : i32
      %add3A_1477 = arith.addi %add3A_1475, %add3A_1476 : i32
      %swap3A_1478 = arith.index_cast %add3A_1477 : i32 to index
      %swap3A_1479 = tpu.vector_load %arg7[%swap3A_1478] {strides = array<i32>} : memref<16384xf32, #tpu.memory_space<vmem>>, vector<16xf32>,
      tpu.vector_store %arg7[%swap3A_1478], %get3A_1473 {add = true, strides = array<i32>} : memref<16384xf32, #tpu.memory_space<vmem>>, vector<16xf32>,
      %add3A_1480 = arith.constant 896 : i32
      %add3A_1481 = arith.addi %reduce_max3A_779, %add3A_1480 : i32
      %add3A_1482 = arith.constant 0 : i32
      %add3A_1483 = arith.addi %add3A_1481, %add3A_1482 : i32
      %get3A_1484 = arith.index_cast %add3A_1483 : i32 to index
      %get3A_1485 = tpu.vector_load %arg6[%get3A_1484] {strides = array<i32>} : memref<74752xf32, #tpu.memory_space<vmem>>, vector<16xf32>,
      %add3A_1486 = arith.constant 7168 : i32
      %add3A_1487 = arith.addi %add3A_807, %add3A_1486 : i32
      %add3A_1488 = arith.constant 0 : i32
      %add3A_1489 = arith.addi %add3A_1487, %add3A_1488 : i32
      %swap3A_1490 = arith.index_cast %add3A_1489 : i32 to index
      %swap3A_1491 = tpu.vector_load %arg7[%swap3A_1490] {strides = array<i32>} : memref<16384xf32, #tpu.memory_space<vmem>>, vector<16xf32>,
      tpu.vector_store %arg7[%swap3A_1490], %get3A_1485 {add = true, strides = array<i32>} : memref<16384xf32, #tpu.memory_space<vmem>>, vector<16xf32>,
      %add3A_1492 = arith.constant 896 : i32
      %add3A_1493 = arith.addi %reduce_max3A_779, %add3A_1492 : i32
      %add3A_1494 = arith.constant 16 : i32
      %add3A_1495 = arith.addi %add3A_1493, %add3A_1494 : i32
      %get3A_1496 = arith.index_cast %add3A_1495 : i32 to index
      %get3A_1497 = tpu.vector_load %arg6[%get3A_1496] {strides = array<i32>} : memref<74752xf32, #tpu.memory_space<vmem>>, vector<16xf32>,
      %add3A_1498 = arith.constant 7168 : i32
      %add3A_1499 = arith.addi %add3A_807, %add3A_1498 : i32
      %add3A_1500 = arith.constant 16 : i32
      %add3A_1501 = arith.addi %add3A_1499, %add3A_1500 : i32
      %swap3A_1502 = arith.index_cast %add3A_1501 : i32 to index
      %swap3A_1503 = tpu.vector_load %arg7[%swap3A_1502] {strides = array<i32>} : memref<16384xf32, #tpu.memory_space<vmem>>, vector<16xf32>,
      tpu.vector_store %arg7[%swap3A_1502], %get3A_1497 {add = true, strides = array<i32>} : memref<16384xf32, #tpu.memory_space<vmem>>, vector<16xf32>,
      %add3A_1504 = arith.constant 896 : i32
      %add3A_1505 = arith.addi %reduce_max3A_779, %add3A_1504 : i32
      %add3A_1506 = arith.constant 32 : i32
      %add3A_1507 = arith.addi %add3A_1505, %add3A_1506 : i32
      %get3A_1508 = arith.index_cast %add3A_1507 : i32 to index
      %get3A_1509 = tpu.vector_load %arg6[%get3A_1508] {strides = array<i32>} : memref<74752xf32, #tpu.memory_space<vmem>>, vector<16xf32>,
      %add3A_1510 = arith.constant 7168 : i32
      %add3A_1511 = arith.addi %add3A_807, %add3A_1510 : i32
      %add3A_1512 = arith.constant 32 : i32
      %add3A_1513 = arith.addi %add3A_1511, %add3A_1512 : i32
      %swap3A_1514 = arith.index_cast %add3A_1513 : i32 to index
      %swap3A_1515 = tpu.vector_load %arg7[%swap3A_1514] {strides = array<i32>} : memref<16384xf32, #tpu.memory_space<vmem>>, vector<16xf32>,
      tpu.vector_store %arg7[%swap3A_1514], %get3A_1509 {add = true, strides = array<i32>} : memref<16384xf32, #tpu.memory_space<vmem>>, vector<16xf32>,
      %add3A_1516 = arith.constant 896 : i32
      %add3A_1517 = arith.addi %reduce_max3A_779, %add3A_1516 : i32
      %add3A_1518 = arith.constant 48 : i32
      %add3A_1519 = arith.addi %add3A_1517, %add3A_1518 : i32
      %get3A_1520 = arith.index_cast %add3A_1519 : i32 to index
      %get3A_1521 = tpu.vector_load %arg6[%get3A_1520] {strides = array<i32>} : memref<74752xf32, #tpu.memory_space<vmem>>, vector<16xf32>,
      %add3A_1522 = arith.constant 7168 : i32
      %add3A_1523 = arith.addi %add3A_807, %add3A_1522 : i32
      %add3A_1524 = arith.constant 48 : i32
      %add3A_1525 = arith.addi %add3A_1523, %add3A_1524 : i32
      %swap3A_1526 = arith.index_cast %add3A_1525 : i32 to index
      %swap3A_1527 = tpu.vector_load %arg7[%swap3A_1526] {strides = array<i32>} : memref<16384xf32, #tpu.memory_space<vmem>>, vector<16xf32>,
      tpu.vector_store %arg7[%swap3A_1526], %get3A_1521 {add = true, strides = array<i32>} : memref<16384xf32, #tpu.memory_space<vmem>>, vector<16xf32>,
      %add3A_1528 = arith.constant 896 : i32
      %add3A_1529 = arith.addi %reduce_max3A_779, %add3A_1528 : i32
      %add3A_1530 = arith.constant 64 : i32
      %add3A_1531 = arith.addi %add3A_1529, %add3A_1530 : i32
      %get3A_1532 = arith.index_cast %add3A_1531 : i32 to index
      %get3A_1533 = tpu.vector_load %arg6[%get3A_1532] {strides = array<i32>} : memref<74752xf32, #tpu.memory_space<vmem>>, vector<16xf32>,
      %add3A_1534 = arith.constant 7168 : i32
      %add3A_1535 = arith.addi %add3A_807, %add3A_1534 : i32
      %add3A_1536 = arith.constant 64 : i32
      %add3A_1537 = arith.addi %add3A_1535, %add3A_1536 : i32
      %swap3A_1538 = arith.index_cast %add3A_1537 : i32 to index
      %swap3A_1539 = tpu.vector_load %arg7[%swap3A_1538] {strides = array<i32>} : memref<16384xf32, #tpu.memory_space<vmem>>, vector<16xf32>,
      tpu.vector_store %arg7[%swap3A_1538], %get3A_1533 {add = true, strides = array<i32>} : memref<16384xf32, #tpu.memory_space<vmem>>, vector<16xf32>,
      %add3A_1540 = arith.constant 896 : i32
      %add3A_1541 = arith.addi %reduce_max3A_779, %add3A_1540 : i32
      %add3A_1542 = arith.constant 80 : i32
      %add3A_1543 = arith.addi %add3A_1541, %add3A_1542 : i32
      %get3A_1544 = arith.index_cast %add3A_1543 : i32 to index
      %get3A_1545 = tpu.vector_load %arg6[%get3A_1544] {strides = array<i32>} : memref<74752xf32, #tpu.memory_space<vmem>>, vector<16xf32>,
      %add3A_1546 = arith.constant 7168 : i32
      %add3A_1547 = arith.addi %add3A_807, %add3A_1546 : i32
      %add3A_1548 = arith.constant 80 : i32
      %add3A_1549 = arith.addi %add3A_1547, %add3A_1548 : i32
      %swap3A_1550 = arith.index_cast %add3A_1549 : i32 to index
      %swap3A_1551 = tpu.vector_load %arg7[%swap3A_1550] {strides = array<i32>} : memref<16384xf32, #tpu.memory_space<vmem>>, vector<16xf32>,
      tpu.vector_store %arg7[%swap3A_1550], %get3A_1545 {add = true, strides = array<i32>} : memref<16384xf32, #tpu.memory_space<vmem>>, vector<16xf32>,
      %add3A_1552 = arith.constant 896 : i32
      %add3A_1553 = arith.addi %reduce_max3A_779, %add3A_1552 : i32
      %add3A_1554 = arith.constant 96 : i32
      %add3A_1555 = arith.addi %add3A_1553, %add3A_1554 : i32
      %get3A_1556 = arith.index_cast %add3A_1555 : i32 to index
      %get3A_1557 = tpu.vector_load %arg6[%get3A_1556] {strides = array<i32>} : memref<74752xf32, #tpu.memory_space<vmem>>, vector<16xf32>,
      %add3A_1558 = arith.constant 7168 : i32
      %add3A_1559 = arith.addi %add3A_807, %add3A_1558 : i32
      %add3A_1560 = arith.constant 96 : i32
      %add3A_1561 = arith.addi %add3A_1559, %add3A_1560 : i32
      %swap3A_1562 = arith.index_cast %add3A_1561 : i32 to index
      %swap3A_1563 = tpu.vector_load %arg7[%swap3A_1562] {strides = array<i32>} : memref<16384xf32, #tpu.memory_space<vmem>>, vector<16xf32>,
      tpu.vector_store %arg7[%swap3A_1562], %get3A_1557 {add = true, strides = array<i32>} : memref<16384xf32, #tpu.memory_space<vmem>>, vector<16xf32>,
      %add3A_1564 = arith.constant 896 : i32
      %add3A_1565 = arith.addi %reduce_max3A_779, %add3A_1564 : i32
      %add3A_1566 = arith.constant 112 : i32
      %add3A_1567 = arith.addi %add3A_1565, %add3A_1566 : i32
      %get3A_1568 = arith.index_cast %add3A_1567 : i32 to index
      %get3A_1569 = tpu.vector_load %arg6[%get3A_1568] {strides = array<i32>} : memref<74752xf32, #tpu.memory_space<vmem>>, vector<16xf32>,
      %add3A_1570 = arith.constant 7168 : i32
      %add3A_1571 = arith.addi %add3A_807, %add3A_1570 : i32
      %add3A_1572 = arith.constant 112 : i32
      %add3A_1573 = arith.addi %add3A_1571, %add3A_1572 : i32
      %swap3A_1574 = arith.index_cast %add3A_1573 : i32 to index
      %swap3A_1575 = tpu.vector_load %arg7[%swap3A_1574] {strides = array<i32>} : memref<16384xf32, #tpu.memory_space<vmem>>, vector<16xf32>,
      tpu.vector_store %arg7[%swap3A_1574], %get3A_1569 {add = true, strides = array<i32>} : memref<16384xf32, #tpu.memory_space<vmem>>, vector<16xf32>,
    }
    %scan3A_706 = arith.constant 8 : i32
    %add3A_707 = arith.constant 0 : i32
    %add3A_708 = arith.addi %mul3A_2, %add3A_707 : i32
    %mul3A_709 = arith.constant 1024 : i32
    %mul3A_710 = arith.muli %add3A_708, %mul3A_709 : i32
    %dma_start3A_711 = arith.constant 0 : i32
    %dma_start3A_712 = tpu.memref_slice %arg7[%dma_start3A_711] : memref<16384xf32, #tpu.memory_space<vmem>> -> memref<8192xf32, #tpu.memory_space<vmem>>
    %dma_start3A_713 = tpu.memref_slice %arg5[%mul3A_710] : memref<524288xf32, #tpu.memory_space<hbm>> -> memref<8192xf32, #tpu.memory_space<hbm>>
    %dma_start3A_714 = tpu.memref_slice %arg5[%mul3A_710] : memref<524288xf32, #tpu.memory_space<hbm>> -> memref<8192xf32, #tpu.memory_space<hbm>>
    %dma_start3A_715 = arith.constant 0 : i32
    %dma_start3A_716 = tpu.memref_slice %arg7[%dma_start3A_715] : memref<16384xf32, #tpu.memory_space<vmem>> -> memref<8192xf32, #tpu.memory_space<vmem>>
    tpu.enqueue_dma source(%dma_start3A_716 : memref<8192xf32, #tpu.memory_space<vmem>>) target(%dma_start3A_714 : memref<8192xf32, #tpu.memory_space<hbm>>) target_semaphore(%arg15 : memref<!tpu.dma_semaphore, #tpu.memory_space<semaphore_mem>>)
    %add3A_717 = arith.constant 8 : i32
    %add3A_718 = arith.addi %mul3A_2, %add3A_717 : i32
    %mul3A_719 = arith.constant 1024 : i32
    %mul3A_720 = arith.muli %add3A_718, %mul3A_719 : i32
    %dma_wait3A_721 = arith.constant 8192 : i32
    %dma_wait3A_722 = tpu.memref_slice %arg7[%dma_wait3A_721] : memref<16384xf32, #tpu.memory_space<vmem>> -> memref<8192xf32, #tpu.memory_space<vmem>>
    %dma_wait3A_723 = tpu.memref_slice %arg2[%mul3A_720] : memref<8388608xf32, #tpu.memory_space<hbm>> -> memref<8192xf32, #tpu.memory_space<hbm>>
    %dma_wait3A_724 = arith.constant 8192 : i32
    %dma_wait3A_725 = tpu.memref_slice %arg7[%dma_wait3A_724] : memref<16384xf32, #tpu.memory_space<vmem>> -> memref<8192xf32, #tpu.memory_space<vmem>>
    %dma_wait3A_726 = tpu.memref_slice %arg2[%mul3A_720] : memref<8388608xf32, #tpu.memory_space<hbm>> -> memref<8192xf32, #tpu.memory_space<hbm>>
    tpu.wait_dma2 semaphore(%arg14 : memref<!tpu.dma_semaphore, #tpu.memory_space<semaphore_mem>>) src(%dma_wait3A_726 : memref<8192xf32, #tpu.memory_space<hbm>>) dst(%dma_wait3A_725 : memref<8192xf32, #tpu.memory_space<vmem>>)
    %get3A_727 = arith.constant 0 : index
    %get3A_728 = tpu.vector_load %arg9[%get3A_727] {strides = array<i32>} : memref<16xi32, #tpu.memory_space<vmem>>, vector<16xi32>,
    %scan3A_729 = arith.constant 0 : i32
    %scan3A_730 = arith.constant 0 : i32
    %scan3A_731 = arith.constant 8 : i32
    %scan3A_732 = arith.addi %scan3A_730, %scan3A_731 : i32
    %scan3A_733 = arith.constant 1 : i32
    scf.for %scan3A_765 = %scan3A_730 to %scan3A_732 step %scan3A_733  : i32 {
      %add3A_766 = arith.constant 8 : i32
      %add3A_767 = arith.addi %scan3A_765, %add3A_766 : i32
      %eq3A_768 = vector.broadcast %add3A_767 : i32 to vector<16xi32>
      %eq3A_769 = arith.cmpi eq, %iota3A, %eq3A_768 : vector<16xi32>
      %jit3A_770 = arith.constant 0 : i32
      %broadcast_in_dim3A_771 = vector.broadcast %jit3A_770 : i32 to vector<16xi32>
      %select_n3A_772 = arith.select %eq3A_769, %get3A_728, %broadcast_in_dim3A_771 : vector<16xi1>, vector<16xi32>
      %reduce_max3A = arith.constant true
      %reduce_max3A_773 = vector.broadcast %reduce_max3A : i1 to vector<16xi1>
      %reduce_max3A_774 = arith.constant -2147483648 : i32
      %reduce_max3A_775 = vector.broadcast %reduce_max3A_774 : i32 to vector<16xi32>
      %reduce_max3A_776 = arith.xori %select_n3A_772, %reduce_max3A_775 : vector<16xi32>
      %reduce_max3A_777 = tpu.scan <max>, %reduce_max3A_776 masked %reduce_max3A_773 : vector<16xi32>, vector<16xi1> -> vector<16xi32>
      %reduce_max3A_778 = arith.xori %reduce_max3A_777, %reduce_max3A_775 : vector<16xi32>
      %reduce_max3A_779 = vector.extract %reduce_max3A_778[15] : i32 from vector<16xi32>
      %jit3A_780 = arith.constant 8 : i32
      %div3A = arith.divsi %scan3A_765, %jit3A_780 : i32
      %sign3A = arith.constant 0 : i32
      %sign3A_781 = arith.cmpi sgt, %scan3A_765, %sign3A : i32
      %sign3A_782 = arith.extui %sign3A_781 : i1 to i32
      %sign3A_783 = arith.constant 0 : i32
      %sign3A_784 = arith.cmpi slt, %scan3A_765, %sign3A_783 : i32
      %sign3A_785 = arith.extui %sign3A_784 : i1 to i32
      %sign3A_786 = arith.subi %sign3A_782, %sign3A_785 : i32
      %sign3A_787 = arith.constant 0 : i32
      %sign3A_788 = arith.cmpi sgt, %jit3A_780, %sign3A_787 : i32
      %sign3A_789 = arith.extui %sign3A_788 : i1 to i32
      %sign3A_790 = arith.constant 0 : i32
      %sign3A_791 = arith.cmpi slt, %jit3A_780, %sign3A_790 : i32
      %sign3A_792 = arith.extui %sign3A_791 : i1 to i32
      %sign3A_793 = arith.subi %sign3A_789, %sign3A_792 : i32
      %ne3A = arith.cmpi ne, %sign3A_786, %sign3A_793 : i32
      %rem3A = arith.remsi %scan3A_765, %jit3A_780 : i32
      %ne3A_794 = arith.constant 0 : i32
      %ne3A_795 = arith.cmpi ne, %rem3A, %ne3A_794 : i32
      %and3A = arith.andi %ne3A, %ne3A_795 : i1
      %sub3A = arith.constant 1 : i32
      %sub3A_796 = arith.subi %div3A, %sub3A : i32
      %select_n3A_797 = arith.select %and3A, %sub3A_796, %div3A : i32
      %mul3A_798 = arith.constant 8 : i32
      %mul3A_799 = arith.muli %select_n3A_797, %mul3A_798 : i32
      %sub3A_800 = arith.subi %scan3A_765, %mul3A_799 : i32
      %mul3A_801 = arith.constant 8192 : i32
      %mul3A_802 = arith.muli %select_n3A_797, %mul3A_801 : i32
      %add3A_803 = arith.constant 8192 : i32
      %add3A_804 = arith.addi %add3A_803, %mul3A_802 : i32
      %mul3A_805 = arith.constant 128 : i32
      %mul3A_806 = arith.muli %sub3A_800, %mul3A_805 : i32
      %add3A_807 = arith.addi %add3A_804, %mul3A_806 : i32
      %add3A_808 = arith.constant 0 : i32
      %add3A_809 = arith.addi %reduce_max3A_779, %add3A_808 : i32
      %add3A_810 = arith.constant 0 : i32
      %add3A_811 = arith.addi %add3A_809, %add3A_810 : i32
      %get3A_812 = arith.index_cast %add3A_811 : i32 to index
      %get3A_813 = tpu.vector_load %arg6[%get3A_812] {strides = array<i32>} : memref<74752xf32, #tpu.memory_space<vmem>>, vector<16xf32>,
      %add3A_814 = arith.constant 0 : i32
      %add3A_815 = arith.addi %add3A_807, %add3A_814 : i32
      %add3A_816 = arith.constant 0 : i32
      %add3A_817 = arith.addi %add3A_815, %add3A_816 : i32
      %swap3A_818 = arith.index_cast %add3A_817 : i32 to index
      %swap3A_819 = tpu.vector_load %arg7[%swap3A_818] {strides = array<i32>} : memref<16384xf32, #tpu.memory_space<vmem>>, vector<16xf32>,
      tpu.vector_store %arg7[%swap3A_818], %get3A_813 {add = true, strides = array<i32>} : memref<16384xf32, #tpu.memory_space<vmem>>, vector<16xf32>,
      %add3A_820 = arith.constant 0 : i32
      %add3A_821 = arith.addi %reduce_max3A_779, %add3A_820 : i32
      %add3A_822 = arith.constant 16 : i32
      %add3A_823 = arith.addi %add3A_821, %add3A_822 : i32
      %get3A_824 = arith.index_cast %add3A_823 : i32 to index
      %get3A_825 = tpu.vector_load %arg6[%get3A_824] {strides = array<i32>} : memref<74752xf32, #tpu.memory_space<vmem>>, vector<16xf32>,
      %add3A_826 = arith.constant 0 : i32
      %add3A_827 = arith.addi %add3A_807, %add3A_826 : i32
      %add3A_828 = arith.constant 16 : i32
      %add3A_829 = arith.addi %add3A_827, %add3A_828 : i32
      %swap3A_830 = arith.index_cast %add3A_829 : i32 to index
      %swap3A_831 = tpu.vector_load %arg7[%swap3A_830] {strides = array<i32>} : memref<16384xf32, #tpu.memory_space<vmem>>, vector<16xf32>,
      tpu.vector_store %arg7[%swap3A_830], %get3A_825 {add = true, strides = array<i32>} : memref<16384xf32, #tpu.memory_space<vmem>>, vector<16xf32>,
      %add3A_832 = arith.constant 0 : i32
      %add3A_833 = arith.addi %reduce_max3A_779, %add3A_832 : i32
      %add3A_834 = arith.constant 32 : i32
      %add3A_835 = arith.addi %add3A_833, %add3A_834 : i32
      %get3A_836 = arith.index_cast %add3A_835 : i32 to index
      %get3A_837 = tpu.vector_load %arg6[%get3A_836] {strides = array<i32>} : memref<74752xf32, #tpu.memory_space<vmem>>, vector<16xf32>,
      %add3A_838 = arith.constant 0 : i32
      %add3A_839 = arith.addi %add3A_807, %add3A_838 : i32
      %add3A_840 = arith.constant 32 : i32
      %add3A_841 = arith.addi %add3A_839, %add3A_840 : i32
      %swap3A_842 = arith.index_cast %add3A_841 : i32 to index
      %swap3A_843 = tpu.vector_load %arg7[%swap3A_842] {strides = array<i32>} : memref<16384xf32, #tpu.memory_space<vmem>>, vector<16xf32>,
      tpu.vector_store %arg7[%swap3A_842], %get3A_837 {add = true, strides = array<i32>} : memref<16384xf32, #tpu.memory_space<vmem>>, vector<16xf32>,
      %add3A_844 = arith.constant 0 : i32
      %add3A_845 = arith.addi %reduce_max3A_779, %add3A_844 : i32
      %add3A_846 = arith.constant 48 : i32
      %add3A_847 = arith.addi %add3A_845, %add3A_846 : i32
      %get3A_848 = arith.index_cast %add3A_847 : i32 to index
      %get3A_849 = tpu.vector_load %arg6[%get3A_848] {strides = array<i32>} : memref<74752xf32, #tpu.memory_space<vmem>>, vector<16xf32>,
      %add3A_850 = arith.constant 0 : i32
      %add3A_851 = arith.addi %add3A_807, %add3A_850 : i32
      %add3A_852 = arith.constant 48 : i32
      %add3A_853 = arith.addi %add3A_851, %add3A_852 : i32
      %swap3A_854 = arith.index_cast %add3A_853 : i32 to index
      %swap3A_855 = tpu.vector_load %arg7[%swap3A_854] {strides = array<i32>} : memref<16384xf32, #tpu.memory_space<vmem>>, vector<16xf32>,
      tpu.vector_store %arg7[%swap3A_854], %get3A_849 {add = true, strides = array<i32>} : memref<16384xf32, #tpu.memory_space<vmem>>, vector<16xf32>,
      %add3A_856 = arith.constant 0 : i32
      %add3A_857 = arith.addi %reduce_max3A_779, %add3A_856 : i32
      %add3A_858 = arith.constant 64 : i32
      %add3A_859 = arith.addi %add3A_857, %add3A_858 : i32
      %get3A_860 = arith.index_cast %add3A_859 : i32 to index
      %get3A_861 = tpu.vector_load %arg6[%get3A_860] {strides = array<i32>} : memref<74752xf32, #tpu.memory_space<vmem>>, vector<16xf32>,
      %add3A_862 = arith.constant 0 : i32
      %add3A_863 = arith.addi %add3A_807, %add3A_862 : i32
      %add3A_864 = arith.constant 64 : i32
      %add3A_865 = arith.addi %add3A_863, %add3A_864 : i32
      %swap3A_866 = arith.index_cast %add3A_865 : i32 to index
      %swap3A_867 = tpu.vector_load %arg7[%swap3A_866] {strides = array<i32>} : memref<16384xf32, #tpu.memory_space<vmem>>, vector<16xf32>,
      tpu.vector_store %arg7[%swap3A_866], %get3A_861 {add = true, strides = array<i32>} : memref<16384xf32, #tpu.memory_space<vmem>>, vector<16xf32>,
      %add3A_868 = arith.constant 0 : i32
      %add3A_869 = arith.addi %reduce_max3A_779, %add3A_868 : i32
      %add3A_870 = arith.constant 80 : i32
      %add3A_871 = arith.addi %add3A_869, %add3A_870 : i32
      %get3A_872 = arith.index_cast %add3A_871 : i32 to index
      %get3A_873 = tpu.vector_load %arg6[%get3A_872] {strides = array<i32>} : memref<74752xf32, #tpu.memory_space<vmem>>, vector<16xf32>,
      %add3A_874 = arith.constant 0 : i32
      %add3A_875 = arith.addi %add3A_807, %add3A_874 : i32
      %add3A_876 = arith.constant 80 : i32
      %add3A_877 = arith.addi %add3A_875, %add3A_876 : i32
      %swap3A_878 = arith.index_cast %add3A_877 : i32 to index
      %swap3A_879 = tpu.vector_load %arg7[%swap3A_878] {strides = array<i32>} : memref<16384xf32, #tpu.memory_space<vmem>>, vector<16xf32>,
      tpu.vector_store %arg7[%swap3A_878], %get3A_873 {add = true, strides = array<i32>} : memref<16384xf32, #tpu.memory_space<vmem>>, vector<16xf32>,
      %add3A_880 = arith.constant 0 : i32
      %add3A_881 = arith.addi %reduce_max3A_779, %add3A_880 : i32
      %add3A_882 = arith.constant 96 : i32
      %add3A_883 = arith.addi %add3A_881, %add3A_882 : i32
      %get3A_884 = arith.index_cast %add3A_883 : i32 to index
      %get3A_885 = tpu.vector_load %arg6[%get3A_884] {strides = array<i32>} : memref<74752xf32, #tpu.memory_space<vmem>>, vector<16xf32>,
      %add3A_886 = arith.constant 0 : i32
      %add3A_887 = arith.addi %add3A_807, %add3A_886 : i32
      %add3A_888 = arith.constant 96 : i32
      %add3A_889 = arith.addi %add3A_887, %add3A_888 : i32
      %swap3A_890 = arith.index_cast %add3A_889 : i32 to index
      %swap3A_891 = tpu.vector_load %arg7[%swap3A_890] {strides = array<i32>} : memref<16384xf32, #tpu.memory_space<vmem>>, vector<16xf32>,
      tpu.vector_store %arg7[%swap3A_890], %get3A_885 {add = true, strides = array<i32>} : memref<16384xf32, #tpu.memory_space<vmem>>, vector<16xf32>,
      %add3A_892 = arith.constant 0 : i32
      %add3A_893 = arith.addi %reduce_max3A_779, %add3A_892 : i32
      %add3A_894 = arith.constant 112 : i32
      %add3A_895 = arith.addi %add3A_893, %add3A_894 : i32
      %get3A_896 = arith.index_cast %add3A_895 : i32 to index
      %get3A_897 = tpu.vector_load %arg6[%get3A_896] {strides = array<i32>} : memref<74752xf32, #tpu.memory_space<vmem>>, vector<16xf32>,
      %add3A_898 = arith.constant 0 : i32
      %add3A_899 = arith.addi %add3A_807, %add3A_898 : i32
      %add3A_900 = arith.constant 112 : i32
      %add3A_901 = arith.addi %add3A_899, %add3A_900 : i32
      %swap3A_902 = arith.index_cast %add3A_901 : i32 to index
      %swap3A_903 = tpu.vector_load %arg7[%swap3A_902] {strides = array<i32>} : memref<16384xf32, #tpu.memory_space<vmem>>, vector<16xf32>,
      tpu.vector_store %arg7[%swap3A_902], %get3A_897 {add = true, strides = array<i32>} : memref<16384xf32, #tpu.memory_space<vmem>>, vector<16xf32>,
      %add3A_904 = arith.constant 128 : i32
      %add3A_905 = arith.addi %reduce_max3A_779, %add3A_904 : i32
      %add3A_906 = arith.constant 0 : i32
      %add3A_907 = arith.addi %add3A_905, %add3A_906 : i32
      %get3A_908 = arith.index_cast %add3A_907 : i32 to index
      %get3A_909 = tpu.vector_load %arg6[%get3A_908] {strides = array<i32>} : memref<74752xf32, #tpu.memory_space<vmem>>, vector<16xf32>,
      %add3A_910 = arith.constant 1024 : i32
      %add3A_911 = arith.addi %add3A_807, %add3A_910 : i32
      %add3A_912 = arith.constant 0 : i32
      %add3A_913 = arith.addi %add3A_911, %add3A_912 : i32
      %swap3A_914 = arith.index_cast %add3A_913 : i32 to index
      %swap3A_915 = tpu.vector_load %arg7[%swap3A_914] {strides = array<i32>} : memref<16384xf32, #tpu.memory_space<vmem>>, vector<16xf32>,
      tpu.vector_store %arg7[%swap3A_914], %get3A_909 {add = true, strides = array<i32>} : memref<16384xf32, #tpu.memory_space<vmem>>, vector<16xf32>,
      %add3A_916 = arith.constant 128 : i32
      %add3A_917 = arith.addi %reduce_max3A_779, %add3A_916 : i32
      %add3A_918 = arith.constant 16 : i32
      %add3A_919 = arith.addi %add3A_917, %add3A_918 : i32
      %get3A_920 = arith.index_cast %add3A_919 : i32 to index
      %get3A_921 = tpu.vector_load %arg6[%get3A_920] {strides = array<i32>} : memref<74752xf32, #tpu.memory_space<vmem>>, vector<16xf32>,
      %add3A_922 = arith.constant 1024 : i32
      %add3A_923 = arith.addi %add3A_807, %add3A_922 : i32
      %add3A_924 = arith.constant 16 : i32
      %add3A_925 = arith.addi %add3A_923, %add3A_924 : i32
      %swap3A_926 = arith.index_cast %add3A_925 : i32 to index
      %swap3A_927 = tpu.vector_load %arg7[%swap3A_926] {strides = array<i32>} : memref<16384xf32, #tpu.memory_space<vmem>>, vector<16xf32>,
      tpu.vector_store %arg7[%swap3A_926], %get3A_921 {add = true, strides = array<i32>} : memref<16384xf32, #tpu.memory_space<vmem>>, vector<16xf32>,
      %add3A_928 = arith.constant 128 : i32
      %add3A_929 = arith.addi %reduce_max3A_779, %add3A_928 : i32
      %add3A_930 = arith.constant 32 : i32
      %add3A_931 = arith.addi %add3A_929, %add3A_930 : i32
      %get3A_932 = arith.index_cast %add3A_931 : i32 to index
      %get3A_933 = tpu.vector_load %arg6[%get3A_932] {strides = array<i32>} : memref<74752xf32, #tpu.memory_space<vmem>>, vector<16xf32>,
      %add3A_934 = arith.constant 1024 : i32
      %add3A_935 = arith.addi %add3A_807, %add3A_934 : i32
      %add3A_936 = arith.constant 32 : i32
      %add3A_937 = arith.addi %add3A_935, %add3A_936 : i32
      %swap3A_938 = arith.index_cast %add3A_937 : i32 to index
      %swap3A_939 = tpu.vector_load %arg7[%swap3A_938] {strides = array<i32>} : memref<16384xf32, #tpu.memory_space<vmem>>, vector<16xf32>,
      tpu.vector_store %arg7[%swap3A_938], %get3A_933 {add = true, strides = array<i32>} : memref<16384xf32, #tpu.memory_space<vmem>>, vector<16xf32>,
      %add3A_940 = arith.constant 128 : i32
      %add3A_941 = arith.addi %reduce_max3A_779, %add3A_940 : i32
      %add3A_942 = arith.constant 48 : i32
      %add3A_943 = arith.addi %add3A_941, %add3A_942 : i32
      %get3A_944 = arith.index_cast %add3A_943 : i32 to index
      %get3A_945 = tpu.vector_load %arg6[%get3A_944] {strides = array<i32>} : memref<74752xf32, #tpu.memory_space<vmem>>, vector<16xf32>,
      %add3A_946 = arith.constant 1024 : i32
      %add3A_947 = arith.addi %add3A_807, %add3A_946 : i32
      %add3A_948 = arith.constant 48 : i32
      %add3A_949 = arith.addi %add3A_947, %add3A_948 : i32
      %swap3A_950 = arith.index_cast %add3A_949 : i32 to index
      %swap3A_951 = tpu.vector_load %arg7[%swap3A_950] {strides = array<i32>} : memref<16384xf32, #tpu.memory_space<vmem>>, vector<16xf32>,
      tpu.vector_store %arg7[%swap3A_950], %get3A_945 {add = true, strides = array<i32>} : memref<16384xf32, #tpu.memory_space<vmem>>, vector<16xf32>,
      %add3A_952 = arith.constant 128 : i32
      %add3A_953 = arith.addi %reduce_max3A_779, %add3A_952 : i32
      %add3A_954 = arith.constant 64 : i32
      %add3A_955 = arith.addi %add3A_953, %add3A_954 : i32
      %get3A_956 = arith.index_cast %add3A_955 : i32 to index
      %get3A_957 = tpu.vector_load %arg6[%get3A_956] {strides = array<i32>} : memref<74752xf32, #tpu.memory_space<vmem>>, vector<16xf32>,
      %add3A_958 = arith.constant 1024 : i32
      %add3A_959 = arith.addi %add3A_807, %add3A_958 : i32
      %add3A_960 = arith.constant 64 : i32
      %add3A_961 = arith.addi %add3A_959, %add3A_960 : i32
      %swap3A_962 = arith.index_cast %add3A_961 : i32 to index
      %swap3A_963 = tpu.vector_load %arg7[%swap3A_962] {strides = array<i32>} : memref<16384xf32, #tpu.memory_space<vmem>>, vector<16xf32>,
      tpu.vector_store %arg7[%swap3A_962], %get3A_957 {add = true, strides = array<i32>} : memref<16384xf32, #tpu.memory_space<vmem>>, vector<16xf32>,
      %add3A_964 = arith.constant 128 : i32
      %add3A_965 = arith.addi %reduce_max3A_779, %add3A_964 : i32
      %add3A_966 = arith.constant 80 : i32
      %add3A_967 = arith.addi %add3A_965, %add3A_966 : i32
      %get3A_968 = arith.index_cast %add3A_967 : i32 to index
      %get3A_969 = tpu.vector_load %arg6[%get3A_968] {strides = array<i32>} : memref<74752xf32, #tpu.memory_space<vmem>>, vector<16xf32>,
      %add3A_970 = arith.constant 1024 : i32
      %add3A_971 = arith.addi %add3A_807, %add3A_970 : i32
      %add3A_972 = arith.constant 80 : i32
      %add3A_973 = arith.addi %add3A_971, %add3A_972 : i32
      %swap3A_974 = arith.index_cast %add3A_973 : i32 to index
      %swap3A_975 = tpu.vector_load %arg7[%swap3A_974] {strides = array<i32>} : memref<16384xf32, #tpu.memory_space<vmem>>, vector<16xf32>,
      tpu.vector_store %arg7[%swap3A_974], %get3A_969 {add = true, strides = array<i32>} : memref<16384xf32, #tpu.memory_space<vmem>>, vector<16xf32>,
      %add3A_976 = arith.constant 128 : i32
      %add3A_977 = arith.addi %reduce_max3A_779, %add3A_976 : i32
      %add3A_978 = arith.constant 96 : i32
      %add3A_979 = arith.addi %add3A_977, %add3A_978 : i32
      %get3A_980 = arith.index_cast %add3A_979 : i32 to index
      %get3A_981 = tpu.vector_load %arg6[%get3A_980] {strides = array<i32>} : memref<74752xf32, #tpu.memory_space<vmem>>, vector<16xf32>,
      %add3A_982 = arith.constant 1024 : i32
      %add3A_983 = arith.addi %add3A_807, %add3A_982 : i32
      %add3A_984 = arith.constant 96 : i32
      %add3A_985 = arith.addi %add3A_983, %add3A_984 : i32
      %swap3A_986 = arith.index_cast %add3A_985 : i32 to index
      %swap3A_987 = tpu.vector_load %arg7[%swap3A_986] {strides = array<i32>} : memref<16384xf32, #tpu.memory_space<vmem>>, vector<16xf32>,
      tpu.vector_store %arg7[%swap3A_986], %get3A_981 {add = true, strides = array<i32>} : memref<16384xf32, #tpu.memory_space<vmem>>, vector<16xf32>,
      %add3A_988 = arith.constant 128 : i32
      %add3A_989 = arith.addi %reduce_max3A_779, %add3A_988 : i32
      %add3A_990 = arith.constant 112 : i32
      %add3A_991 = arith.addi %add3A_989, %add3A_990 : i32
      %get3A_992 = arith.index_cast %add3A_991 : i32 to index
      %get3A_993 = tpu.vector_load %arg6[%get3A_992] {strides = array<i32>} : memref<74752xf32, #tpu.memory_space<vmem>>, vector<16xf32>,
      %add3A_994 = arith.constant 1024 : i32
      %add3A_995 = arith.addi %add3A_807, %add3A_994 : i32
      %add3A_996 = arith.constant 112 : i32
      %add3A_997 = arith.addi %add3A_995, %add3A_996 : i32
      %swap3A_998 = arith.index_cast %add3A_997 : i32 to index
      %swap3A_999 = tpu.vector_load %arg7[%swap3A_998] {strides = array<i32>} : memref<16384xf32, #tpu.memory_space<vmem>>, vector<16xf32>,
      tpu.vector_store %arg7[%swap3A_998], %get3A_993 {add = true, strides = array<i32>} : memref<16384xf32, #tpu.memory_space<vmem>>, vector<16xf32>,
      %add3A_1000 = arith.constant 256 : i32
      %add3A_1001 = arith.addi %reduce_max3A_779, %add3A_1000 : i32
      %add3A_1002 = arith.constant 0 : i32
      %add3A_1003 = arith.addi %add3A_1001, %add3A_1002 : i32
      %get3A_1004 = arith.index_cast %add3A_1003 : i32 to index
      %get3A_1005 = tpu.vector_load %arg6[%get3A_1004] {strides = array<i32>} : memref<74752xf32, #tpu.memory_space<vmem>>, vector<16xf32>,
      %add3A_1006 = arith.constant 2048 : i32
      %add3A_1007 = arith.addi %add3A_807, %add3A_1006 : i32
      %add3A_1008 = arith.constant 0 : i32
      %add3A_1009 = arith.addi %add3A_1007, %add3A_1008 : i32
      %swap3A_1010 = arith.index_cast %add3A_1009 : i32 to index
      %swap3A_1011 = tpu.vector_load %arg7[%swap3A_1010] {strides = array<i32>} : memref<16384xf32, #tpu.memory_space<vmem>>, vector<16xf32>,
      tpu.vector_store %arg7[%swap3A_1010], %get3A_1005 {add = true, strides = array<i32>} : memref<16384xf32, #tpu.memory_space<vmem>>, vector<16xf32>,
      %add3A_1012 = arith.constant 256 : i32
      %add3A_1013 = arith.addi %reduce_max3A_779, %add3A_1012 : i32
      %add3A_1014 = arith.constant 16 : i32
      %add3A_1015 = arith.addi %add3A_1013, %add3A_1014 : i32
      %get3A_1016 = arith.index_cast %add3A_1015 : i32 to index
      %get3A_1017 = tpu.vector_load %arg6[%get3A_1016] {strides = array<i32>} : memref<74752xf32, #tpu.memory_space<vmem>>, vector<16xf32>,
      %add3A_1018 = arith.constant 2048 : i32
      %add3A_1019 = arith.addi %add3A_807, %add3A_1018 : i32
      %add3A_1020 = arith.constant 16 : i32
      %add3A_1021 = arith.addi %add3A_1019, %add3A_1020 : i32
      %swap3A_1022 = arith.index_cast %add3A_1021 : i32 to index
      %swap3A_1023 = tpu.vector_load %arg7[%swap3A_1022] {strides = array<i32>} : memref<16384xf32, #tpu.memory_space<vmem>>, vector<16xf32>,
      tpu.vector_store %arg7[%swap3A_1022], %get3A_1017 {add = true, strides = array<i32>} : memref<16384xf32, #tpu.memory_space<vmem>>, vector<16xf32>,
      %add3A_1024 = arith.constant 256 : i32
      %add3A_1025 = arith.addi %reduce_max3A_779, %add3A_1024 : i32
      %add3A_1026 = arith.constant 32 : i32
      %add3A_1027 = arith.addi %add3A_1025, %add3A_1026 : i32
      %get3A_1028 = arith.index_cast %add3A_1027 : i32 to index
      %get3A_1029 = tpu.vector_load %arg6[%get3A_1028] {strides = array<i32>} : memref<74752xf32, #tpu.memory_space<vmem>>, vector<16xf32>,
      %add3A_1030 = arith.constant 2048 : i32
      %add3A_1031 = arith.addi %add3A_807, %add3A_1030 : i32
      %add3A_1032 = arith.constant 32 : i32
      %add3A_1033 = arith.addi %add3A_1031, %add3A_1032 : i32
      %swap3A_1034 = arith.index_cast %add3A_1033 : i32 to index
      %swap3A_1035 = tpu.vector_load %arg7[%swap3A_1034] {strides = array<i32>} : memref<16384xf32, #tpu.memory_space<vmem>>, vector<16xf32>,
      tpu.vector_store %arg7[%swap3A_1034], %get3A_1029 {add = true, strides = array<i32>} : memref<16384xf32, #tpu.memory_space<vmem>>, vector<16xf32>,
      %add3A_1036 = arith.constant 256 : i32
      %add3A_1037 = arith.addi %reduce_max3A_779, %add3A_1036 : i32
      %add3A_1038 = arith.constant 48 : i32
      %add3A_1039 = arith.addi %add3A_1037, %add3A_1038 : i32
      %get3A_1040 = arith.index_cast %add3A_1039 : i32 to index
      %get3A_1041 = tpu.vector_load %arg6[%get3A_1040] {strides = array<i32>} : memref<74752xf32, #tpu.memory_space<vmem>>, vector<16xf32>,
      %add3A_1042 = arith.constant 2048 : i32
      %add3A_1043 = arith.addi %add3A_807, %add3A_1042 : i32
      %add3A_1044 = arith.constant 48 : i32
      %add3A_1045 = arith.addi %add3A_1043, %add3A_1044 : i32
      %swap3A_1046 = arith.index_cast %add3A_1045 : i32 to index
      %swap3A_1047 = tpu.vector_load %arg7[%swap3A_1046] {strides = array<i32>} : memref<16384xf32, #tpu.memory_space<vmem>>, vector<16xf32>,
      tpu.vector_store %arg7[%swap3A_1046], %get3A_1041 {add = true, strides = array<i32>} : memref<16384xf32, #tpu.memory_space<vmem>>, vector<16xf32>,
      %add3A_1048 = arith.constant 256 : i32
      %add3A_1049 = arith.addi %reduce_max3A_779, %add3A_1048 : i32
      %add3A_1050 = arith.constant 64 : i32
      %add3A_1051 = arith.addi %add3A_1049, %add3A_1050 : i32
      %get3A_1052 = arith.index_cast %add3A_1051 : i32 to index
      %get3A_1053 = tpu.vector_load %arg6[%get3A_1052] {strides = array<i32>} : memref<74752xf32, #tpu.memory_space<vmem>>, vector<16xf32>,
      %add3A_1054 = arith.constant 2048 : i32
      %add3A_1055 = arith.addi %add3A_807, %add3A_1054 : i32
      %add3A_1056 = arith.constant 64 : i32
      %add3A_1057 = arith.addi %add3A_1055, %add3A_1056 : i32
      %swap3A_1058 = arith.index_cast %add3A_1057 : i32 to index
      %swap3A_1059 = tpu.vector_load %arg7[%swap3A_1058] {strides = array<i32>} : memref<16384xf32, #tpu.memory_space<vmem>>, vector<16xf32>,
      tpu.vector_store %arg7[%swap3A_1058], %get3A_1053 {add = true, strides = array<i32>} : memref<16384xf32, #tpu.memory_space<vmem>>, vector<16xf32>,
      %add3A_1060 = arith.constant 256 : i32
      %add3A_1061 = arith.addi %reduce_max3A_779, %add3A_1060 : i32
      %add3A_1062 = arith.constant 80 : i32
      %add3A_1063 = arith.addi %add3A_1061, %add3A_1062 : i32
      %get3A_1064 = arith.index_cast %add3A_1063 : i32 to index
      %get3A_1065 = tpu.vector_load %arg6[%get3A_1064] {strides = array<i32>} : memref<74752xf32, #tpu.memory_space<vmem>>, vector<16xf32>,
      %add3A_1066 = arith.constant 2048 : i32
      %add3A_1067 = arith.addi %add3A_807, %add3A_1066 : i32
      %add3A_1068 = arith.constant 80 : i32
      %add3A_1069 = arith.addi %add3A_1067, %add3A_1068 : i32
      %swap3A_1070 = arith.index_cast %add3A_1069 : i32 to index
      %swap3A_1071 = tpu.vector_load %arg7[%swap3A_1070] {strides = array<i32>} : memref<16384xf32, #tpu.memory_space<vmem>>, vector<16xf32>,
      tpu.vector_store %arg7[%swap3A_1070], %get3A_1065 {add = true, strides = array<i32>} : memref<16384xf32, #tpu.memory_space<vmem>>, vector<16xf32>,
      %add3A_1072 = arith.constant 256 : i32
      %add3A_1073 = arith.addi %reduce_max3A_779, %add3A_1072 : i32
      %add3A_1074 = arith.constant 96 : i32
      %add3A_1075 = arith.addi %add3A_1073, %add3A_1074 : i32
      %get3A_1076 = arith.index_cast %add3A_1075 : i32 to index
      %get3A_1077 = tpu.vector_load %arg6[%get3A_1076] {strides = array<i32>} : memref<74752xf32, #tpu.memory_space<vmem>>, vector<16xf32>,
      %add3A_1078 = arith.constant 2048 : i32
      %add3A_1079 = arith.addi %add3A_807, %add3A_1078 : i32
      %add3A_1080 = arith.constant 96 : i32
      %add3A_1081 = arith.addi %add3A_1079, %add3A_1080 : i32
      %swap3A_1082 = arith.index_cast %add3A_1081 : i32 to index
      %swap3A_1083 = tpu.vector_load %arg7[%swap3A_1082] {strides = array<i32>} : memref<16384xf32, #tpu.memory_space<vmem>>, vector<16xf32>,
      tpu.vector_store %arg7[%swap3A_1082], %get3A_1077 {add = true, strides = array<i32>} : memref<16384xf32, #tpu.memory_space<vmem>>, vector<16xf32>,
      %add3A_1084 = arith.constant 256 : i32
      %add3A_1085 = arith.addi %reduce_max3A_779, %add3A_1084 : i32
      %add3A_1086 = arith.constant 112 : i32
      %add3A_1087 = arith.addi %add3A_1085, %add3A_1086 : i32
      %get3A_1088 = arith.index_cast %add3A_1087 : i32 to index
      %get3A_1089 = tpu.vector_load %arg6[%get3A_1088] {strides = array<i32>} : memref<74752xf32, #tpu.memory_space<vmem>>, vector<16xf32>,
      %add3A_1090 = arith.constant 2048 : i32
      %add3A_1091 = arith.addi %add3A_807, %add3A_1090 : i32
      %add3A_1092 = arith.constant 112 : i32
      %add3A_1093 = arith.addi %add3A_1091, %add3A_1092 : i32
      %swap3A_1094 = arith.index_cast %add3A_1093 : i32 to index
      %swap3A_1095 = tpu.vector_load %arg7[%swap3A_1094] {strides = array<i32>} : memref<16384xf32, #tpu.memory_space<vmem>>, vector<16xf32>,
      tpu.vector_store %arg7[%swap3A_1094], %get3A_1089 {add = true, strides = array<i32>} : memref<16384xf32, #tpu.memory_space<vmem>>, vector<16xf32>,
      %add3A_1096 = arith.constant 384 : i32
      %add3A_1097 = arith.addi %reduce_max3A_779, %add3A_1096 : i32
      %add3A_1098 = arith.constant 0 : i32
      %add3A_1099 = arith.addi %add3A_1097, %add3A_1098 : i32
      %get3A_1100 = arith.index_cast %add3A_1099 : i32 to index
      %get3A_1101 = tpu.vector_load %arg6[%get3A_1100] {strides = array<i32>} : memref<74752xf32, #tpu.memory_space<vmem>>, vector<16xf32>,
      %add3A_1102 = arith.constant 3072 : i32
      %add3A_1103 = arith.addi %add3A_807, %add3A_1102 : i32
      %add3A_1104 = arith.constant 0 : i32
      %add3A_1105 = arith.addi %add3A_1103, %add3A_1104 : i32
      %swap3A_1106 = arith.index_cast %add3A_1105 : i32 to index
      %swap3A_1107 = tpu.vector_load %arg7[%swap3A_1106] {strides = array<i32>} : memref<16384xf32, #tpu.memory_space<vmem>>, vector<16xf32>,
      tpu.vector_store %arg7[%swap3A_1106], %get3A_1101 {add = true, strides = array<i32>} : memref<16384xf32, #tpu.memory_space<vmem>>, vector<16xf32>,
      %add3A_1108 = arith.constant 384 : i32
      %add3A_1109 = arith.addi %reduce_max3A_779, %add3A_1108 : i32
      %add3A_1110 = arith.constant 16 : i32
      %add3A_1111 = arith.addi %add3A_1109, %add3A_1110 : i32
      %get3A_1112 = arith.index_cast %add3A_1111 : i32 to index
      %get3A_1113 = tpu.vector_load %arg6[%get3A_1112] {strides = array<i32>} : memref<74752xf32, #tpu.memory_space<vmem>>, vector<16xf32>,
      %add3A_1114 = arith.constant 3072 : i32
      %add3A_1115 = arith.addi %add3A_807, %add3A_1114 : i32
      %add3A_1116 = arith.constant 16 : i32
      %add3A_1117 = arith.addi %add3A_1115, %add3A_1116 : i32
      %swap3A_1118 = arith.index_cast %add3A_1117 : i32 to index
      %swap3A_1119 = tpu.vector_load %arg7[%swap3A_1118] {strides = array<i32>} : memref<16384xf32, #tpu.memory_space<vmem>>, vector<16xf32>,
      tpu.vector_store %arg7[%swap3A_1118], %get3A_1113 {add = true, strides = array<i32>} : memref<16384xf32, #tpu.memory_space<vmem>>, vector<16xf32>,
      %add3A_1120 = arith.constant 384 : i32
      %add3A_1121 = arith.addi %reduce_max3A_779, %add3A_1120 : i32
      %add3A_1122 = arith.constant 32 : i32
      %add3A_1123 = arith.addi %add3A_1121, %add3A_1122 : i32
      %get3A_1124 = arith.index_cast %add3A_1123 : i32 to index
      %get3A_1125 = tpu.vector_load %arg6[%get3A_1124] {strides = array<i32>} : memref<74752xf32, #tpu.memory_space<vmem>>, vector<16xf32>,
      %add3A_1126 = arith.constant 3072 : i32
      %add3A_1127 = arith.addi %add3A_807, %add3A_1126 : i32
      %add3A_1128 = arith.constant 32 : i32
      %add3A_1129 = arith.addi %add3A_1127, %add3A_1128 : i32
      %swap3A_1130 = arith.index_cast %add3A_1129 : i32 to index
      %swap3A_1131 = tpu.vector_load %arg7[%swap3A_1130] {strides = array<i32>} : memref<16384xf32, #tpu.memory_space<vmem>>, vector<16xf32>,
      tpu.vector_store %arg7[%swap3A_1130], %get3A_1125 {add = true, strides = array<i32>} : memref<16384xf32, #tpu.memory_space<vmem>>, vector<16xf32>,
      %add3A_1132 = arith.constant 384 : i32
      %add3A_1133 = arith.addi %reduce_max3A_779, %add3A_1132 : i32
      %add3A_1134 = arith.constant 48 : i32
      %add3A_1135 = arith.addi %add3A_1133, %add3A_1134 : i32
      %get3A_1136 = arith.index_cast %add3A_1135 : i32 to index
      %get3A_1137 = tpu.vector_load %arg6[%get3A_1136] {strides = array<i32>} : memref<74752xf32, #tpu.memory_space<vmem>>, vector<16xf32>,
      %add3A_1138 = arith.constant 3072 : i32
      %add3A_1139 = arith.addi %add3A_807, %add3A_1138 : i32
      %add3A_1140 = arith.constant 48 : i32
      %add3A_1141 = arith.addi %add3A_1139, %add3A_1140 : i32
      %swap3A_1142 = arith.index_cast %add3A_1141 : i32 to index
      %swap3A_1143 = tpu.vector_load %arg7[%swap3A_1142] {strides = array<i32>} : memref<16384xf32, #tpu.memory_space<vmem>>, vector<16xf32>,
      tpu.vector_store %arg7[%swap3A_1142], %get3A_1137 {add = true, strides = array<i32>} : memref<16384xf32, #tpu.memory_space<vmem>>, vector<16xf32>,
      %add3A_1144 = arith.constant 384 : i32
      %add3A_1145 = arith.addi %reduce_max3A_779, %add3A_1144 : i32
      %add3A_1146 = arith.constant 64 : i32
      %add3A_1147 = arith.addi %add3A_1145, %add3A_1146 : i32
      %get3A_1148 = arith.index_cast %add3A_1147 : i32 to index
      %get3A_1149 = tpu.vector_load %arg6[%get3A_1148] {strides = array<i32>} : memref<74752xf32, #tpu.memory_space<vmem>>, vector<16xf32>,
      %add3A_1150 = arith.constant 3072 : i32
      %add3A_1151 = arith.addi %add3A_807, %add3A_1150 : i32
      %add3A_1152 = arith.constant 64 : i32
      %add3A_1153 = arith.addi %add3A_1151, %add3A_1152 : i32
      %swap3A_1154 = arith.index_cast %add3A_1153 : i32 to index
      %swap3A_1155 = tpu.vector_load %arg7[%swap3A_1154] {strides = array<i32>} : memref<16384xf32, #tpu.memory_space<vmem>>, vector<16xf32>,
      tpu.vector_store %arg7[%swap3A_1154], %get3A_1149 {add = true, strides = array<i32>} : memref<16384xf32, #tpu.memory_space<vmem>>, vector<16xf32>,
      %add3A_1156 = arith.constant 384 : i32
      %add3A_1157 = arith.addi %reduce_max3A_779, %add3A_1156 : i32
      %add3A_1158 = arith.constant 80 : i32
      %add3A_1159 = arith.addi %add3A_1157, %add3A_1158 : i32
      %get3A_1160 = arith.index_cast %add3A_1159 : i32 to index
      %get3A_1161 = tpu.vector_load %arg6[%get3A_1160] {strides = array<i32>} : memref<74752xf32, #tpu.memory_space<vmem>>, vector<16xf32>,
      %add3A_1162 = arith.constant 3072 : i32
      %add3A_1163 = arith.addi %add3A_807, %add3A_1162 : i32
      %add3A_1164 = arith.constant 80 : i32
      %add3A_1165 = arith.addi %add3A_1163, %add3A_1164 : i32
      %swap3A_1166 = arith.index_cast %add3A_1165 : i32 to index
      %swap3A_1167 = tpu.vector_load %arg7[%swap3A_1166] {strides = array<i32>} : memref<16384xf32, #tpu.memory_space<vmem>>, vector<16xf32>,
      tpu.vector_store %arg7[%swap3A_1166], %get3A_1161 {add = true, strides = array<i32>} : memref<16384xf32, #tpu.memory_space<vmem>>, vector<16xf32>,
      %add3A_1168 = arith.constant 384 : i32
      %add3A_1169 = arith.addi %reduce_max3A_779, %add3A_1168 : i32
      %add3A_1170 = arith.constant 96 : i32
      %add3A_1171 = arith.addi %add3A_1169, %add3A_1170 : i32
      %get3A_1172 = arith.index_cast %add3A_1171 : i32 to index
      %get3A_1173 = tpu.vector_load %arg6[%get3A_1172] {strides = array<i32>} : memref<74752xf32, #tpu.memory_space<vmem>>, vector<16xf32>,
      %add3A_1174 = arith.constant 3072 : i32
      %add3A_1175 = arith.addi %add3A_807, %add3A_1174 : i32
      %add3A_1176 = arith.constant 96 : i32
      %add3A_1177 = arith.addi %add3A_1175, %add3A_1176 : i32
      %swap3A_1178 = arith.index_cast %add3A_1177 : i32 to index
      %swap3A_1179 = tpu.vector_load %arg7[%swap3A_1178] {strides = array<i32>} : memref<16384xf32, #tpu.memory_space<vmem>>, vector<16xf32>,
      tpu.vector_store %arg7[%swap3A_1178], %get3A_1173 {add = true, strides = array<i32>} : memref<16384xf32, #tpu.memory_space<vmem>>, vector<16xf32>,
      %add3A_1180 = arith.constant 384 : i32
      %add3A_1181 = arith.addi %reduce_max3A_779, %add3A_1180 : i32
      %add3A_1182 = arith.constant 112 : i32
      %add3A_1183 = arith.addi %add3A_1181, %add3A_1182 : i32
      %get3A_1184 = arith.index_cast %add3A_1183 : i32 to index
      %get3A_1185 = tpu.vector_load %arg6[%get3A_1184] {strides = array<i32>} : memref<74752xf32, #tpu.memory_space<vmem>>, vector<16xf32>,
      %add3A_1186 = arith.constant 3072 : i32
      %add3A_1187 = arith.addi %add3A_807, %add3A_1186 : i32
      %add3A_1188 = arith.constant 112 : i32
      %add3A_1189 = arith.addi %add3A_1187, %add3A_1188 : i32
      %swap3A_1190 = arith.index_cast %add3A_1189 : i32 to index
      %swap3A_1191 = tpu.vector_load %arg7[%swap3A_1190] {strides = array<i32>} : memref<16384xf32, #tpu.memory_space<vmem>>, vector<16xf32>,
      tpu.vector_store %arg7[%swap3A_1190], %get3A_1185 {add = true, strides = array<i32>} : memref<16384xf32, #tpu.memory_space<vmem>>, vector<16xf32>,
      %add3A_1192 = arith.constant 512 : i32
      %add3A_1193 = arith.addi %reduce_max3A_779, %add3A_1192 : i32
      %add3A_1194 = arith.constant 0 : i32
      %add3A_1195 = arith.addi %add3A_1193, %add3A_1194 : i32
      %get3A_1196 = arith.index_cast %add3A_1195 : i32 to index
      %get3A_1197 = tpu.vector_load %arg6[%get3A_1196] {strides = array<i32>} : memref<74752xf32, #tpu.memory_space<vmem>>, vector<16xf32>,
      %add3A_1198 = arith.constant 4096 : i32
      %add3A_1199 = arith.addi %add3A_807, %add3A_1198 : i32
      %add3A_1200 = arith.constant 0 : i32
      %add3A_1201 = arith.addi %add3A_1199, %add3A_1200 : i32
      %swap3A_1202 = arith.index_cast %add3A_1201 : i32 to index
      %swap3A_1203 = tpu.vector_load %arg7[%swap3A_1202] {strides = array<i32>} : memref<16384xf32, #tpu.memory_space<vmem>>, vector<16xf32>,
      tpu.vector_store %arg7[%swap3A_1202], %get3A_1197 {add = true, strides = array<i32>} : memref<16384xf32, #tpu.memory_space<vmem>>, vector<16xf32>,
      %add3A_1204 = arith.constant 512 : i32
      %add3A_1205 = arith.addi %reduce_max3A_779, %add3A_1204 : i32
      %add3A_1206 = arith.constant 16 : i32
      %add3A_1207 = arith.addi %add3A_1205, %add3A_1206 : i32
      %get3A_1208 = arith.index_cast %add3A_1207 : i32 to index
      %get3A_1209 = tpu.vector_load %arg6[%get3A_1208] {strides = array<i32>} : memref<74752xf32, #tpu.memory_space<vmem>>, vector<16xf32>,
      %add3A_1210 = arith.constant 4096 : i32
      %add3A_1211 = arith.addi %add3A_807, %add3A_1210 : i32
      %add3A_1212 = arith.constant 16 : i32
      %add3A_1213 = arith.addi %add3A_1211, %add3A_1212 : i32
      %swap3A_1214 = arith.index_cast %add3A_1213 : i32 to index
      %swap3A_1215 = tpu.vector_load %arg7[%swap3A_1214] {strides = array<i32>} : memref<16384xf32, #tpu.memory_space<vmem>>, vector<16xf32>,
      tpu.vector_store %arg7[%swap3A_1214], %get3A_1209 {add = true, strides = array<i32>} : memref<16384xf32, #tpu.memory_space<vmem>>, vector<16xf32>,
      %add3A_1216 = arith.constant 512 : i32
      %add3A_1217 = arith.addi %reduce_max3A_779, %add3A_1216 : i32
      %add3A_1218 = arith.constant 32 : i32
      %add3A_1219 = arith.addi %add3A_1217, %add3A_1218 : i32
      %get3A_1220 = arith.index_cast %add3A_1219 : i32 to index
      %get3A_1221 = tpu.vector_load %arg6[%get3A_1220] {strides = array<i32>} : memref<74752xf32, #tpu.memory_space<vmem>>, vector<16xf32>,
      %add3A_1222 = arith.constant 4096 : i32
      %add3A_1223 = arith.addi %add3A_807, %add3A_1222 : i32
      %add3A_1224 = arith.constant 32 : i32
      %add3A_1225 = arith.addi %add3A_1223, %add3A_1224 : i32
      %swap3A_1226 = arith.index_cast %add3A_1225 : i32 to index
      %swap3A_1227 = tpu.vector_load %arg7[%swap3A_1226] {strides = array<i32>} : memref<16384xf32, #tpu.memory_space<vmem>>, vector<16xf32>,
      tpu.vector_store %arg7[%swap3A_1226], %get3A_1221 {add = true, strides = array<i32>} : memref<16384xf32, #tpu.memory_space<vmem>>, vector<16xf32>,
      %add3A_1228 = arith.constant 512 : i32
      %add3A_1229 = arith.addi %reduce_max3A_779, %add3A_1228 : i32
      %add3A_1230 = arith.constant 48 : i32
      %add3A_1231 = arith.addi %add3A_1229, %add3A_1230 : i32
      %get3A_1232 = arith.index_cast %add3A_1231 : i32 to index
      %get3A_1233 = tpu.vector_load %arg6[%get3A_1232] {strides = array<i32>} : memref<74752xf32, #tpu.memory_space<vmem>>, vector<16xf32>,
      %add3A_1234 = arith.constant 4096 : i32
      %add3A_1235 = arith.addi %add3A_807, %add3A_1234 : i32
      %add3A_1236 = arith.constant 48 : i32
      %add3A_1237 = arith.addi %add3A_1235, %add3A_1236 : i32
      %swap3A_1238 = arith.index_cast %add3A_1237 : i32 to index
      %swap3A_1239 = tpu.vector_load %arg7[%swap3A_1238] {strides = array<i32>} : memref<16384xf32, #tpu.memory_space<vmem>>, vector<16xf32>,
      tpu.vector_store %arg7[%swap3A_1238], %get3A_1233 {add = true, strides = array<i32>} : memref<16384xf32, #tpu.memory_space<vmem>>, vector<16xf32>,
      %add3A_1240 = arith.constant 512 : i32
      %add3A_1241 = arith.addi %reduce_max3A_779, %add3A_1240 : i32
      %add3A_1242 = arith.constant 64 : i32
      %add3A_1243 = arith.addi %add3A_1241, %add3A_1242 : i32
      %get3A_1244 = arith.index_cast %add3A_1243 : i32 to index
      %get3A_1245 = tpu.vector_load %arg6[%get3A_1244] {strides = array<i32>} : memref<74752xf32, #tpu.memory_space<vmem>>, vector<16xf32>,
      %add3A_1246 = arith.constant 4096 : i32
      %add3A_1247 = arith.addi %add3A_807, %add3A_1246 : i32
      %add3A_1248 = arith.constant 64 : i32
      %add3A_1249 = arith.addi %add3A_1247, %add3A_1248 : i32
      %swap3A_1250 = arith.index_cast %add3A_1249 : i32 to index
      %swap3A_1251 = tpu.vector_load %arg7[%swap3A_1250] {strides = array<i32>} : memref<16384xf32, #tpu.memory_space<vmem>>, vector<16xf32>,
      tpu.vector_store %arg7[%swap3A_1250], %get3A_1245 {add = true, strides = array<i32>} : memref<16384xf32, #tpu.memory_space<vmem>>, vector<16xf32>,
      %add3A_1252 = arith.constant 512 : i32
      %add3A_1253 = arith.addi %reduce_max3A_779, %add3A_1252 : i32
      %add3A_1254 = arith.constant 80 : i32
      %add3A_1255 = arith.addi %add3A_1253, %add3A_1254 : i32
      %get3A_1256 = arith.index_cast %add3A_1255 : i32 to index
      %get3A_1257 = tpu.vector_load %arg6[%get3A_1256] {strides = array<i32>} : memref<74752xf32, #tpu.memory_space<vmem>>, vector<16xf32>,
      %add3A_1258 = arith.constant 4096 : i32
      %add3A_1259 = arith.addi %add3A_807, %add3A_1258 : i32
      %add3A_1260 = arith.constant 80 : i32
      %add3A_1261 = arith.addi %add3A_1259, %add3A_1260 : i32
      %swap3A_1262 = arith.index_cast %add3A_1261 : i32 to index
      %swap3A_1263 = tpu.vector_load %arg7[%swap3A_1262] {strides = array<i32>} : memref<16384xf32, #tpu.memory_space<vmem>>, vector<16xf32>,
      tpu.vector_store %arg7[%swap3A_1262], %get3A_1257 {add = true, strides = array<i32>} : memref<16384xf32, #tpu.memory_space<vmem>>, vector<16xf32>,
      %add3A_1264 = arith.constant 512 : i32
      %add3A_1265 = arith.addi %reduce_max3A_779, %add3A_1264 : i32
      %add3A_1266 = arith.constant 96 : i32
      %add3A_1267 = arith.addi %add3A_1265, %add3A_1266 : i32
      %get3A_1268 = arith.index_cast %add3A_1267 : i32 to index
      %get3A_1269 = tpu.vector_load %arg6[%get3A_1268] {strides = array<i32>} : memref<74752xf32, #tpu.memory_space<vmem>>, vector<16xf32>,
      %add3A_1270 = arith.constant 4096 : i32
      %add3A_1271 = arith.addi %add3A_807, %add3A_1270 : i32
      %add3A_1272 = arith.constant 96 : i32
      %add3A_1273 = arith.addi %add3A_1271, %add3A_1272 : i32
      %swap3A_1274 = arith.index_cast %add3A_1273 : i32 to index
      %swap3A_1275 = tpu.vector_load %arg7[%swap3A_1274] {strides = array<i32>} : memref<16384xf32, #tpu.memory_space<vmem>>, vector<16xf32>,
      tpu.vector_store %arg7[%swap3A_1274], %get3A_1269 {add = true, strides = array<i32>} : memref<16384xf32, #tpu.memory_space<vmem>>, vector<16xf32>,
      %add3A_1276 = arith.constant 512 : i32
      %add3A_1277 = arith.addi %reduce_max3A_779, %add3A_1276 : i32
      %add3A_1278 = arith.constant 112 : i32
      %add3A_1279 = arith.addi %add3A_1277, %add3A_1278 : i32
      %get3A_1280 = arith.index_cast %add3A_1279 : i32 to index
      %get3A_1281 = tpu.vector_load %arg6[%get3A_1280] {strides = array<i32>} : memref<74752xf32, #tpu.memory_space<vmem>>, vector<16xf32>,
      %add3A_1282 = arith.constant 4096 : i32
      %add3A_1283 = arith.addi %add3A_807, %add3A_1282 : i32
      %add3A_1284 = arith.constant 112 : i32
      %add3A_1285 = arith.addi %add3A_1283, %add3A_1284 : i32
      %swap3A_1286 = arith.index_cast %add3A_1285 : i32 to index
      %swap3A_1287 = tpu.vector_load %arg7[%swap3A_1286] {strides = array<i32>} : memref<16384xf32, #tpu.memory_space<vmem>>, vector<16xf32>,
      tpu.vector_store %arg7[%swap3A_1286], %get3A_1281 {add = true, strides = array<i32>} : memref<16384xf32, #tpu.memory_space<vmem>>, vector<16xf32>,
      %add3A_1288 = arith.constant 640 : i32
      %add3A_1289 = arith.addi %reduce_max3A_779, %add3A_1288 : i32
      %add3A_1290 = arith.constant 0 : i32
      %add3A_1291 = arith.addi %add3A_1289, %add3A_1290 : i32
      %get3A_1292 = arith.index_cast %add3A_1291 : i32 to index
      %get3A_1293 = tpu.vector_load %arg6[%get3A_1292] {strides = array<i32>} : memref<74752xf32, #tpu.memory_space<vmem>>, vector<16xf32>,
      %add3A_1294 = arith.constant 5120 : i32
      %add3A_1295 = arith.addi %add3A_807, %add3A_1294 : i32
      %add3A_1296 = arith.constant 0 : i32
      %add3A_1297 = arith.addi %add3A_1295, %add3A_1296 : i32
      %swap3A_1298 = arith.index_cast %add3A_1297 : i32 to index
      %swap3A_1299 = tpu.vector_load %arg7[%swap3A_1298] {strides = array<i32>} : memref<16384xf32, #tpu.memory_space<vmem>>, vector<16xf32>,
      tpu.vector_store %arg7[%swap3A_1298], %get3A_1293 {add = true, strides = array<i32>} : memref<16384xf32, #tpu.memory_space<vmem>>, vector<16xf32>,
      %add3A_1300 = arith.constant 640 : i32
      %add3A_1301 = arith.addi %reduce_max3A_779, %add3A_1300 : i32
      %add3A_1302 = arith.constant 16 : i32
      %add3A_1303 = arith.addi %add3A_1301, %add3A_1302 : i32
      %get3A_1304 = arith.index_cast %add3A_1303 : i32 to index
      %get3A_1305 = tpu.vector_load %arg6[%get3A_1304] {strides = array<i32>} : memref<74752xf32, #tpu.memory_space<vmem>>, vector<16xf32>,
      %add3A_1306 = arith.constant 5120 : i32
      %add3A_1307 = arith.addi %add3A_807, %add3A_1306 : i32
      %add3A_1308 = arith.constant 16 : i32
      %add3A_1309 = arith.addi %add3A_1307, %add3A_1308 : i32
      %swap3A_1310 = arith.index_cast %add3A_1309 : i32 to index
      %swap3A_1311 = tpu.vector_load %arg7[%swap3A_1310] {strides = array<i32>} : memref<16384xf32, #tpu.memory_space<vmem>>, vector<16xf32>,
      tpu.vector_store %arg7[%swap3A_1310], %get3A_1305 {add = true, strides = array<i32>} : memref<16384xf32, #tpu.memory_space<vmem>>, vector<16xf32>,
      %add3A_1312 = arith.constant 640 : i32
      %add3A_1313 = arith.addi %reduce_max3A_779, %add3A_1312 : i32
      %add3A_1314 = arith.constant 32 : i32
      %add3A_1315 = arith.addi %add3A_1313, %add3A_1314 : i32
      %get3A_1316 = arith.index_cast %add3A_1315 : i32 to index
      %get3A_1317 = tpu.vector_load %arg6[%get3A_1316] {strides = array<i32>} : memref<74752xf32, #tpu.memory_space<vmem>>, vector<16xf32>,
      %add3A_1318 = arith.constant 5120 : i32
      %add3A_1319 = arith.addi %add3A_807, %add3A_1318 : i32
      %add3A_1320 = arith.constant 32 : i32
      %add3A_1321 = arith.addi %add3A_1319, %add3A_1320 : i32
      %swap3A_1322 = arith.index_cast %add3A_1321 : i32 to index
      %swap3A_1323 = tpu.vector_load %arg7[%swap3A_1322] {strides = array<i32>} : memref<16384xf32, #tpu.memory_space<vmem>>, vector<16xf32>,
      tpu.vector_store %arg7[%swap3A_1322], %get3A_1317 {add = true, strides = array<i32>} : memref<16384xf32, #tpu.memory_space<vmem>>, vector<16xf32>,
      %add3A_1324 = arith.constant 640 : i32
      %add3A_1325 = arith.addi %reduce_max3A_779, %add3A_1324 : i32
      %add3A_1326 = arith.constant 48 : i32
      %add3A_1327 = arith.addi %add3A_1325, %add3A_1326 : i32
      %get3A_1328 = arith.index_cast %add3A_1327 : i32 to index
      %get3A_1329 = tpu.vector_load %arg6[%get3A_1328] {strides = array<i32>} : memref<74752xf32, #tpu.memory_space<vmem>>, vector<16xf32>,
      %add3A_1330 = arith.constant 5120 : i32
      %add3A_1331 = arith.addi %add3A_807, %add3A_1330 : i32
      %add3A_1332 = arith.constant 48 : i32
      %add3A_1333 = arith.addi %add3A_1331, %add3A_1332 : i32
      %swap3A_1334 = arith.index_cast %add3A_1333 : i32 to index
      %swap3A_1335 = tpu.vector_load %arg7[%swap3A_1334] {strides = array<i32>} : memref<16384xf32, #tpu.memory_space<vmem>>, vector<16xf32>,
      tpu.vector_store %arg7[%swap3A_1334], %get3A_1329 {add = true, strides = array<i32>} : memref<16384xf32, #tpu.memory_space<vmem>>, vector<16xf32>,
      %add3A_1336 = arith.constant 640 : i32
      %add3A_1337 = arith.addi %reduce_max3A_779, %add3A_1336 : i32
      %add3A_1338 = arith.constant 64 : i32
      %add3A_1339 = arith.addi %add3A_1337, %add3A_1338 : i32
      %get3A_1340 = arith.index_cast %add3A_1339 : i32 to index
      %get3A_1341 = tpu.vector_load %arg6[%get3A_1340] {strides = array<i32>} : memref<74752xf32, #tpu.memory_space<vmem>>, vector<16xf32>,
      %add3A_1342 = arith.constant 5120 : i32
      %add3A_1343 = arith.addi %add3A_807, %add3A_1342 : i32
      %add3A_1344 = arith.constant 64 : i32
      %add3A_1345 = arith.addi %add3A_1343, %add3A_1344 : i32
      %swap3A_1346 = arith.index_cast %add3A_1345 : i32 to index
      %swap3A_1347 = tpu.vector_load %arg7[%swap3A_1346] {strides = array<i32>} : memref<16384xf32, #tpu.memory_space<vmem>>, vector<16xf32>,
      tpu.vector_store %arg7[%swap3A_1346], %get3A_1341 {add = true, strides = array<i32>} : memref<16384xf32, #tpu.memory_space<vmem>>, vector<16xf32>,
      %add3A_1348 = arith.constant 640 : i32
      %add3A_1349 = arith.addi %reduce_max3A_779, %add3A_1348 : i32
      %add3A_1350 = arith.constant 80 : i32
      %add3A_1351 = arith.addi %add3A_1349, %add3A_1350 : i32
      %get3A_1352 = arith.index_cast %add3A_1351 : i32 to index
      %get3A_1353 = tpu.vector_load %arg6[%get3A_1352] {strides = array<i32>} : memref<74752xf32, #tpu.memory_space<vmem>>, vector<16xf32>,
      %add3A_1354 = arith.constant 5120 : i32
      %add3A_1355 = arith.addi %add3A_807, %add3A_1354 : i32
      %add3A_1356 = arith.constant 80 : i32
      %add3A_1357 = arith.addi %add3A_1355, %add3A_1356 : i32
      %swap3A_1358 = arith.index_cast %add3A_1357 : i32 to index
      %swap3A_1359 = tpu.vector_load %arg7[%swap3A_1358] {strides = array<i32>} : memref<16384xf32, #tpu.memory_space<vmem>>, vector<16xf32>,
      tpu.vector_store %arg7[%swap3A_1358], %get3A_1353 {add = true, strides = array<i32>} : memref<16384xf32, #tpu.memory_space<vmem>>, vector<16xf32>,
      %add3A_1360 = arith.constant 640 : i32
      %add3A_1361 = arith.addi %reduce_max3A_779, %add3A_1360 : i32
      %add3A_1362 = arith.constant 96 : i32
      %add3A_1363 = arith.addi %add3A_1361, %add3A_1362 : i32
      %get3A_1364 = arith.index_cast %add3A_1363 : i32 to index
      %get3A_1365 = tpu.vector_load %arg6[%get3A_1364] {strides = array<i32>} : memref<74752xf32, #tpu.memory_space<vmem>>, vector<16xf32>,
      %add3A_1366 = arith.constant 5120 : i32
      %add3A_1367 = arith.addi %add3A_807, %add3A_1366 : i32
      %add3A_1368 = arith.constant 96 : i32
      %add3A_1369 = arith.addi %add3A_1367, %add3A_1368 : i32
      %swap3A_1370 = arith.index_cast %add3A_1369 : i32 to index
      %swap3A_1371 = tpu.vector_load %arg7[%swap3A_1370] {strides = array<i32>} : memref<16384xf32, #tpu.memory_space<vmem>>, vector<16xf32>,
      tpu.vector_store %arg7[%swap3A_1370], %get3A_1365 {add = true, strides = array<i32>} : memref<16384xf32, #tpu.memory_space<vmem>>, vector<16xf32>,
      %add3A_1372 = arith.constant 640 : i32
      %add3A_1373 = arith.addi %reduce_max3A_779, %add3A_1372 : i32
      %add3A_1374 = arith.constant 112 : i32
      %add3A_1375 = arith.addi %add3A_1373, %add3A_1374 : i32
      %get3A_1376 = arith.index_cast %add3A_1375 : i32 to index
      %get3A_1377 = tpu.vector_load %arg6[%get3A_1376] {strides = array<i32>} : memref<74752xf32, #tpu.memory_space<vmem>>, vector<16xf32>,
      %add3A_1378 = arith.constant 5120 : i32
      %add3A_1379 = arith.addi %add3A_807, %add3A_1378 : i32
      %add3A_1380 = arith.constant 112 : i32
      %add3A_1381 = arith.addi %add3A_1379, %add3A_1380 : i32
      %swap3A_1382 = arith.index_cast %add3A_1381 : i32 to index
      %swap3A_1383 = tpu.vector_load %arg7[%swap3A_1382] {strides = array<i32>} : memref<16384xf32, #tpu.memory_space<vmem>>, vector<16xf32>,
      tpu.vector_store %arg7[%swap3A_1382], %get3A_1377 {add = true, strides = array<i32>} : memref<16384xf32, #tpu.memory_space<vmem>>, vector<16xf32>,
      %add3A_1384 = arith.constant 768 : i32
      %add3A_1385 = arith.addi %reduce_max3A_779, %add3A_1384 : i32
      %add3A_1386 = arith.constant 0 : i32
      %add3A_1387 = arith.addi %add3A_1385, %add3A_1386 : i32
      %get3A_1388 = arith.index_cast %add3A_1387 : i32 to index
      %get3A_1389 = tpu.vector_load %arg6[%get3A_1388] {strides = array<i32>} : memref<74752xf32, #tpu.memory_space<vmem>>, vector<16xf32>,
      %add3A_1390 = arith.constant 6144 : i32
      %add3A_1391 = arith.addi %add3A_807, %add3A_1390 : i32
      %add3A_1392 = arith.constant 0 : i32
      %add3A_1393 = arith.addi %add3A_1391, %add3A_1392 : i32
      %swap3A_1394 = arith.index_cast %add3A_1393 : i32 to index
      %swap3A_1395 = tpu.vector_load %arg7[%swap3A_1394] {strides = array<i32>} : memref<16384xf32, #tpu.memory_space<vmem>>, vector<16xf32>,
      tpu.vector_store %arg7[%swap3A_1394], %get3A_1389 {add = true, strides = array<i32>} : memref<16384xf32, #tpu.memory_space<vmem>>, vector<16xf32>,
      %add3A_1396 = arith.constant 768 : i32
      %add3A_1397 = arith.addi %reduce_max3A_779, %add3A_1396 : i32
      %add3A_1398 = arith.constant 16 : i32
      %add3A_1399 = arith.addi %add3A_1397, %add3A_1398 : i32
      %get3A_1400 = arith.index_cast %add3A_1399 : i32 to index
      %get3A_1401 = tpu.vector_load %arg6[%get3A_1400] {strides = array<i32>} : memref<74752xf32, #tpu.memory_space<vmem>>, vector<16xf32>,
      %add3A_1402 = arith.constant 6144 : i32
      %add3A_1403 = arith.addi %add3A_807, %add3A_1402 : i32
      %add3A_1404 = arith.constant 16 : i32
      %add3A_1405 = arith.addi %add3A_1403, %add3A_1404 : i32
      %swap3A_1406 = arith.index_cast %add3A_1405 : i32 to index
      %swap3A_1407 = tpu.vector_load %arg7[%swap3A_1406] {strides = array<i32>} : memref<16384xf32, #tpu.memory_space<vmem>>, vector<16xf32>,
      tpu.vector_store %arg7[%swap3A_1406], %get3A_1401 {add = true, strides = array<i32>} : memref<16384xf32, #tpu.memory_space<vmem>>, vector<16xf32>,
      %add3A_1408 = arith.constant 768 : i32
      %add3A_1409 = arith.addi %reduce_max3A_779, %add3A_1408 : i32
      %add3A_1410 = arith.constant 32 : i32
      %add3A_1411 = arith.addi %add3A_1409, %add3A_1410 : i32
      %get3A_1412 = arith.index_cast %add3A_1411 : i32 to index
      %get3A_1413 = tpu.vector_load %arg6[%get3A_1412] {strides = array<i32>} : memref<74752xf32, #tpu.memory_space<vmem>>, vector<16xf32>,
      %add3A_1414 = arith.constant 6144 : i32
      %add3A_1415 = arith.addi %add3A_807, %add3A_1414 : i32
      %add3A_1416 = arith.constant 32 : i32
      %add3A_1417 = arith.addi %add3A_1415, %add3A_1416 : i32
      %swap3A_1418 = arith.index_cast %add3A_1417 : i32 to index
      %swap3A_1419 = tpu.vector_load %arg7[%swap3A_1418] {strides = array<i32>} : memref<16384xf32, #tpu.memory_space<vmem>>, vector<16xf32>,
      tpu.vector_store %arg7[%swap3A_1418], %get3A_1413 {add = true, strides = array<i32>} : memref<16384xf32, #tpu.memory_space<vmem>>, vector<16xf32>,
      %add3A_1420 = arith.constant 768 : i32
      %add3A_1421 = arith.addi %reduce_max3A_779, %add3A_1420 : i32
      %add3A_1422 = arith.constant 48 : i32
      %add3A_1423 = arith.addi %add3A_1421, %add3A_1422 : i32
      %get3A_1424 = arith.index_cast %add3A_1423 : i32 to index
      %get3A_1425 = tpu.vector_load %arg6[%get3A_1424] {strides = array<i32>} : memref<74752xf32, #tpu.memory_space<vmem>>, vector<16xf32>,
      %add3A_1426 = arith.constant 6144 : i32
      %add3A_1427 = arith.addi %add3A_807, %add3A_1426 : i32
      %add3A_1428 = arith.constant 48 : i32
      %add3A_1429 = arith.addi %add3A_1427, %add3A_1428 : i32
      %swap3A_1430 = arith.index_cast %add3A_1429 : i32 to index
      %swap3A_1431 = tpu.vector_load %arg7[%swap3A_1430] {strides = array<i32>} : memref<16384xf32, #tpu.memory_space<vmem>>, vector<16xf32>,
      tpu.vector_store %arg7[%swap3A_1430], %get3A_1425 {add = true, strides = array<i32>} : memref<16384xf32, #tpu.memory_space<vmem>>, vector<16xf32>,
      %add3A_1432 = arith.constant 768 : i32
      %add3A_1433 = arith.addi %reduce_max3A_779, %add3A_1432 : i32
      %add3A_1434 = arith.constant 64 : i32
      %add3A_1435 = arith.addi %add3A_1433, %add3A_1434 : i32
      %get3A_1436 = arith.index_cast %add3A_1435 : i32 to index
      %get3A_1437 = tpu.vector_load %arg6[%get3A_1436] {strides = array<i32>} : memref<74752xf32, #tpu.memory_space<vmem>>, vector<16xf32>,
      %add3A_1438 = arith.constant 6144 : i32
      %add3A_1439 = arith.addi %add3A_807, %add3A_1438 : i32
      %add3A_1440 = arith.constant 64 : i32
      %add3A_1441 = arith.addi %add3A_1439, %add3A_1440 : i32
      %swap3A_1442 = arith.index_cast %add3A_1441 : i32 to index
      %swap3A_1443 = tpu.vector_load %arg7[%swap3A_1442] {strides = array<i32>} : memref<16384xf32, #tpu.memory_space<vmem>>, vector<16xf32>,
      tpu.vector_store %arg7[%swap3A_1442], %get3A_1437 {add = true, strides = array<i32>} : memref<16384xf32, #tpu.memory_space<vmem>>, vector<16xf32>,
      %add3A_1444 = arith.constant 768 : i32
      %add3A_1445 = arith.addi %reduce_max3A_779, %add3A_1444 : i32
      %add3A_1446 = arith.constant 80 : i32
      %add3A_1447 = arith.addi %add3A_1445, %add3A_1446 : i32
      %get3A_1448 = arith.index_cast %add3A_1447 : i32 to index
      %get3A_1449 = tpu.vector_load %arg6[%get3A_1448] {strides = array<i32>} : memref<74752xf32, #tpu.memory_space<vmem>>, vector<16xf32>,
      %add3A_1450 = arith.constant 6144 : i32
      %add3A_1451 = arith.addi %add3A_807, %add3A_1450 : i32
      %add3A_1452 = arith.constant 80 : i32
      %add3A_1453 = arith.addi %add3A_1451, %add3A_1452 : i32
      %swap3A_1454 = arith.index_cast %add3A_1453 : i32 to index
      %swap3A_1455 = tpu.vector_load %arg7[%swap3A_1454] {strides = array<i32>} : memref<16384xf32, #tpu.memory_space<vmem>>, vector<16xf32>,
      tpu.vector_store %arg7[%swap3A_1454], %get3A_1449 {add = true, strides = array<i32>} : memref<16384xf32, #tpu.memory_space<vmem>>, vector<16xf32>,
      %add3A_1456 = arith.constant 768 : i32
      %add3A_1457 = arith.addi %reduce_max3A_779, %add3A_1456 : i32
      %add3A_1458 = arith.constant 96 : i32
      %add3A_1459 = arith.addi %add3A_1457, %add3A_1458 : i32
      %get3A_1460 = arith.index_cast %add3A_1459 : i32 to index
      %get3A_1461 = tpu.vector_load %arg6[%get3A_1460] {strides = array<i32>} : memref<74752xf32, #tpu.memory_space<vmem>>, vector<16xf32>,
      %add3A_1462 = arith.constant 6144 : i32
      %add3A_1463 = arith.addi %add3A_807, %add3A_1462 : i32
      %add3A_1464 = arith.constant 96 : i32
      %add3A_1465 = arith.addi %add3A_1463, %add3A_1464 : i32
      %swap3A_1466 = arith.index_cast %add3A_1465 : i32 to index
      %swap3A_1467 = tpu.vector_load %arg7[%swap3A_1466] {strides = array<i32>} : memref<16384xf32, #tpu.memory_space<vmem>>, vector<16xf32>,
      tpu.vector_store %arg7[%swap3A_1466], %get3A_1461 {add = true, strides = array<i32>} : memref<16384xf32, #tpu.memory_space<vmem>>, vector<16xf32>,
      %add3A_1468 = arith.constant 768 : i32
      %add3A_1469 = arith.addi %reduce_max3A_779, %add3A_1468 : i32
      %add3A_1470 = arith.constant 112 : i32
      %add3A_1471 = arith.addi %add3A_1469, %add3A_1470 : i32
      %get3A_1472 = arith.index_cast %add3A_1471 : i32 to index
      %get3A_1473 = tpu.vector_load %arg6[%get3A_1472] {strides = array<i32>} : memref<74752xf32, #tpu.memory_space<vmem>>, vector<16xf32>,
      %add3A_1474 = arith.constant 6144 : i32
      %add3A_1475 = arith.addi %add3A_807, %add3A_1474 : i32
      %add3A_1476 = arith.constant 112 : i32
      %add3A_1477 = arith.addi %add3A_1475, %add3A_1476 : i32
      %swap3A_1478 = arith.index_cast %add3A_1477 : i32 to index
      %swap3A_1479 = tpu.vector_load %arg7[%swap3A_1478] {strides = array<i32>} : memref<16384xf32, #tpu.memory_space<vmem>>, vector<16xf32>,
      tpu.vector_store %arg7[%swap3A_1478], %get3A_1473 {add = true, strides = array<i32>} : memref<16384xf32, #tpu.memory_space<vmem>>, vector<16xf32>,
      %add3A_1480 = arith.constant 896 : i32
      %add3A_1481 = arith.addi %reduce_max3A_779, %add3A_1480 : i32
      %add3A_1482 = arith.constant 0 : i32
      %add3A_1483 = arith.addi %add3A_1481, %add3A_1482 : i32
      %get3A_1484 = arith.index_cast %add3A_1483 : i32 to index
      %get3A_1485 = tpu.vector_load %arg6[%get3A_1484] {strides = array<i32>} : memref<74752xf32, #tpu.memory_space<vmem>>, vector<16xf32>,
      %add3A_1486 = arith.constant 7168 : i32
      %add3A_1487 = arith.addi %add3A_807, %add3A_1486 : i32
      %add3A_1488 = arith.constant 0 : i32
      %add3A_1489 = arith.addi %add3A_1487, %add3A_1488 : i32
      %swap3A_1490 = arith.index_cast %add3A_1489 : i32 to index
      %swap3A_1491 = tpu.vector_load %arg7[%swap3A_1490] {strides = array<i32>} : memref<16384xf32, #tpu.memory_space<vmem>>, vector<16xf32>,
      tpu.vector_store %arg7[%swap3A_1490], %get3A_1485 {add = true, strides = array<i32>} : memref<16384xf32, #tpu.memory_space<vmem>>, vector<16xf32>,
      %add3A_1492 = arith.constant 896 : i32
      %add3A_1493 = arith.addi %reduce_max3A_779, %add3A_1492 : i32
      %add3A_1494 = arith.constant 16 : i32
      %add3A_1495 = arith.addi %add3A_1493, %add3A_1494 : i32
      %get3A_1496 = arith.index_cast %add3A_1495 : i32 to index
      %get3A_1497 = tpu.vector_load %arg6[%get3A_1496] {strides = array<i32>} : memref<74752xf32, #tpu.memory_space<vmem>>, vector<16xf32>,
      %add3A_1498 = arith.constant 7168 : i32
      %add3A_1499 = arith.addi %add3A_807, %add3A_1498 : i32
      %add3A_1500 = arith.constant 16 : i32
      %add3A_1501 = arith.addi %add3A_1499, %add3A_1500 : i32
      %swap3A_1502 = arith.index_cast %add3A_1501 : i32 to index
      %swap3A_1503 = tpu.vector_load %arg7[%swap3A_1502] {strides = array<i32>} : memref<16384xf32, #tpu.memory_space<vmem>>, vector<16xf32>,
      tpu.vector_store %arg7[%swap3A_1502], %get3A_1497 {add = true, strides = array<i32>} : memref<16384xf32, #tpu.memory_space<vmem>>, vector<16xf32>,
      %add3A_1504 = arith.constant 896 : i32
      %add3A_1505 = arith.addi %reduce_max3A_779, %add3A_1504 : i32
      %add3A_1506 = arith.constant 32 : i32
      %add3A_1507 = arith.addi %add3A_1505, %add3A_1506 : i32
      %get3A_1508 = arith.index_cast %add3A_1507 : i32 to index
      %get3A_1509 = tpu.vector_load %arg6[%get3A_1508] {strides = array<i32>} : memref<74752xf32, #tpu.memory_space<vmem>>, vector<16xf32>,
      %add3A_1510 = arith.constant 7168 : i32
      %add3A_1511 = arith.addi %add3A_807, %add3A_1510 : i32
      %add3A_1512 = arith.constant 32 : i32
      %add3A_1513 = arith.addi %add3A_1511, %add3A_1512 : i32
      %swap3A_1514 = arith.index_cast %add3A_1513 : i32 to index
      %swap3A_1515 = tpu.vector_load %arg7[%swap3A_1514] {strides = array<i32>} : memref<16384xf32, #tpu.memory_space<vmem>>, vector<16xf32>,
      tpu.vector_store %arg7[%swap3A_1514], %get3A_1509 {add = true, strides = array<i32>} : memref<16384xf32, #tpu.memory_space<vmem>>, vector<16xf32>,
      %add3A_1516 = arith.constant 896 : i32
      %add3A_1517 = arith.addi %reduce_max3A_779, %add3A_1516 : i32
      %add3A_1518 = arith.constant 48 : i32
      %add3A_1519 = arith.addi %add3A_1517, %add3A_1518 : i32
      %get3A_1520 = arith.index_cast %add3A_1519 : i32 to index
      %get3A_1521 = tpu.vector_load %arg6[%get3A_1520] {strides = array<i32>} : memref<74752xf32, #tpu.memory_space<vmem>>, vector<16xf32>,
      %add3A_1522 = arith.constant 7168 : i32
      %add3A_1523 = arith.addi %add3A_807, %add3A_1522 : i32
      %add3A_1524 = arith.constant 48 : i32
      %add3A_1525 = arith.addi %add3A_1523, %add3A_1524 : i32
      %swap3A_1526 = arith.index_cast %add3A_1525 : i32 to index
      %swap3A_1527 = tpu.vector_load %arg7[%swap3A_1526] {strides = array<i32>} : memref<16384xf32, #tpu.memory_space<vmem>>, vector<16xf32>,
      tpu.vector_store %arg7[%swap3A_1526], %get3A_1521 {add = true, strides = array<i32>} : memref<16384xf32, #tpu.memory_space<vmem>>, vector<16xf32>,
      %add3A_1528 = arith.constant 896 : i32
      %add3A_1529 = arith.addi %reduce_max3A_779, %add3A_1528 : i32
      %add3A_1530 = arith.constant 64 : i32
      %add3A_1531 = arith.addi %add3A_1529, %add3A_1530 : i32
      %get3A_1532 = arith.index_cast %add3A_1531 : i32 to index
      %get3A_1533 = tpu.vector_load %arg6[%get3A_1532] {strides = array<i32>} : memref<74752xf32, #tpu.memory_space<vmem>>, vector<16xf32>,
      %add3A_1534 = arith.constant 7168 : i32
      %add3A_1535 = arith.addi %add3A_807, %add3A_1534 : i32
      %add3A_1536 = arith.constant 64 : i32
      %add3A_1537 = arith.addi %add3A_1535, %add3A_1536 : i32
      %swap3A_1538 = arith.index_cast %add3A_1537 : i32 to index
      %swap3A_1539 = tpu.vector_load %arg7[%swap3A_1538] {strides = array<i32>} : memref<16384xf32, #tpu.memory_space<vmem>>, vector<16xf32>,
      tpu.vector_store %arg7[%swap3A_1538], %get3A_1533 {add = true, strides = array<i32>} : memref<16384xf32, #tpu.memory_space<vmem>>, vector<16xf32>,
      %add3A_1540 = arith.constant 896 : i32
      %add3A_1541 = arith.addi %reduce_max3A_779, %add3A_1540 : i32
      %add3A_1542 = arith.constant 80 : i32
      %add3A_1543 = arith.addi %add3A_1541, %add3A_1542 : i32
      %get3A_1544 = arith.index_cast %add3A_1543 : i32 to index
      %get3A_1545 = tpu.vector_load %arg6[%get3A_1544] {strides = array<i32>} : memref<74752xf32, #tpu.memory_space<vmem>>, vector<16xf32>,
      %add3A_1546 = arith.constant 7168 : i32
      %add3A_1547 = arith.addi %add3A_807, %add3A_1546 : i32
      %add3A_1548 = arith.constant 80 : i32
      %add3A_1549 = arith.addi %add3A_1547, %add3A_1548 : i32
      %swap3A_1550 = arith.index_cast %add3A_1549 : i32 to index
      %swap3A_1551 = tpu.vector_load %arg7[%swap3A_1550] {strides = array<i32>} : memref<16384xf32, #tpu.memory_space<vmem>>, vector<16xf32>,
      tpu.vector_store %arg7[%swap3A_1550], %get3A_1545 {add = true, strides = array<i32>} : memref<16384xf32, #tpu.memory_space<vmem>>, vector<16xf32>,
      %add3A_1552 = arith.constant 896 : i32
      %add3A_1553 = arith.addi %reduce_max3A_779, %add3A_1552 : i32
      %add3A_1554 = arith.constant 96 : i32
      %add3A_1555 = arith.addi %add3A_1553, %add3A_1554 : i32
      %get3A_1556 = arith.index_cast %add3A_1555 : i32 to index
      %get3A_1557 = tpu.vector_load %arg6[%get3A_1556] {strides = array<i32>} : memref<74752xf32, #tpu.memory_space<vmem>>, vector<16xf32>,
      %add3A_1558 = arith.constant 7168 : i32
      %add3A_1559 = arith.addi %add3A_807, %add3A_1558 : i32
      %add3A_1560 = arith.constant 96 : i32
      %add3A_1561 = arith.addi %add3A_1559, %add3A_1560 : i32
      %swap3A_1562 = arith.index_cast %add3A_1561 : i32 to index
      %swap3A_1563 = tpu.vector_load %arg7[%swap3A_1562] {strides = array<i32>} : memref<16384xf32, #tpu.memory_space<vmem>>, vector<16xf32>,
      tpu.vector_store %arg7[%swap3A_1562], %get3A_1557 {add = true, strides = array<i32>} : memref<16384xf32, #tpu.memory_space<vmem>>, vector<16xf32>,
      %add3A_1564 = arith.constant 896 : i32
      %add3A_1565 = arith.addi %reduce_max3A_779, %add3A_1564 : i32
      %add3A_1566 = arith.constant 112 : i32
      %add3A_1567 = arith.addi %add3A_1565, %add3A_1566 : i32
      %get3A_1568 = arith.index_cast %add3A_1567 : i32 to index
      %get3A_1569 = tpu.vector_load %arg6[%get3A_1568] {strides = array<i32>} : memref<74752xf32, #tpu.memory_space<vmem>>, vector<16xf32>,
      %add3A_1570 = arith.constant 7168 : i32
      %add3A_1571 = arith.addi %add3A_807, %add3A_1570 : i32
      %add3A_1572 = arith.constant 112 : i32
      %add3A_1573 = arith.addi %add3A_1571, %add3A_1572 : i32
      %swap3A_1574 = arith.index_cast %add3A_1573 : i32 to index
      %swap3A_1575 = tpu.vector_load %arg7[%swap3A_1574] {strides = array<i32>} : memref<16384xf32, #tpu.memory_space<vmem>>, vector<16xf32>,
      tpu.vector_store %arg7[%swap3A_1574], %get3A_1569 {add = true, strides = array<i32>} : memref<16384xf32, #tpu.memory_space<vmem>>, vector<16xf32>,
    }
    %scan3A_734 = arith.constant 8 : i32
    %add3A_735 = arith.constant 8 : i32
    %add3A_736 = arith.addi %mul3A_2, %add3A_735 : i32
    %mul3A_737 = arith.constant 1024 : i32
    %mul3A_738 = arith.muli %add3A_736, %mul3A_737 : i32
    %dma_start3A_739 = arith.constant 8192 : i32
    %dma_start3A_740 = tpu.memref_slice %arg7[%dma_start3A_739] : memref<16384xf32, #tpu.memory_space<vmem>> -> memref<8192xf32, #tpu.memory_space<vmem>>
    %dma_start3A_741 = tpu.memref_slice %arg5[%mul3A_738] : memref<524288xf32, #tpu.memory_space<hbm>> -> memref<8192xf32, #tpu.memory_space<hbm>>
    %dma_start3A_742 = tpu.memref_slice %arg5[%mul3A_738] : memref<524288xf32, #tpu.memory_space<hbm>> -> memref<8192xf32, #tpu.memory_space<hbm>>
    %dma_start3A_743 = arith.constant 8192 : i32
    %dma_start3A_744 = tpu.memref_slice %arg7[%dma_start3A_743] : memref<16384xf32, #tpu.memory_space<vmem>> -> memref<8192xf32, #tpu.memory_space<vmem>>
    tpu.enqueue_dma source(%dma_start3A_744 : memref<8192xf32, #tpu.memory_space<vmem>>) target(%dma_start3A_742 : memref<8192xf32, #tpu.memory_space<hbm>>) target_semaphore(%arg16 : memref<!tpu.dma_semaphore, #tpu.memory_space<semaphore_mem>>)
    %add3A_745 = arith.constant 0 : i32
    %add3A_746 = arith.addi %mul3A_2, %add3A_745 : i32
    %mul3A_747 = arith.constant 1024 : i32
    %mul3A_748 = arith.muli %add3A_746, %mul3A_747 : i32
    %dma_wait3A_749 = arith.constant 0 : i32
    %dma_wait3A_750 = tpu.memref_slice %arg7[%dma_wait3A_749] : memref<16384xf32, #tpu.memory_space<vmem>> -> memref<8192xf32, #tpu.memory_space<vmem>>
    %dma_wait3A_751 = tpu.memref_slice %arg5[%mul3A_748] : memref<524288xf32, #tpu.memory_space<hbm>> -> memref<8192xf32, #tpu.memory_space<hbm>>
    %dma_wait3A_752 = tpu.memref_slice %arg5[%mul3A_748] : memref<524288xf32, #tpu.memory_space<hbm>> -> memref<8192xf32, #tpu.memory_space<hbm>>
    %dma_wait3A_753 = arith.constant 0 : i32
    %dma_wait3A_754 = tpu.memref_slice %arg7[%dma_wait3A_753] : memref<16384xf32, #tpu.memory_space<vmem>> -> memref<8192xf32, #tpu.memory_space<vmem>>
    tpu.wait_dma2 semaphore(%arg15 : memref<!tpu.dma_semaphore, #tpu.memory_space<semaphore_mem>>) src(%dma_wait3A_754 : memref<8192xf32, #tpu.memory_space<vmem>>) dst(%dma_wait3A_752 : memref<8192xf32, #tpu.memory_space<hbm>>)
    %add3A_755 = arith.constant 8 : i32
    %add3A_756 = arith.addi %mul3A_2, %add3A_755 : i32
    %mul3A_757 = arith.constant 1024 : i32
    %mul3A_758 = arith.muli %add3A_756, %mul3A_757 : i32
    %dma_wait3A_759 = arith.constant 8192 : i32
    %dma_wait3A_760 = tpu.memref_slice %arg7[%dma_wait3A_759] : memref<16384xf32, #tpu.memory_space<vmem>> -> memref<8192xf32, #tpu.memory_space<vmem>>
    %dma_wait3A_761 = tpu.memref_slice %arg5[%mul3A_758] : memref<524288xf32, #tpu.memory_space<hbm>> -> memref<8192xf32, #tpu.memory_space<hbm>>
    %dma_wait3A_762 = tpu.memref_slice %arg5[%mul3A_758] : memref<524288xf32, #tpu.memory_space<hbm>> -> memref<8192xf32, #tpu.memory_space<hbm>>
    %dma_wait3A_763 = arith.constant 8192 : i32
    %dma_wait3A_764 = tpu.memref_slice %arg7[%dma_wait3A_763] : memref<16384xf32, #tpu.memory_space<vmem>> -> memref<8192xf32, #tpu.memory_space<vmem>>
    tpu.wait_dma2 semaphore(%arg16 : memref<!tpu.dma_semaphore, #tpu.memory_space<semaphore_mem>>) src(%dma_wait3A_764 : memref<8192xf32, #tpu.memory_space<vmem>>) dst(%dma_wait3A_762 : memref<8192xf32, #tpu.memory_space<hbm>>)
    return
  }
}

module attributes {stable_mosaic.version = 14 : i64} {
  func.func @_tc_body(%arg0: i32, %arg1: memref<512x1024xf32, #tpu.memory_space<vmem>>, %arg2: memref<512x73xf32, #tpu.memory_space<vmem>>, %arg3: memref<73x1024xf32, #tpu.memory_space<vmem>>, %arg4: memref<512x1024xf32, #tpu.memory_space<vmem>>) attributes {dimension_semantics = [#tpu.dimension_semantics<arbitrary>], iteration_bounds = array<i64: 15>, scalar_prefetch = 0 : i64, scratch_operands = 0 : i64, tpu.core_type = #tpu.core_type<tc>, window_params = [{transform_indices = @transform_0, window_bounds = array<i64: 512, 1024>}, {transform_indices = @transform_1, window_bounds = array<i64: 512, 73>}, {pipeline_mode = #tpu.pipeline_mode<synchronous>, transform_indices = @transform_2, window_bounds = array<i64: 73, 1024>}, {transform_indices = @transform_3, window_bounds = array<i64: 512, 1024>}]} {
    %get3A = arith.constant 0 : index
    %get3A_0 = arith.constant 0 : index
    %get3A_1 = vector.load %arg2[%get3A, %get3A_0] : memref<512x73xf32, #tpu.memory_space<vmem>>, vector<512x73xf32>
    %iota3A = tpu.iota {dimensions = array<i32: 1>} : vector<512x73xi32>
    %reduce_max3A = arith.constant dense<0xFF800000> : vector<512xf32>
    %reduce_max3A_2 = vector.multi_reduction <maximumf>, %get3A_1, %reduce_max3A [1] : vector<512x73xf32> to vector<512xf32>
    %broadcast_in_dim3A = vector.shape_cast %reduce_max3A_2 : vector<512xf32> to vector<512x1xf32>
    %eq3A = vector.broadcast %broadcast_in_dim3A : vector<512x1xf32> to vector<512x73xf32>
    %eq3A_3 = arith.cmpf oeq, %get3A_1, %eq3A : vector<512x73xf32>
    %jit3A = arith.constant 73 : i32
    %broadcast_in_dim3A_4 = vector.broadcast %jit3A : i32 to vector<512x73xi32>
    %select_n3A = arith.select %eq3A_3, %iota3A, %broadcast_in_dim3A_4 : vector<512x73xi1>, vector<512x73xi32>
    %reduce_min3A = arith.constant dense<2147483647> : vector<512xi32>
    %reduce_min3A_5 = vector.multi_reduction <minsi>, %select_n3A, %reduce_min3A [1] : vector<512x73xi32> to vector<512xi32>
    %broadcast_in_dim3A_6 = vector.shape_cast %reduce_min3A_5 : vector<512xi32> to vector<512x1xi32>
    %eq3A_7 = vector.broadcast %broadcast_in_dim3A_6 : vector<512x1xi32> to vector<512x73xi32>
    %eq3A_8 = arith.cmpi eq, %eq3A_7, %iota3A : vector<512x73xi32>
    %convert_element_type3A = arith.extui %eq3A_8 : vector<512x73xi1> to vector<512x73xi32>
    %convert_element_type3A_9 = arith.sitofp %convert_element_type3A : vector<512x73xi32> to vector<512x73xf32>
    %convert_element_type3A_10 = arith.truncf %convert_element_type3A_9 : vector<512x73xf32> to vector<512x73xbf16>
    %get3A_11 = arith.constant 0 : index
    %get3A_12 = arith.constant 0 : index
    %get3A_13 = vector.load %arg3[%get3A_11, %get3A_12] : memref<73x1024xf32, #tpu.memory_space<vmem>>, vector<73x1024xf32>
    %convert_element_type3A_14 = arith.truncf %get3A_13 : vector<73x1024xf32> to vector<73x1024xbf16>
    %dot_general3A = arith.constant dense<0.000000e+00> : vector<512x1024xf32>
    %dot_general3A_15 = tpu.matmul %convert_element_type3A_10, %convert_element_type3A_14, %dot_general3A {dimension_numbers = #tpu.dot_dimension_numbers<[1], [0], [0], [1], [0, 0, 1, 1], [], []>, transpose_lhs_hint = false} : vector<512x73xbf16>, vector<73x1024xbf16>, vector<512x1024xf32> -> vector<512x1024xf32>
    %get3A_16 = arith.constant 0 : index
    %get3A_17 = arith.constant 0 : index
    %get3A_18 = vector.load %arg1[%get3A_16, %get3A_17] : memref<512x1024xf32, #tpu.memory_space<vmem>>, vector<512x1024xf32>
    %add3A = arith.addf %get3A_18, %dot_general3A_15 : vector<512x1024xf32>
    %swap3A = arith.constant 0 : index
    %swap3A_19 = arith.constant 0 : index
    %swap3A_20 = vector.load %arg4[%swap3A, %swap3A_19] : memref<512x1024xf32, #tpu.memory_space<vmem>>, vector<512x1024xf32>
    tpu.vector_store %arg4[%swap3A, %swap3A_19], %add3A {strides = array<i32>} : memref<512x1024xf32, #tpu.memory_space<vmem>>, vector<512x1024xf32>,
    return
  }
  func.func @transform_0(%arg0: i32) -> (i32, i32) {
    %add3A = arith.constant 1 : i32
    %add3A_0 = arith.addi %arg0, %add3A : i32
    %c0_i32 = arith.constant 0 : i32
    %c0_i32_1 = arith.constant 0 : i32
    return %add3A_0, %c0_i32 : i32, i32
  }
  func.func @transform_1(%arg0: i32) -> (i32, i32) {
    %add3A = arith.constant 1 : i32
    %add3A_0 = arith.addi %arg0, %add3A : i32
    %c0_i32 = arith.constant 0 : i32
    %c0_i32_1 = arith.constant 0 : i32
    return %add3A_0, %c0_i32 : i32, i32
  }
  func.func @transform_2(%arg0: i32) -> (i32, i32) {
    %c0_i32 = arith.constant 0 : i32
    %c0_i32_0 = arith.constant 0 : i32
    %c0_i32_1 = arith.constant 0 : i32
    return %c0_i32, %c0_i32_0 : i32, i32
  }
  func.func @transform_3(%arg0: i32) -> (i32, i32) {
    %add3A = arith.constant 1 : i32
    %add3A_0 = arith.addi %arg0, %add3A : i32
    %c0_i32 = arith.constant 0 : i32
    %c0_i32_1 = arith.constant 0 : i32
    return %add3A_0, %c0_i32 : i32, i32
  }
}

</mosaic_0001>

<sc_bundles>
// kernel: kernel.4.cloned.1.call-start
scs
__scs_entry_jumppad:
0x0: {  	(pc) =	sbr.rel $0x88, $3  }
0x1: {  	(tag) =	ssettag $0x0;
	lr =	simm.s32 $0x1  }
0x2: {  	[smem:$0x3F9E] =	sst lr;
	_ =	strace $0xD0000000  }
0x3: {  	_ = 	snop  }
0x4: {  	_ = 	snop  }
0x5: {  	_ = 	snop  }
0x6: {  	_ = 	snop  }
0x7: {  	_ = 	snop  }
__scs_overlays_trampoline_lowered:
0x8: {  	[smem:$0x3FAD] =	sst s0  }
0x9: {  	[smem:$0x3FAE] =	sst s1  }
0xa: {  	[smem:$0x3FAF] =	sst s2  }
0xb: {  	[smem:$0x3FB0] =	sst s3  }
0xc: {  	[smem:$0x3FB1] =	sst s4  }
0xd: {  	[smem:$0x3FB2] =	sst s5  }
0xe: {  	[smem:$0x3FB3] =	sst s6  }
0xf: {  	[smem:$0x3FB4] =	sst s7  }
0x10: {  	[smem:$0x3FB5] =	sst s8  }
0x11: {  	[smem:$0x3FB6] =	sst s9;
	s0 =	simm.s32 @!p0 $0x0  }
0x12: {  	s1 =	sld [smem:$0x3F9C];
	s0 =	simm.s32 @p0 $0x1  }
0x13: {  	[smem:$0x3FB7] =	sst s0;
	s0 =	simm.s32 @!p1 $0x0  }
0x14: {  	s2 =	sld [smem:$0x3F9B];
	s0 =	simm.s32 @p1 $0x1  }
0x15: {  	[smem:$0x3FB8] =	sst s0;
	s0 =	simm.s32 @!p2 $0x0  }
0x16: {  	s3 =	sld [smem:$0x3FDB];
	s0 =	simm.s32 @p2 $0x1  }
0x17: {  	s4 =	simm.s32 $0x1BF5;
	[smem:$0x3FBA] =	sst s0  }
0x18: {  	s0 =	sld [smem:$0x3F9D];
	_ =	swait.ge [sflag:s4], $0x0  }
0x19: {  	s7 =	sld [smem:$0x3F9E]  }
0x1a: {  	s8 =	sadd.s32 $0xFFFFE003, lr  }
0x1b: {  	s9 =	sadd.s32 $0xFFFFFEF7, lr;
	s5 =	simm.s32 $0xFFFFFFFF;
	p2 =	slt.u32 s8, $0xFFFFF086  }
0x1c: {  	p1 =	slt.u32 s9, $0xF7A;
	s5 =	simm.s32 @!p2 $0x0  }
0x1d: {  	s5 =	simm.s32 @p1 $0x1;
	p0 =	seq.s32 s7, s2  }
0x1e: {  	s7 =	smul.u32 @!p0 $0xF7A, s2;
	p2 =	seq.s32 @!p0 s5, $0x0  }
0x1f: {  	s9 =	smul.u32 $0xF7A, s1;
	s8 =	simm.s32 @!p0 $0x1BF5;
	p2 =	por !p2, p0  }
0x20: {  	[sflag:s8] =	ssyncset.s32 @!p0 $0xFFFFF086;
	s6 =	sadd.s32 @!p0 s3, s7;
	s7 =	simm.s32 @!p0 $0x108  }
0x21: {  	s3 =	sadd.s32 s3, s9;
	s6 =	sadd.s32 @!p0 $0x88, s6;
	s7 =	simm.s32 @p2 $0x1082  }
0x22: {  	[simem:s7], [sflag:s8] =	dma.local @!p0 [hbm:s6], $0xF7A  }
0x23: {  	s9 =	sor.u32 $0xD0000000, s2;
	s6 =	simm.s32 $0x108;
	_ =	swait.ge @!p0 [sflag:s8], $0x0  }
0x24: {  	s3 =	sadd.s32 $0x88, s3;
	s6 =	simm.s32 @!p1 $0x1082;
	[sflag:s4] =	ssyncset.s32 $0xFFFFF086  }
0x25: {  	[simem:s6], [sflag:s4] =	dma.local [hbm:s3], $0xF7A  }
0x26: {  	[smem:$0x3F9E] =	sst s1;
	(tag) =	ssettag s2;
	_ =	strace s9  }
0x27: {  	s1 =	sld [smem:$0x3FAE]  }
0x28: {  	s2 =	sld [smem:$0x3FAF]  }
0x29: {  	s4 =	sld [smem:$0x3FB1]  }
0x2a: {  	p0 =	seq.s32 s5, $0x0;
	s5 =	sld [smem:$0x3FB2]  }
0x2b: {  	s6 =	sld [smem:$0x3FB3]  }
0x2c: {  	s7 =	sld [smem:$0x3FB4]  }
0x2d: {  	s3 =	simm.s32 $0x108;
	s8 =	sld [smem:$0x3FB5]  }
0x2e: {  	s3 =	simm.s32 @!p0 $0x1082;
	s9 =	sld [smem:$0x3FB6]  }
0x2f: {  	lr =	sadd.s32 s0, s3;
	s0 =	sld [smem:$0x3FAD]  }
0x30: {  	s3 =	sld [smem:$0x3FB0]  }
0x31: {  	[smem:$0x3FB9] =	sst s10  }
0x32: {  	s10 =	sld [smem:$0x3FB7];
	_ =	sdelay $0x3  }
0x33: {  	p0 =	seq.s32 s10, $0x1;
	s10 =	sld [smem:$0x3FB9];
	_ =	sdelay $0x3  }
0x34: {  	[smem:$0x3FB9] =	sst s10  }
0x35: {  	s10 =	sld [smem:$0x3FB8];
	_ =	sdelay $0x3  }
0x36: {  	p1 =	seq.s32 s10, $0x1;
	s10 =	sld [smem:$0x3FB9];
	_ =	sdelay $0x3  }
0x37: {  	[smem:$0x3FB9] =	sst s10  }
0x38: {  	s10 =	sld [smem:$0x3FBA]  }
0x39: {  	_ = 	snop;
	(pc) =	sbr.ind lr, $3  }
0x3a: {  	_ = 	snop  }
0x3b: {  	_ = 	snop  }
0x3c: {  	p2 =	seq.s32 s10, $0x1;
	s10 =	sld [smem:$0x3FB9]  }
0x3d: {  	_ =	shalt  }
0x3e: {  	_ =	shalt  }
0x3f: {  	_ =	shalt  }
0x40: {  	_ =	shalt  }
0x41: {  	_ =	shalt  }
0x42: {  	_ =	shalt  }
0x43: {  	_ =	shalt  }
0x44: {  	_ =	shalt  }
0x45: {  	_ =	shalt  }
0x46: {  	_ =	shalt  }
0x47: {  	_ =	shalt  }
0x48: {  	_ =	shalt  }
0x49: {  	_ =	shalt  }
0x4a: {  	_ =	shalt  }
0x4b: {  	_ =	shalt  }
0x4c: {  	_ =	shalt  }
0x4d: {  	_ =	shalt  }
0x4e: {  	_ =	shalt  }
0x4f: {  	_ =	shalt  }
0x50: {  	_ =	shalt  }
0x51: {  	_ =	shalt  }
0x52: {  	_ =	shalt  }
0x53: {  	_ =	shalt  }
0x54: {  	_ =	shalt  }
0x55: {  	_ =	shalt  }
0x56: {  	_ =	shalt  }
0x57: {  	_ =	shalt  }
0x58: {  	_ =	shalt  }
0x59: {  	_ =	shalt  }
0x5a: {  	_ =	shalt  }
0x5b: {  	_ =	shalt  }
0x5c: {  	_ =	shalt  }
0x5d: {  	_ =	shalt  }
0x5e: {  	_ =	shalt  }
0x5f: {  	_ =	shalt  }
0x60: {  	_ =	shalt  }
0x61: {  	_ =	shalt  }
0x62: {  	_ =	shalt  }
0x63: {  	_ =	shalt  }
0x64: {  	_ =	shalt  }
0x65: {  	_ =	shalt  }
0x66: {  	_ =	shalt  }
0x67: {  	_ =	shalt  }
0x68: {  	_ =	shalt  }
0x69: {  	_ =	shalt  }
0x6a: {  	_ =	shalt  }
0x6b: {  	_ =	shalt  }
0x6c: {  	_ =	shalt  }
0x6d: {  	_ =	shalt  }
0x6e: {  	_ =	shalt  }
0x6f: {  	_ =	shalt  }
0x70: {  	_ =	shalt  }
0x71: {  	_ =	shalt  }
0x72: {  	_ =	shalt  }
0x73: {  	_ =	shalt  }
0x74: {  	_ =	shalt  }
0x75: {  	_ =	shalt  }
0x76: {  	_ =	shalt  }
0x77: {  	_ =	shalt  }
0x78: {  	_ =	shalt  }
0x79: {  	_ =	shalt  }
0x7a: {  	_ =	shalt  }
0x7b: {  	_ =	shalt  }
0x7c: {  	_ =	shalt  }
0x7d: {  	_ =	shalt  }
0x7e: {  	_ =	shalt  }
0x7f: {  	_ =	shalt  }
0x80: {  	_ =	shalt  }
0x81: {  	_ =	shalt  }
0x82: {  	_ =	shalt  }
0x83: {  	_ =	shalt  }
0x84: {  	_ =	shalt  }
0x85: {  	_ =	shalt  }
0x86: {  	_ =	shalt  }
0x87: {  	_ =	shalt  }
.Lfunc_end0:
.L_simem_size_0:
called_computation_lowered:
.L_overlay_start_0:
0x88: {  	s2 =	sld [smem:$0x3FD9]  }
0x89: {  	s3 =	sld [smem:$0x3FFE];
	_ =	sdelay $0x1  }
0x8a: {  	s1 =	srdreg.scid  }
0x8b: {  	s0 =	sand.u32 $0x1, s1  }
0x8c: {  	s17 =	sshll.u32 s0, $0xA;
	s2 =	sadd.s32 s3, s2  }
0x8d: {  	s2 =	sadd.s32 s2, s17  }
0x8e: {  	[smem:$0x3FC5] =	sst s2  }
0x8f: {  	_ = 	snop  }
0x90: {  	s2 =	sld [smem:$0x3FC9]  }
0x91: {  	s18 =	sld [smem:$0x3FC8]  }
0x92: {  	s4 =	sld [smem:$0x3FC7];
	(tm) =	ssettm $0x1  }
0x93: {  	s5 =	sld [smem:$0x3FFB];
	_ =	sdelay $0x3  }
0x94: {  	_ =	strace s5  }
0x95: {  	s5 =	sld [smem:$0x3FFC];
	_ =	sdelay $0x3  }
0x96: {  	_ =	strace s5  }
0x97: {  	s5 =	sld [smem:$0x3FFD];
	_ =	sdelay $0x3  }
0x98: {  	_ =	strace s5  }
0x99: {  	_ =	strace $0x8FFFFFFF  }
0x9a: {  	s19 =	sld [smem:$0x3FDB];
	_ =	sdelay $0x1  }
0x9b: {  	s6 =	simm.s32 $_scs_section_size  }
0x9c: {  	s7 =	simm.s32 $_size__tile_overlayer_lowered;
	s8 =	simm.s32 $_tile_overlayer_lowered  }
0x9d: {  	s22 =	simm.s32 $0x1BFF;
	s21 =	sshll.u32 s8, $0x1;
	s5 =	sadd.s32 s6, s19  }
0x9e: {  	s9 =	simm.s32 $0x0;
	s20 =	sshll.u32 s7, $0x1;
	s7 =	sadd.s32 s21, s5  }
0x9f: {  	[timem:s9], [sflag:s22] =	dma.local [hbm:s7], s20  }
0xa0: {  	_ =	swait.ge [sflag:s22], s20  }
0xa1: {  	s6 =	ssub.s32 $0x0, s20;
	[sflag:s22] =	ssyncset.done $0x0  }
0xa2: {  	[sflag:s22] =	ssyncadd.s32 s6;
	_ =	sdelay $0x1  }
0xa3: {  	s23 =	simm.s32 $0x1B8B  }
0xa4: {  	_ =	swait.ge [sflag:s23], $0x1  }
0xa5: {  	[sflag:s23] =	ssyncset.done $0x0  }
0xa6: {  	s25 =	simm.s32 $0x1B8E;
	s24 =	sld [smem:$0x3FFE];
	[sflag:s23] =	ssyncadd.s32 $0xFFFFFFFF  }
0xa7: {  	s26 =	simm.s32 $execute0_lowered;
	[smem:$0x3FD2] =	sst s25  }
0xa8: {  	s7 =	sshll.u32 s26, $0x1;
	_ =	strace $0x80000046;
	[dreg:$0x1] =	wrdreg $0xFFFFFFFF  }
0xa9: {  	s28 =	simm.s32 $_size_execute0_lowered;
	s5 =	sadd.s32 s5, s7;
	[dreg:$0x0] =	wrdreg $0x0  }
0xaa: {  	s7 =	sshll.u32 s28, $0x1;
	[dreg:$0x2] =	wrdreg s5  }
0xab: {  	[dreg:$0x3] =	wrdreg s7  }
0xac: {  	[dreg:$0x4] =	wrdreg $0xC0  }
0xad: {  	_ =	task [dreg:s9], $0x5FFFF  }
0xae: {  	[dreg:$0x1] =	wrdreg $0xFFFFFFFF  }
0xaf: {  	[dreg:$0x0] =	wrdreg $0x60  }
0xb0: {  	[dreg:$0x2] =	wrdreg s2  }
0xb1: {  	[dreg:$0x3] =	wrdreg s18  }
0xb2: {  	[dreg:$0x4] =	wrdreg s4  }
0xb3: {  	[dreg:$0x5] =	wrdreg s24  }
0xb4: {  	[dreg:$0x6] =	wrdreg $0x169800  }
0xb5: {  	[dreg:$0x7] =	wrdreg $0x9  }
0xb6: {  	_ =	task.clear_ibuf [dreg:s9], $0x8FFFF;
	_ =	strace $0x90000046  }
0xb7: {  	s29 =	simm.s32 $0x9;
	_ =	strace $0x80000048  }
0xb8: {  	_ =	swait.ge [sflag:s29], $0x1  }
0xb9: {  	[sflag:s29] =	ssyncadd.s32 $0xFFFFFFFF  }
0xba: {  	_ =	strace $0x90000048  }
0xbb: {  	_ =	sfence  }
0xbc: {  	s30 =	sld [smem:$0x0];
	_ =	sdelay $0x2  }
0xbd: {  	s31 =	sshll.u32 s1, $0xD;
	s1 =	sshrl.u32 s1, $0x2  }
0xbe: {  	s3 =	sand.u32 $0x4000, s31;
	s1 =	sadd.s32 s1, s30  }
0xbf: {  	s0 =	sor.u32 s3, s0;
	s1 =	sshll.u32 s1, $0x11  }
0xc0: {  	s0 =	sor.u32 s1, s0  }
0xc1: {  	s0 =	sadd.s32 $0x8F2B, s0  }
0xc2: {  	[sflag:s0] =	ssyncadd.remote.s32 $0x1  }
0xc3: {  	_ =	sfence.sel $0xFFFF  }
0xc4: {  	[dreg:$0x0] =	wrdreg $0xFFFFFFFF;
	(pc) =	sbr.abs _section_cstart, $3  }
0xc5: {  	[dreg:$0x1] =	wrdreg $0xFFFFFFFF  }
0xc6: {  	_ =	task.clear_ibuf [dreg:s9], $0x2FFFF;
	_ =	strace $0x9FFFFFFF  }
0xc7: {  	(tm) =	ssettm $0x7FFFFFFF  }
tec
execute0_lowered:
.L_overlay_start_1:
0x0: {  	(tag) =	ssettag $0x1  }
0x1: {  	s5 =	rddreg [dreg:$0x0]  }
0x2: {  	s9 =	rddreg [dreg:$0x1]  }
0x3: {  	s1 =	rddreg [dreg:$0x2]  }
0x4: {  	s4 =	rddreg [dreg:$0x3]  }
0x5: {  	s2 =	rddreg [dreg:$0x4]  }
0x6: {  	s0 =	rddreg [dreg:$0x5];
	s3 =	simm.s32 $0x0;
	s6 =	srdreg.scid  }
0x7: {  	s10 =	stileid.u32;
	s16 =	simm.s32 $0x4;
	s17 =	simm.s32 $0x5  }
0x8: {  	s18 =	simm.s32 $0x6;
	s19 =	simm.s32 $0x0;
	[smem:$0x7FF] =	sst s3  }
0x9: {  	s6 =	sand.u32 $0x1, s6;
	s7 =	sadd.s32 $0x800, s4;
	s11 =	sshll.u32 s10, $0xC  }
0xa: {  	s29 =	sshll.u32 s10, $0x4;
	s14 =	sshll.u32 s10, $0x2;
	p0 =	sne.s32 s10, $0x0  }
0xb: {  	s10 =	simm.s32 $0x12400;
	_ =	strace $0x80000047;
	s28 =	ssub.s32 $0x2, s6  }
0xc: {  	s12 =	sshll.u32 s6, $0xB;
	s30 =	sand.u32 $0xC0, s29;
	s15 =	sshll.u32 s6, $0x1  }
0xd: {  	s8 =	sshrl.u32 s28, $0x1;
	s11 =	sor.u32 s12, s11;
	s31 =	sor.u32 s15, s14  }
0xe: {  	s9 =	sadd.s32 s30, s9;
	s12 =	sshrl.u32 @!p0 s2, $0x3;
	s14 =	simm.s32 $0x1  }
0xf: {  	s15 =	simm.s32 $0x3;
	s8 =	ssub.s32 s28, s8;
	s4 =	sadd.s32 s5, s11  }
0x10: {  	s13 =	sor.u32 $0x400, s11;
	s6 =	sadd.s32 s7, s11;
	s11 =	sand.u32 $0xE, s31  }
0x11: {  	s5 =	sadd.s32 s5, s13;
	s7 =	sadd.s32 s7, s13;
	s8 =	smax.u32 s8, $0x1  }
0x12: {  	v0 =	vimm.s32 $0x0;
	v1 =	vlaneseq.u32;
	s9 =	sadd.s32 s11, s9;
	s11 =	simm.s32 $0x14400;
	s13 =	simm.s32 $0x2  }
.LBB2_1:
0x13: {  	s20 =	simm.s32 $0x16400  }
0x14: {  	[tilespmem:s20], [sflag:$0x2] =	stream.linear.gather [hbm4b:s9+s3], $0x10, $0x38;
	[tilespmem:$0x17BC0] =	vst v63  }
0x15: {  	s21 =	smov.u32 s9;
	s20 =	simm.s32 $0x40  }
.LBB2_2:
0x16: {  	p1 =	sne.s32 s20, $0x1200  }
.Ltmp0:
0x17: {  	_ = 	snop;
	(pc) =	sbr.rel @p1 .LBB2_2-.Ltmp0, $4  }
0x18: {  	_ = 	snop  }
0x19: {  	s22 =	sshra.s32 s20, $0x2;
	s20 =	sadd.s32 $0x40, s20  }
0x1a: {  	s21 =	sadd.s32 $0x400, s21;
	s22 =	sadd.s32 $0x16400, s22  }
0x1b: {  	[tilespmem:s22], [sflag:$0x2] =	stream.linear.gather [hbm4b:s21+s3], $0x10, $0x38;
	[tilespmem:$0x17BC0] =	vst v63  }
0x1c: {  	[tilespmem:s10], [sflag:$0x3] =	stream.linear.gather [hbm4b:s4+s3], $0x2000, $0x38;
	[tilespmem:$0x17BC0] =	vst v63  }
0x1d: {  	s20 =	simm.s32 @!p0 $0x1C07  }
0x1e: {  	[tilespmem:s11], [sflag:$0x4] =	stream.linear.gather [hbm4b:s5+s3], $0x2000, $0x38;
	[tilespmem:$0x17BC0] =	vst v63  }
0x1f: {  	[spmem:s12], [sflag:s20] =	dma.local @!p0 [hbm:s1], $0x2480  }
0x20: {  	s20 =	simm.s32 @!p0 $0x7  }
0x21: {  	_ =	swait.ge @!p0 [sflag:s20], $0x2480  }
0x22: {  	[sflag:s20] =	ssyncset.done @!p0 $0x0  }
0x23: {  	[sflag:s20] =	ssyncadd.s32 @!p0 $0xFFFFDB80  }
0x24: {  	s31 =	simm.s32 $0x0;
	[bflag:$0x0] =	sbarrier.arrive $0xFFFF  }
0x25: {  	[tilespmem:s31], [sflag:$0x1] =	stream.linear.gather [spmem:s2], $0x12400, $0x38;
	[tilespmem:$0x17BC0] =	vst v63  }
0x26: {  	_ =	swait.ge [sflag:s13], $0x490  }
0x27: {  	[sflag:s13] =	ssyncset.done $0x0  }
0x28: {  	[sflag:s13] =	ssyncadd.s32 $0xFFFFFB70  }
0x29: {  	v2 =	vld [tilespmem:$0x16400]  }
0x2a: {  	v3 =	vld [tilespmem:$0x16410];
	_ =	sdelay $0x1  }
0x2b: {  	v4 =	vld [tilespmem:$0x16420];
	_ =	sdelay $0x1  }
0x2c: {  	v5 =	vld [tilespmem:$0x16430]  }
0x2d: {  	vm0 =	vgt.f32 v3, v2  }
0x2e: {  	v2 =	vsel vm0, v3, v2;
	v3 =	vld [tilespmem:$0x16440]  }
0x2f: {  	vm1 =	vgt.f32 v4, v2  }
0x30: {  	v2 =	vsel vm1, v4, v2;
	v4 =	vld [tilespmem:$0x16450]  }
0x31: {  	vm2 =	vgt.f32 v5, v2  }
0x32: {  	v2 =	vsel vm2, v5, v2;
	v5 =	vld [tilespmem:$0x16460]  }
0x33: {  	vm3 =	vgt.f32 v3, v2  }
0x34: {  	v2 =	vsel vm3, v3, v2;
	v3 =	vld [tilespmem:$0x16470]  }
0x35: {  	vm4 =	vgt.f32 v4, v2  }
0x36: {  	v2 =	vsel vm4, v4, v2;
	v4 =	vld [tilespmem:$0x16480]  }
0x37: {  	vm5 =	vgt.f32 v5, v2  }
0x38: {  	v2 =	vsel vm5, v5, v2;
	v5 =	vld [tilespmem:$0x16490]  }
0x39: {  	vm6 =	vgt.f32 v3, v2  }
0x3a: {  	v2 =	vsel vm6, v3, v2;
	v3 =	vld [tilespmem:$0x164A0]  }
0x3b: {  	vm7 =	vgt.f32 v4, v2  }
0x3c: {  	v2 =	vsel vm7, v4, v2;
	v4 =	vld [tilespmem:$0x164B0]  }
0x3d: {  	vm8 =	vgt.f32 v5, v2  }
0x3e: {  	v2 =	vsel vm8, v5, v2;
	v5 =	vld [tilespmem:$0x164C0]  }
0x3f: {  	vm9 =	vgt.f32 v3, v2  }
0x40: {  	v2 =	vsel vm9, v3, v2;
	v3 =	vld [tilespmem:$0x164D0]  }
0x41: {  	vm10 =	vgt.f32 v4, v2  }
0x42: {  	v2 =	vsel vm10, v4, v2;
	v4 =	vld [tilespmem:$0x164E0]  }
0x43: {  	vm11 =	vgt.f32 v5, v2  }
0x44: {  	v2 =	vsel vm11, v5, v2;
	v5 =	vld [tilespmem:$0x164F0]  }
0x45: {  	vm12 =	vgt.f32 v3, v2  }
0x46: {  	v2 =	vsel vm12, v3, v2;
	v3 =	vld [tilespmem:$0x16500]  }
0x47: {  	vm13 =	vgt.f32 v4, v2  }
0x48: {  	v6 =	vimm.s32 $0x0;
	v2 =	vsel vm13, v4, v2;
	v4 =	vld [tilespmem:$0x16510]  }
0x49: {  	v6 =	vsel vm13, $0xFFFFFFFF, v6;
	vm13 =	vgt.f32 v5, v2  }
0x4a: {  	[tilespmem:$0x1FE50] =	vst v6;
	v6 =	vimm.s32 $0x0;
	v2 =	vsel vm13, v5, v2;
	v5 =	vld [tilespmem:$0x16520]  }
0x4b: {  	v6 =	vsel vm13, $0xFFFFFFFF, v6;
	vm13 =	vgt.f32 v3, v2  }
0x4c: {  	[tilespmem:$0x1FE60] =	vst v6;
	v6 =	vimm.s32 $0x0;
	v2 =	vsel vm13, v3, v2;
	v3 =	vld [tilespmem:$0x16530]  }
0x4d: {  	v6 =	vsel vm13, $0xFFFFFFFF, v6;
	vm13 =	vgt.f32 v4, v2  }
0x4e: {  	[tilespmem:$0x1FE70] =	vst v6;
	v6 =	vimm.s32 $0x0;
	v2 =	vsel vm13, v4, v2;
	v4 =	vld [tilespmem:$0x16540]  }
0x4f: {  	v6 =	vsel vm13, $0xFFFFFFFF, v6;
	vm13 =	vgt.f32 v5, v2  }
0x50: {  	[tilespmem:$0x1FE80] =	vst v6;
	v6 =	vimm.s32 $0x0;
	v2 =	vsel vm13, v5, v2;
	v5 =	vld [tilespmem:$0x16550]  }
0x51: {  	v6 =	vsel vm13, $0xFFFFFFFF, v6;
	vm13 =	vgt.f32 v3, v2  }
0x52: {  	[tilespmem:$0x1FE90] =	vst v6;
	v6 =	vimm.s32 $0x0;
	v2 =	vsel vm13, v3, v2;
	v3 =	vld [tilespmem:$0x16560]  }
0x53: {  	v6 =	vsel vm13, $0xFFFFFFFF, v6;
	vm13 =	vgt.f32 v4, v2  }
0x54: {  	[tilespmem:$0x1FEA0] =	vst v6;
	v6 =	vimm.s32 $0x0;
	v2 =	vsel vm13, v4, v2;
	v4 =	vld [tilespmem:$0x16570]  }
0x55: {  	v6 =	vsel vm13, $0xFFFFFFFF, v6;
	vm13 =	vgt.f32 v5, v2  }
0x56: {  	[tilespmem:$0x1FEB0] =	vst v6;
	v6 =	vimm.s32 $0x0;
	v2 =	vsel vm13, v5, v2;
	v5 =	vld [tilespmem:$0x16580]  }
0x57: {  	v6 =	vsel vm13, $0xFFFFFFFF, v6;
	vm13 =	vgt.f32 v3, v2  }
0x58: {  	[tilespmem:$0x1FEC0] =	vst v6;
	v6 =	vimm.s32 $0x0;
	v2 =	vsel vm13, v3, v2;
	v3 =	vld [tilespmem:$0x16590]  }
0x59: {  	v6 =	vsel vm13, $0xFFFFFFFF, v6;
	vm13 =	vgt.f32 v4, v2  }
0x5a: {  	[tilespmem:$0x1FED0] =	vst v6;
	v6 =	vimm.s32 $0x0;
	v2 =	vsel vm13, v4, v2;
	v4 =	vld [tilespmem:$0x165A0]  }
0x5b: {  	v6 =	vsel vm13, $0xFFFFFFFF, v6;
	vm13 =	vgt.f32 v5, v2  }
0x5c: {  	[tilespmem:$0x1FEE0] =	vst v6;
	v6 =	vimm.s32 $0x0;
	v2 =	vsel vm13, v5, v2;
	v5 =	vld [tilespmem:$0x165B0]  }
0x5d: {  	v6 =	vsel vm13, $0xFFFFFFFF, v6;
	vm13 =	vgt.f32 v3, v2  }
0x5e: {  	[tilespmem:$0x1FEF0] =	vst v6;
	v6 =	vimm.s32 $0x0;
	v2 =	vsel vm13, v3, v2;
	v3 =	vld [tilespmem:$0x165C0]  }
0x5f: {  	v6 =	vsel vm13, $0xFFFFFFFF, v6;
	vm13 =	vgt.f32 v4, v2  }
0x60: {  	[tilespmem:$0x1FF00] =	vst v6;
	v6 =	vimm.s32 $0x0;
	v2 =	vsel vm13, v4, v2;
	v4 =	vld [tilespmem:$0x165D0]  }
0x61: {  	v6 =	vsel vm13, $0xFFFFFFFF, v6;
	vm13 =	vgt.f32 v5, v2  }
0x62: {  	[tilespmem:$0x1FF10] =	vst v6;
	v6 =	vimm.s32 $0x0;
	v2 =	vsel vm13, v5, v2;
	v5 =	vld [tilespmem:$0x165E0]  }
0x63: {  	v6 =	vsel vm13, $0xFFFFFFFF, v6;
	vm13 =	vgt.f32 v3, v2  }
0x64: {  	[tilespmem:$0x1FF20] =	vst v6;
	v6 =	vimm.s32 $0x0;
	v2 =	vsel vm13, v3, v2;
	v3 =	vld [tilespmem:$0x165F0]  }
0x65: {  	v6 =	vsel vm13, $0xFFFFFFFF, v6;
	vm13 =	vgt.f32 v4, v2  }
0x66: {  	[tilespmem:$0x1FF30] =	vst v6;
	v6 =	vimm.s32 $0x0;
	v2 =	vsel vm13, v4, v2;
	v4 =	vld [tilespmem:$0x16600]  }
0x67: {  	v6 =	vsel vm13, $0xFFFFFFFF, v6;
	vm13 =	vgt.f32 v5, v2  }
0x68: {  	[tilespmem:$0x1FF40] =	vst v6;
	v6 =	vimm.s32 $0x0;
	v2 =	vsel vm13, v5, v2;
	v5 =	vld [tilespmem:$0x16610]  }
0x69: {  	v6 =	vsel vm13, $0xFFFFFFFF, v6;
	vm13 =	vgt.f32 v3, v2  }
0x6a: {  	[tilespmem:$0x1FF50] =	vst v6;
	v6 =	vimm.s32 $0x0;
	v2 =	vsel vm13, v3, v2;
	v3 =	vld [tilespmem:$0x16620]  }
0x6b: {  	v6 =	vsel vm13, $0xFFFFFFFF, v6;
	vm13 =	vgt.f32 v4, v2  }
0x6c: {  	[tilespmem:$0x1FF60] =	vst v6;
	v6 =	vimm.s32 $0x0;
	v2 =	vsel vm13, v4, v2;
	v4 =	vld [tilespmem:$0x16630]  }
0x6d: {  	v6 =	vsel vm13, $0xFFFFFFFF, v6;
	vm13 =	vgt.f32 v5, v2  }
0x6e: {  	[tilespmem:$0x1FF70] =	vst v6;
	v6 =	vimm.s32 $0x0;
	v2 =	vsel vm13, v5, v2;
	v5 =	vld [tilespmem:$0x16640]  }
0x6f: {  	v6 =	vsel vm13, $0xFFFFFFFF, v6;
	vm13 =	vgt.f32 v3, v2  }
0x70: {  	[tilespmem:$0x1FF80] =	vst v6;
	v6 =	vimm.s32 $0x0;
	v2 =	vsel vm13, v3, v2;
	v3 =	vld [tilespmem:$0x16650]  }
0x71: {  	v6 =	vsel vm13, $0xFFFFFFFF, v6;
	vm13 =	vgt.f32 v4, v2  }
0x72: {  	[tilespmem:$0x1FF90] =	vst v6;
	v6 =	vimm.s32 $0x0;
	v2 =	vsel vm13, v4, v2;
	v4 =	vld [tilespmem:$0x16660]  }
0x73: {  	v6 =	vsel vm13, $0xFFFFFFFF, v6;
	vm13 =	vgt.f32 v5, v2  }
0x74: {  	v2 =	vsel vm13, v5, v2;
	v5 =	vld [tilespmem:$0x16670]  }
0x75: {  	vm14 =	vgt.f32 v3, v2  }
0x76: {  	[tilespmem:$0x1FFA0] =	vst v6;
	v6 =	vimm.s32 $0x0;
	v2 =	vsel vm14, v3, v2;
	v3 =	vld [tilespmem:$0x16680]  }
0x77: {  	v7 =	vimm.s32 $0x0;
	v6 =	vsel vm13, $0xFFFFFFFF, v6;
	vm15 =	vgt.f32 v4, v2  }
0x78: {  	[tilespmem:$0x1FFB0] =	vst v6;
	v7 =	vsel vm15, $0xFFFFFFFF, v7;
	v2 =	vsel vm15, v4, v2;
	v4 =	vld [tilespmem:$0x16690]  }
0x79: {  	v6 =	vsel vm0, $0x400, v0;
	[tilespmem:$0x1FFC0] =	vst v7;
	vm0 =	vgt.f32 v5, v2;
	v7 =	vimm.s32 $0x0  }
0x7a: {  	v7 =	vsel vm0, $0xFFFFFFFF, v7;
	v2 =	vsel vm0, v5, v2  }
0x7b: {  	[tilespmem:$0x1FFD0] =	vst v7;
	vm0 =	vgt.f32 v3, v2;
	v7 =	vimm.s32 $0x0  }
0x7c: {  	v6 =	vsel vm1, $0x800, v6;
	v7 =	vsel vm0, $0xFFFFFFFF, v7;
	v2 =	vsel vm0, v3, v2  }
0x7d: {  	v6 =	vsel vm2, $0xC00, v6;
	[tilespmem:$0x1FFE0] =	vst v7;
	vm0 =	vgt.f32 v4, v2;
	v7 =	vimm.s32 $0x0  }
0x7e: {  	v6 =	vsel vm3, $0x1000, v6;
	v7 =	vsel vm0, $0xFFFFFFFF, v7  }
0x7f: {  	v6 =	vsel vm4, $0x1400, v6;
	[tilespmem:$0x1FFF0] =	vst v7;
	v7 =	vld [tilespmem:$0x1FE50]  }
0x80: {  	v6 =	vsel vm5, $0x1800, v6  }
0x81: {  	v6 =	vsel vm6, $0x1C00, v6  }
0x82: {  	v6 =	vsel vm7, $0x2000, v6  }
0x83: {  	v6 =	vsel vm8, $0x2400, v6  }
0x84: {  	v6 =	vsel vm9, $0x2800, v6;
	vm9 =	vnez.u8 v7;
	v7 =	vld [tilespmem:$0x1FE60];
	_ =	sdelay $0x4  }
0x85: {  	v6 =	vsel vm10, $0x2C00, v6;
	vm10 =	vnez.u8 v7;
	v7 =	vld [tilespmem:$0x1FE70];
	_ =	sdelay $0x4  }
0x86: {  	v6 =	vsel vm11, $0x3000, v6;
	vm11 =	vnez.u8 v7;
	v7 =	vld [tilespmem:$0x1FE80];
	_ =	sdelay $0x4  }
0x87: {  	vm15 =	vnez.u8 v7;
	v7 =	vld [tilespmem:$0x1FE90];
	_ =	sdelay $0x4  }
0x88: {  	vm4 =	vnez.u8 v7;
	v7 =	vld [tilespmem:$0x1FEA0];
	_ =	sdelay $0x4  }
0x89: {  	vm5 =	vnez.u8 v7;
	v7 =	vld [tilespmem:$0x1FEB0];
	_ =	sdelay $0x4  }
0x8a: {  	vm6 =	vnez.u8 v7;
	v7 =	vld [tilespmem:$0x1FEC0];
	_ =	sdelay $0x4  }
0x8b: {  	vm7 =	vnez.u8 v7;
	v7 =	vld [tilespmem:$0x1FED0];
	_ =	sdelay $0x4  }
0x8c: {  	vm8 =	vnez.u8 v7;
	v7 =	vld [tilespmem:$0x1FEE0]  }
0x8d: {  	v6 =	vsel vm12, $0x3400, v6  }
0x8e: {  	v6 =	vsel vm9, $0x3800, v6  }
0x8f: {  	v6 =	vsel vm10, $0x3C00, v6  }
0x90: {  	v6 =	vsel vm11, $0x4000, v6  }
0x91: {  	v6 =	vsel vm15, $0x4400, v6;
	vm15 =	vnez.u8 v7;
	v7 =	vld [tilespmem:$0x1FEF0];
	_ =	sdelay $0x4  }
0x92: {  	v6 =	vsel vm4, $0x4800, v6;
	vm4 =	vnez.u8 v7;
	v7 =	vld [tilespmem:$0x1FF00];
	_ =	sdelay $0x4  }
0x93: {  	v6 =	vsel vm5, $0x4C00, v6;
	vm5 =	vnez.u8 v7;
	v7 =	vld [tilespmem:$0x1FF10];
	_ =	sdelay $0x4  }
0x94: {  	v6 =	vsel vm6, $0x5000, v6;
	vm6 =	vnez.u8 v7;
	v7 =	vld [tilespmem:$0x1FF20];
	_ =	sdelay $0x2  }
0x95: {  	v6 =	vsel vm7, $0x5400, v6  }
0x96: {  	v6 =	vsel vm8, $0x5800, v6  }
0x97: {  	v6 =	vsel vm15, $0x5C00, v6;
	vm15 =	vnez.u8 v7;
	v7 =	vld [tilespmem:$0x1FF30];
	_ =	sdelay $0x4  }
0x98: {  	v6 =	vsel vm4, $0x6000, v6;
	vm4 =	vnez.u8 v7;
	v7 =	vld [tilespmem:$0x1FF40];
	_ =	sdelay $0x4  }
0x99: {  	v6 =	vsel vm5, $0x6400, v6;
	vm5 =	vnez.u8 v7;
	v7 =	vld [tilespmem:$0x1FF50];
	_ =	sdelay $0x3  }
0x9a: {  	v6 =	vsel vm6, $0x6800, v6  }
0x9b: {  	v6 =	vsel vm15, $0x6C00, v6;
	vm15 =	vnez.u8 v7;
	v7 =	vld [tilespmem:$0x1FF60];
	_ =	sdelay $0x4  }
0x9c: {  	v6 =	vsel vm4, $0x7000, v6;
	vm4 =	vnez.u8 v7;
	v7 =	vld [tilespmem:$0x1FF70];
	_ =	sdelay $0x3  }
0x9d: {  	v6 =	vsel vm5, $0x7400, v6  }
0x9e: {  	v6 =	vsel vm15, $0x7800, v6;
	vm15 =	vnez.u8 v7;
	v7 =	vld [tilespmem:$0x1FF80];
	_ =	sdelay $0x3  }
0x9f: {  	v5 =	vld [tilespmem:$0x166A0];
	v6 =	vsel vm4, $0x7C00, v6  }
0xa0: {  	v6 =	vsel vm15, $0x8000, v6;
	vm15 =	vnez.u8 v7;
	v7 =	vld [tilespmem:$0x1FF90]  }
0xa1: {  	v3 =	vld [tilespmem:$0x166B0];
	_ =	sdelay $0x1  }
0xa2: {  	v2 =	vsel vm0, v4, v2;
	v4 =	vld [tilespmem:$0x166C0]  }
0xa3: {  	vm1 =	vmmov vm14;
	vm14 =	vgt.f32 v5, v2  }
0xa4: {  	v2 =	vsel vm14, v5, v2;
	v6 =	vsel vm15, $0x8400, v6;
	vm15 =	vnez.u8 v7;
	v7 =	vld [tilespmem:$0x1FFA0]  }
0xa5: {  	v5 =	vld [tilespmem:$0x166D0];
	vm13 =	vgt.f32 v3, v2  }
0xa6: {  	v2 =	vsel vm13, v3, v2  }
0xa7: {  	v3 =	vld [tilespmem:$0x166E0];
	vm12 =	vgt.f32 v4, v2  }
0xa8: {  	v2 =	vsel vm12, v4, v2;
	v4 =	vld [tilespmem:$0x166F0]  }
0xa9: {  	v6 =	vsel vm15, $0x8800, v6;
	vm15 =	vnez.u8 v7;
	v7 =	vld [tilespmem:$0x1FFB0]  }
0xaa: {  	vm11 =	vgt.f32 v5, v2  }
0xab: {  	v2 =	vsel vm11, v5, v2;
	v5 =	vld [tilespmem:$0x16700]  }
0xac: {  	vm10 =	vgt.f32 v3, v2  }
0xad: {  	v2 =	vsel vm10, v3, v2;
	v3 =	vld [tilespmem:$0x16710]  }
0xae: {  	vm9 =	vgt.f32 v4, v2;
	v6 =	vsel vm15, $0x8C00, v6;
	vm15 =	vnez.u8 v7;
	v7 =	vld [tilespmem:$0x1FFC0]  }
0xaf: {  	v2 =	vsel vm9, v4, v2;
	v4 =	vld [tilespmem:$0x16720]  }
0xb0: {  	vm8 =	vgt.f32 v5, v2  }
0xb1: {  	v2 =	vsel vm8, v5, v2;
	v5 =	vld [tilespmem:$0x16730]  }
0xb2: {  	vm7 =	vgt.f32 v3, v2  }
0xb3: {  	v2 =	vsel vm7, v3, v2;
	v6 =	vsel vm15, $0x9000, v6;
	vm15 =	vnez.u8 v7;
	v7 =	vld [tilespmem:$0x1FFD0]  }
0xb4: {  	v3 =	vld [tilespmem:$0x16740];
	vm6 =	vgt.f32 v4, v2  }
0xb5: {  	v2 =	vsel vm6, v4, v2  }
0xb6: {  	v4 =	vld [tilespmem:$0x16750];
	vm5 =	vgt.f32 v5, v2  }
0xb7: {  	v2 =	vsel vm5, v5, v2;
	v5 =	vld [tilespmem:$0x16760];
	v6 =	vsel vm1, $0x9400, v6  }
0xb8: {  	v6 =	vsel vm15, $0x9800, v6;
	vm15 =	vnez.u8 v7;
	v7 =	vld [tilespmem:$0x1FFE0]  }
0xb9: {  	vm4 =	vgt.f32 v3, v2  }
0xba: {  	v2 =	vsel vm4, v3, v2;
	v3 =	vld [tilespmem:$0x16770]  }
0xbb: {  	vm3 =	vgt.f32 v4, v2  }
0xbc: {  	v2 =	vsel vm3, v4, v2;
	v4 =	vld [tilespmem:$0x16780]  }
0xbd: {  	vm2 =	vgt.f32 v5, v2;
	v6 =	vsel vm15, $0x9C00, v6;
	vm15 =	vnez.u8 v7;
	v7 =	vld [tilespmem:$0x1FFF0]  }
0xbe: {  	v2 =	vsel vm2, v5, v2;
	v5 =	vld [tilespmem:$0x16790]  }
0xbf: {  	vm1 =	vgt.f32 v3, v2  }
0xc0: {  	v2 =	vsel vm1, v3, v2;
	v3 =	vld [tilespmem:$0x167A0]  }
0xc1: {  	vm0 =	vgt.f32 v4, v2  }
0xc2: {  	v2 =	vsel vm0, v4, v2;
	v4 =	vld [tilespmem:$0x167B0];
	v6 =	vsel vm15, $0xA000, v6;
	vm15 =	vnez.u8 v7  }
0xc3: {  	v6 =	vsel vm15, $0xA400, v6;
	vm15 =	vgt.f32 v5, v2  }
0xc4: {  	v6 =	vsel vm14, $0xA800, v6;
	v2 =	vsel vm15, v5, v2;
	v5 =	vld [tilespmem:$0x167C0]  }
0xc5: {  	v6 =	vsel vm13, $0xAC00, v6;
	vm13 =	vgt.f32 v3, v2  }
0xc6: {  	v6 =	vsel vm12, $0xB000, v6;
	v2 =	vsel vm13, v3, v2;
	v3 =	vld [tilespmem:$0x167D0]  }
0xc7: {  	v6 =	vsel vm11, $0xB400, v6;
	vm11 =	vgt.f32 v4, v2  }
0xc8: {  	v6 =	vsel vm10, $0xB800, v6;
	v2 =	vsel vm11, v4, v2;
	v4 =	vld [tilespmem:$0x167E0]  }
0xc9: {  	v6 =	vsel vm9, $0xBC00, v6;
	vm9 =	vgt.f32 v5, v2  }
0xca: {  	v6 =	vsel vm8, $0xC000, v6;
	v2 =	vsel vm9, v5, v2;
	v5 =	vld [tilespmem:$0x167F0]  }
0xcb: {  	v6 =	vsel vm7, $0xC400, v6;
	vm7 =	vgt.f32 v3, v2  }
0xcc: {  	v6 =	vsel vm6, $0xC800, v6;
	v2 =	vsel vm7, v3, v2;
	v3 =	vld [tilespmem:$0x16800]  }
0xcd: {  	v6 =	vsel vm5, $0xCC00, v6;
	vm10 =	vgt.f32 v4, v2  }
0xce: {  	v6 =	vsel vm4, $0xD000, v6;
	v2 =	vsel vm10, v4, v2;
	v4 =	vld [tilespmem:$0x16810]  }
0xcf: {  	v6 =	vsel vm3, $0xD400, v6;
	vm12 =	vgt.f32 v5, v2  }
0xd0: {  	v6 =	vsel vm2, $0xD800, v6;
	v2 =	vsel vm12, v5, v2;
	v5 =	vld [tilespmem:$0x16820]  }
0xd1: {  	v6 =	vsel vm1, $0xDC00, v6;
	vm14 =	vgt.f32 v3, v2  }
0xd2: {  	v6 =	vsel vm0, $0xE000, v6;
	v2 =	vsel vm14, v3, v2;
	v3 =	vld [tilespmem:$0x16830]  }
0xd3: {  	v6 =	vsel vm15, $0xE400, v6;
	vm15 =	vgt.f32 v4, v2  }
0xd4: {  	v6 =	vsel vm13, $0xE800, v6;
	v2 =	vsel vm15, v4, v2;
	v4 =	vld [tilespmem:$0x16840]  }
0xd5: {  	v6 =	vsel vm11, $0xEC00, v6;
	vm8 =	vgt.f32 v5, v2  }
0xd6: {  	v6 =	vsel vm9, $0xF000, v6;
	v2 =	vsel vm8, v5, v2;
	v5 =	vld [tilespmem:$0x16850]  }
0xd7: {  	v6 =	vsel vm7, $0xF400, v6;
	vm9 =	vgt.f32 v3, v2  }
0xd8: {  	v6 =	vsel vm10, $0xF800, v6;
	v2 =	vsel vm9, v3, v2;
	v3 =	vld [tilespmem:$0x16860]  }
0xd9: {  	v6 =	vsel vm12, $0xFC00, v6;
	vm10 =	vgt.f32 v4, v2  }
0xda: {  	v6 =	vsel vm14, $0x10000, v6;
	v2 =	vsel vm10, v4, v2;
	v4 =	vld [tilespmem:$0x16870]  }
0xdb: {  	v6 =	vsel vm15, $0x10400, v6;
	vm11 =	vgt.f32 v5, v2  }
0xdc: {  	v6 =	vsel vm8, $0x10800, v6;
	v2 =	vsel vm11, v5, v2;
	v5 =	vld [tilespmem:$0x16880]  }
0xdd: {  	v6 =	vsel vm9, $0x10C00, v6;
	vm12 =	vgt.f32 v3, v2  }
0xde: {  	v6 =	vsel vm10, $0x11000, v6;
	v2 =	vsel vm12, v3, v2  }
0xdf: {  	v3 =	vsel vm11, $0x11400, v6;
	vm13 =	vgt.f32 v4, v2  }
0xe0: {  	v3 =	vsel vm12, $0x11800, v3;
	v2 =	vsel vm13, v4, v2  }
0xe1: {  	v3 =	vsel vm13, $0x11C00, v3;
	vm14 =	vgt.f32 v5, v2  }
0xe2: {  	v2 =	vsel vm14, $0x12000, v3  }
0xe3: {  	[tilespmem:$0x16900] =	vst v2  }
0xe4: {  	_ =	swait.ge [sflag:s14], $0x12400  }
0xe5: {  	v3 =	vmov s31;
	[sflag:s14] =	ssyncset.done $0x0  }
0xe6: {  	v2 =	vxor.u32 $0x80000000, v2;
	vm15 =	veq.s32 v3, v1;
	[sflag:s14] =	ssyncadd.s32 $0xFFFEDC00  }
0xe7: {  	v3 =	vnsel vm15, $0x80000000, v2;
	_ =	swait.ge [sflag:s15], $0x2000  }
0xe8: {  	(xrf0) =	vmax.scan.msk.u32 $0xffff, v3;
	_ =	sdelay $0x5  }
0xe9: {  	v3, _, _ =	vpop (xrf0)  }
0xea: {  	(v2sf) =	vpush v3, $0xF;
	_ =	sdelay $0xe  }
0xeb: {  	[sflag:s15] =	ssyncset.done $0x0;
	s20 =	spop (v2sf)  }
0xec: {  	[sflag:s15] =	ssyncadd.s32 $0xFFFFE000;
	s21 =	sxor.u32 $0x80000000, s20  }
0xed: {  	v3 =	vld [tilespmem:s21+$0x0];
	_ =	sdelay $0x3  }
0xee: {  	s21 =	simm.s32 $0x0  }
0xef: {  	[tilespmem:s21+$0x12400] =	vst.add.f32.msk $0xffff, v3  }
0xf0: {  	v3 =	vld [tilespmem:s20+$0x10];
	_ =	sdelay $0x4  }
0xf1: {  	[tilespmem:s21+$0x12410] =	vst.add.f32.msk $0xffff, v3  }
0xf2: {  	v3 =	vld [tilespmem:s20+$0x20];
	_ =	sdelay $0x4  }
0xf3: {  	[tilespmem:s21+$0x12420] =	vst.add.f32.msk $0xffff, v3  }
0xf4: {  	v3 =	vld [tilespmem:s20+$0x30];
	_ =	sdelay $0x4  }
0xf5: {  	[tilespmem:s21+$0x12430] =	vst.add.f32.msk $0xffff, v3  }
0xf6: {  	v3 =	vld [tilespmem:s20+$0x40];
	_ =	sdelay $0x4  }
0xf7: {  	[tilespmem:s21+$0x12440] =	vst.add.f32.msk $0xffff, v3  }
0xf8: {  	v3 =	vld [tilespmem:s20+$0x50];
	_ =	sdelay $0x4  }
0xf9: {  	[tilespmem:s21+$0x12450] =	vst.add.f32.msk $0xffff, v3  }
0xfa: {  	v3 =	vld [tilespmem:s20+$0x60];
	_ =	sdelay $0x4  }
0xfb: {  	[tilespmem:s21+$0x12460] =	vst.add.f32.msk $0xffff, v3  }
0xfc: {  	v3 =	vld [tilespmem:s20+$0x70];
	_ =	sdelay $0x4  }
0xfd: {  	[tilespmem:s21+$0x12470] =	vst.add.f32.msk $0xffff, v3  }
0xfe: {  	v3 =	vld [tilespmem:s20+$0x80];
	_ =	sdelay $0x4  }
0xff: {  	[tilespmem:s21+$0x12800] =	vst.add.f32.msk $0xffff, v3  }
0x100: {  	v3 =	vld [tilespmem:s20+$0x90];
	_ =	sdelay $0x4  }
0x101: {  	[tilespmem:s21+$0x12810] =	vst.add.f32.msk $0xffff, v3  }
0x102: {  	v3 =	vld [tilespmem:s20+$0xA0];
	_ =	sdelay $0x4  }
0x103: {  	[tilespmem:s21+$0x12820] =	vst.add.f32.msk $0xffff, v3  }
0x104: {  	v3 =	vld [tilespmem:s20+$0xB0];
	_ =	sdelay $0x4  }
0x105: {  	[tilespmem:s21+$0x12830] =	vst.add.f32.msk $0xffff, v3  }
0x106: {  	v3 =	vld [tilespmem:s20+$0xC0];
	_ =	sdelay $0x4  }
0x107: {  	[tilespmem:s21+$0x12840] =	vst.add.f32.msk $0xffff, v3  }
0x108: {  	v3 =	vld [tilespmem:s20+$0xD0];
	_ =	sdelay $0x4  }
0x109: {  	[tilespmem:s21+$0x12850] =	vst.add.f32.msk $0xffff, v3  }
0x10a: {  	v3 =	vld [tilespmem:s20+$0xE0];
	_ =	sdelay $0x4  }
0x10b: {  	[tilespmem:s21+$0x12860] =	vst.add.f32.msk $0xffff, v3  }
0x10c: {  	v3 =	vld [tilespmem:s20+$0xF0];
	_ =	sdelay $0x4  }
0x10d: {  	[tilespmem:s21+$0x12870] =	vst.add.f32.msk $0xffff, v3  }
0x10e: {  	v3 =	vld [tilespmem:s20+$0x100];
	_ =	sdelay $0x4  }
0x10f: {  	[tilespmem:s21+$0x12C00] =	vst.add.f32.msk $0xffff, v3  }
0x110: {  	v3 =	vld [tilespmem:s20+$0x110];
	_ =	sdelay $0x4  }
0x111: {  	[tilespmem:s21+$0x12C10] =	vst.add.f32.msk $0xffff, v3  }
0x112: {  	v3 =	vld [tilespmem:s20+$0x120];
	_ =	sdelay $0x4  }
0x113: {  	[tilespmem:s21+$0x12C20] =	vst.add.f32.msk $0xffff, v3  }
0x114: {  	v3 =	vld [tilespmem:s20+$0x130];
	_ =	sdelay $0x4  }
0x115: {  	[tilespmem:s21+$0x12C30] =	vst.add.f32.msk $0xffff, v3  }
0x116: {  	v3 =	vld [tilespmem:s20+$0x140];
	_ =	sdelay $0x4  }
0x117: {  	[tilespmem:s21+$0x12C40] =	vst.add.f32.msk $0xffff, v3  }
0x118: {  	v3 =	vld [tilespmem:s20+$0x150];
	_ =	sdelay $0x4  }
0x119: {  	[tilespmem:s21+$0x12C50] =	vst.add.f32.msk $0xffff, v3  }
0x11a: {  	v3 =	vld [tilespmem:s20+$0x160];
	_ =	sdelay $0x4  }
0x11b: {  	[tilespmem:s21+$0x12C60] =	vst.add.f32.msk $0xffff, v3  }
0x11c: {  	v3 =	vld [tilespmem:s20+$0x170];
	_ =	sdelay $0x4  }
0x11d: {  	[tilespmem:s21+$0x12C70] =	vst.add.f32.msk $0xffff, v3  }
0x11e: {  	v3 =	vld [tilespmem:s20+$0x180];
	_ =	sdelay $0x4  }
0x11f: {  	[tilespmem:s21+$0x13000] =	vst.add.f32.msk $0xffff, v3  }
0x120: {  	v3 =	vld [tilespmem:s20+$0x190];
	_ =	sdelay $0x4  }
0x121: {  	[tilespmem:s21+$0x13010] =	vst.add.f32.msk $0xffff, v3  }
0x122: {  	v3 =	vld [tilespmem:s20+$0x1A0];
	_ =	sdelay $0x4  }
0x123: {  	[tilespmem:s21+$0x13020] =	vst.add.f32.msk $0xffff, v3  }
0x124: {  	v3 =	vld [tilespmem:s20+$0x1B0];
	_ =	sdelay $0x4  }
0x125: {  	[tilespmem:s21+$0x13030] =	vst.add.f32.msk $0xffff, v3  }
0x126: {  	v3 =	vld [tilespmem:s20+$0x1C0];
	_ =	sdelay $0x4  }
0x127: {  	[tilespmem:s21+$0x13040] =	vst.add.f32.msk $0xffff, v3  }
0x128: {  	v3 =	vld [tilespmem:s20+$0x1D0];
	_ =	sdelay $0x4  }
0x129: {  	[tilespmem:s21+$0x13050] =	vst.add.f32.msk $0xffff, v3  }
0x12a: {  	v3 =	vld [tilespmem:s20+$0x1E0];
	_ =	sdelay $0x4  }
0x12b: {  	[tilespmem:s21+$0x13060] =	vst.add.f32.msk $0xffff, v3  }
0x12c: {  	v3 =	vld [tilespmem:s20+$0x1F0];
	_ =	sdelay $0x4  }
0x12d: {  	[tilespmem:s21+$0x13070] =	vst.add.f32.msk $0xffff, v3  }
0x12e: {  	v3 =	vld [tilespmem:s20+$0x200];
	_ =	sdelay $0x4  }
0x12f: {  	[tilespmem:s21+$0x13400] =	vst.add.f32.msk $0xffff, v3  }
0x130: {  	v3 =	vld [tilespmem:s20+$0x210];
	_ =	sdelay $0x4  }
0x131: {  	[tilespmem:s21+$0x13410] =	vst.add.f32.msk $0xffff, v3  }
0x132: {  	v3 =	vld [tilespmem:s20+$0x220];
	_ =	sdelay $0x4  }
0x133: {  	[tilespmem:s21+$0x13420] =	vst.add.f32.msk $0xffff, v3  }
0x134: {  	v3 =	vld [tilespmem:s20+$0x230];
	_ =	sdelay $0x4  }
0x135: {  	[tilespmem:s21+$0x13430] =	vst.add.f32.msk $0xffff, v3  }
0x136: {  	v3 =	vld [tilespmem:s20+$0x240];
	_ =	sdelay $0x4  }
0x137: {  	[tilespmem:s21+$0x13440] =	vst.add.f32.msk $0xffff, v3  }
0x138: {  	v3 =	vld [tilespmem:s20+$0x250];
	_ =	sdelay $0x4  }
0x139: {  	[tilespmem:s21+$0x13450] =	vst.add.f32.msk $0xffff, v3  }
0x13a: {  	v3 =	vld [tilespmem:s20+$0x260];
	_ =	sdelay $0x4  }
0x13b: {  	[tilespmem:s21+$0x13460] =	vst.add.f32.msk $0xffff, v3  }
0x13c: {  	v3 =	vld [tilespmem:s20+$0x270];
	_ =	sdelay $0x4  }
0x13d: {  	[tilespmem:s21+$0x13470] =	vst.add.f32.msk $0xffff, v3  }
0x13e: {  	v3 =	vld [tilespmem:s20+$0x280];
	_ =	sdelay $0x4  }
0x13f: {  	[tilespmem:s21+$0x13800] =	vst.add.f32.msk $0xffff, v3  }
0x140: {  	v3 =	vld [tilespmem:s20+$0x290];
	_ =	sdelay $0x4  }
0x141: {  	[tilespmem:s21+$0x13810] =	vst.add.f32.msk $0xffff, v3  }
0x142: {  	v3 =	vld [tilespmem:s20+$0x2A0];
	_ =	sdelay $0x4  }
0x143: {  	[tilespmem:s21+$0x13820] =	vst.add.f32.msk $0xffff, v3  }
0x144: {  	v3 =	vld [tilespmem:s20+$0x2B0];
	_ =	sdelay $0x4  }
0x145: {  	[tilespmem:s21+$0x13830] =	vst.add.f32.msk $0xffff, v3  }
0x146: {  	v3 =	vld [tilespmem:s20+$0x2C0];
	_ =	sdelay $0x4  }
0x147: {  	[tilespmem:s21+$0x13840] =	vst.add.f32.msk $0xffff, v3  }
0x148: {  	v3 =	vld [tilespmem:s20+$0x2D0];
	_ =	sdelay $0x4  }
0x149: {  	[tilespmem:s21+$0x13850] =	vst.add.f32.msk $0xffff, v3  }
0x14a: {  	v3 =	vld [tilespmem:s20+$0x2E0];
	_ =	sdelay $0x4  }
0x14b: {  	[tilespmem:s21+$0x13860] =	vst.add.f32.msk $0xffff, v3  }
0x14c: {  	v3 =	vld [tilespmem:s20+$0x2F0];
	_ =	sdelay $0x4  }
0x14d: {  	[tilespmem:s21+$0x13870] =	vst.add.f32.msk $0xffff, v3  }
0x14e: {  	v3 =	vld [tilespmem:s20+$0x300];
	_ =	sdelay $0x4  }
0x14f: {  	[tilespmem:s21+$0x13C00] =	vst.add.f32.msk $0xffff, v3  }
0x150: {  	v3 =	vld [tilespmem:s20+$0x310];
	_ =	sdelay $0x4  }
0x151: {  	[tilespmem:s21+$0x13C10] =	vst.add.f32.msk $0xffff, v3  }
0x152: {  	v3 =	vld [tilespmem:s20+$0x320];
	_ =	sdelay $0x4  }
0x153: {  	[tilespmem:s21+$0x13C20] =	vst.add.f32.msk $0xffff, v3  }
0x154: {  	v3 =	vld [tilespmem:s20+$0x330];
	_ =	sdelay $0x4  }
0x155: {  	[tilespmem:s21+$0x13C30] =	vst.add.f32.msk $0xffff, v3  }
0x156: {  	v3 =	vld [tilespmem:s20+$0x340];
	_ =	sdelay $0x4  }
0x157: {  	[tilespmem:s21+$0x13C40] =	vst.add.f32.msk $0xffff, v3  }
0x158: {  	v3 =	vld [tilespmem:s20+$0x350];
	_ =	sdelay $0x4  }
0x159: {  	[tilespmem:s21+$0x13C50] =	vst.add.f32.msk $0xffff, v3  }
0x15a: {  	v3 =	vld [tilespmem:s20+$0x360];
	_ =	sdelay $0x4  }
0x15b: {  	[tilespmem:s21+$0x13C60] =	vst.add.f32.msk $0xffff, v3  }
0x15c: {  	v3 =	vld [tilespmem:s20+$0x370];
	_ =	sdelay $0x4  }
0x15d: {  	[tilespmem:s21+$0x13C70] =	vst.add.f32.msk $0xffff, v3  }
0x15e: {  	v3 =	vld [tilespmem:s20+$0x380];
	_ =	sdelay $0x4  }
0x15f: {  	[tilespmem:s21+$0x14000] =	vst.add.f32.msk $0xffff, v3  }
0x160: {  	v3 =	vld [tilespmem:s20+$0x390];
	_ =	sdelay $0x4  }
0x161: {  	[tilespmem:s21+$0x14010] =	vst.add.f32.msk $0xffff, v3  }
0x162: {  	v3 =	vld [tilespmem:s20+$0x3A0];
	_ =	sdelay $0x4  }
0x163: {  	[tilespmem:s21+$0x14020] =	vst.add.f32.msk $0xffff, v3  }
0x164: {  	v3 =	vld [tilespmem:s20+$0x3B0];
	_ =	sdelay $0x1  }
0x165: {  	s23 =	simm.s32 $0x1  }
0x166: {  	s22 =	simm.s32 $0x200;
	s24 =	simm.s32 $0x400;
	v4 =	vmov s23  }
.LBB2_4:
0x167: {  	p1 =	sne.s32 s24, $0xE00;
	vm0 =	veq.s32 v4, v1  }
0x168: {  	v4 =	vnsel vm0, $0x80000000, v2;
	[tilespmem:s21+$0x14030] =	vst.add.f32.msk $0xffff, v3  }
0x169: {  	(xrf0) =	vmax.scan.msk.u32 $0xffff, v4;
	v3 =	vld [tilespmem:s20+$0x3C0];
	_ =	sdelay $0x4  }
0x16a: {  	[tilespmem:s21+$0x14040] =	vst.add.f32.msk $0xffff, v3  }
0x16b: {  	v3, _, _ =	vpop (xrf0);
	v4 =	vld [tilespmem:s20+$0x3D0]  }
0x16c: {  	(v2sf) =	vpush v3, $0xF;
	_ =	sdelay $0x3  }
0x16d: {  	[tilespmem:s21+$0x14050] =	vst.add.f32.msk $0xffff, v4  }
0x16e: {  	v3 =	vld [tilespmem:s20+$0x3E0];
	_ =	sdelay $0x4  }
0x16f: {  	[tilespmem:s21+$0x14060] =	vst.add.f32.msk $0xffff, v3  }
0x170: {  	v3 =	vld [tilespmem:s20+$0x3F0];
	_ =	sdelay $0x3  }
0x171: {  	s20 =	spop (v2sf)  }
0x172: {  	s25 =	sxor.u32 $0x80000000, s20;
	[tilespmem:s21+$0x14070] =	vst.add.f32.msk $0xffff, v3  }
0x173: {  	v3 =	vld [tilespmem:s25+$0x0];
	_ =	sdelay $0x3  }
0x174: {  	s21 =	sshra.s32 s22, $0x2;
	s22 =	smov.u32 s24  }
0x175: {  	[tilespmem:s21+$0x12400] =	vst.add.f32.msk $0xffff, v3  }
0x176: {  	v3 =	vld [tilespmem:s20+$0x10];
	_ =	sdelay $0x4  }
0x177: {  	[tilespmem:s21+$0x12410] =	vst.add.f32.msk $0xffff, v3  }
0x178: {  	v3 =	vld [tilespmem:s20+$0x20];
	_ =	sdelay $0x4  }
0x179: {  	[tilespmem:s21+$0x12420] =	vst.add.f32.msk $0xffff, v3  }
0x17a: {  	v3 =	vld [tilespmem:s20+$0x30];
	_ =	sdelay $0x4  }
0x17b: {  	[tilespmem:s21+$0x12430] =	vst.add.f32.msk $0xffff, v3  }
0x17c: {  	v3 =	vld [tilespmem:s20+$0x40];
	_ =	sdelay $0x4  }
0x17d: {  	[tilespmem:s21+$0x12440] =	vst.add.f32.msk $0xffff, v3  }
0x17e: {  	v3 =	vld [tilespmem:s20+$0x50];
	_ =	sdelay $0x4  }
0x17f: {  	[tilespmem:s21+$0x12450] =	vst.add.f32.msk $0xffff, v3  }
0x180: {  	v3 =	vld [tilespmem:s20+$0x60];
	_ =	sdelay $0x4  }
0x181: {  	[tilespmem:s21+$0x12460] =	vst.add.f32.msk $0xffff, v3  }
0x182: {  	v3 =	vld [tilespmem:s20+$0x70];
	_ =	sdelay $0x4  }
0x183: {  	[tilespmem:s21+$0x12470] =	vst.add.f32.msk $0xffff, v3  }
0x184: {  	v3 =	vld [tilespmem:s20+$0x80];
	_ =	sdelay $0x4  }
0x185: {  	[tilespmem:s21+$0x12800] =	vst.add.f32.msk $0xffff, v3  }
0x186: {  	v3 =	vld [tilespmem:s20+$0x90];
	_ =	sdelay $0x4  }
0x187: {  	[tilespmem:s21+$0x12810] =	vst.add.f32.msk $0xffff, v3  }
0x188: {  	v3 =	vld [tilespmem:s20+$0xA0];
	_ =	sdelay $0x4  }
0x189: {  	[tilespmem:s21+$0x12820] =	vst.add.f32.msk $0xffff, v3  }
0x18a: {  	v3 =	vld [tilespmem:s20+$0xB0];
	_ =	sdelay $0x4  }
0x18b: {  	[tilespmem:s21+$0x12830] =	vst.add.f32.msk $0xffff, v3  }
0x18c: {  	v3 =	vld [tilespmem:s20+$0xC0];
	_ =	sdelay $0x4  }
0x18d: {  	[tilespmem:s21+$0x12840] =	vst.add.f32.msk $0xffff, v3  }
0x18e: {  	v3 =	vld [tilespmem:s20+$0xD0];
	_ =	sdelay $0x4  }
0x18f: {  	[tilespmem:s21+$0x12850] =	vst.add.f32.msk $0xffff, v3  }
0x190: {  	v3 =	vld [tilespmem:s20+$0xE0];
	_ =	sdelay $0x4  }
0x191: {  	[tilespmem:s21+$0x12860] =	vst.add.f32.msk $0xffff, v3  }
0x192: {  	v3 =	vld [tilespmem:s20+$0xF0];
	_ =	sdelay $0x4  }
0x193: {  	[tilespmem:s21+$0x12870] =	vst.add.f32.msk $0xffff, v3  }
0x194: {  	v3 =	vld [tilespmem:s20+$0x100];
	_ =	sdelay $0x4  }
0x195: {  	[tilespmem:s21+$0x12C00] =	vst.add.f32.msk $0xffff, v3  }
0x196: {  	v3 =	vld [tilespmem:s20+$0x110];
	_ =	sdelay $0x4  }
0x197: {  	[tilespmem:s21+$0x12C10] =	vst.add.f32.msk $0xffff, v3  }
0x198: {  	v3 =	vld [tilespmem:s20+$0x120];
	_ =	sdelay $0x4  }
0x199: {  	[tilespmem:s21+$0x12C20] =	vst.add.f32.msk $0xffff, v3  }
0x19a: {  	v3 =	vld [tilespmem:s20+$0x130];
	_ =	sdelay $0x4  }
0x19b: {  	[tilespmem:s21+$0x12C30] =	vst.add.f32.msk $0xffff, v3  }
0x19c: {  	v3 =	vld [tilespmem:s20+$0x140];
	_ =	sdelay $0x4  }
0x19d: {  	[tilespmem:s21+$0x12C40] =	vst.add.f32.msk $0xffff, v3  }
0x19e: {  	v3 =	vld [tilespmem:s20+$0x150];
	_ =	sdelay $0x4  }
0x19f: {  	[tilespmem:s21+$0x12C50] =	vst.add.f32.msk $0xffff, v3  }
0x1a0: {  	v3 =	vld [tilespmem:s20+$0x160];
	_ =	sdelay $0x4  }
0x1a1: {  	[tilespmem:s21+$0x12C60] =	vst.add.f32.msk $0xffff, v3  }
0x1a2: {  	v3 =	vld [tilespmem:s20+$0x170];
	_ =	sdelay $0x4  }
0x1a3: {  	[tilespmem:s21+$0x12C70] =	vst.add.f32.msk $0xffff, v3  }
0x1a4: {  	v3 =	vld [tilespmem:s20+$0x180];
	_ =	sdelay $0x4  }
0x1a5: {  	[tilespmem:s21+$0x13000] =	vst.add.f32.msk $0xffff, v3  }
0x1a6: {  	v3 =	vld [tilespmem:s20+$0x190];
	_ =	sdelay $0x4  }
0x1a7: {  	[tilespmem:s21+$0x13010] =	vst.add.f32.msk $0xffff, v3  }
0x1a8: {  	v3 =	vld [tilespmem:s20+$0x1A0];
	_ =	sdelay $0x4  }
0x1a9: {  	[tilespmem:s21+$0x13020] =	vst.add.f32.msk $0xffff, v3  }
0x1aa: {  	v3 =	vld [tilespmem:s20+$0x1B0];
	_ =	sdelay $0x4  }
0x1ab: {  	[tilespmem:s21+$0x13030] =	vst.add.f32.msk $0xffff, v3  }
0x1ac: {  	v3 =	vld [tilespmem:s20+$0x1C0];
	_ =	sdelay $0x4  }
0x1ad: {  	[tilespmem:s21+$0x13040] =	vst.add.f32.msk $0xffff, v3  }
0x1ae: {  	v3 =	vld [tilespmem:s20+$0x1D0];
	_ =	sdelay $0x4  }
0x1af: {  	[tilespmem:s21+$0x13050] =	vst.add.f32.msk $0xffff, v3  }
0x1b0: {  	v3 =	vld [tilespmem:s20+$0x1E0];
	_ =	sdelay $0x4  }
0x1b1: {  	[tilespmem:s21+$0x13060] =	vst.add.f32.msk $0xffff, v3  }
0x1b2: {  	v3 =	vld [tilespmem:s20+$0x1F0];
	_ =	sdelay $0x4  }
0x1b3: {  	[tilespmem:s21+$0x13070] =	vst.add.f32.msk $0xffff, v3  }
0x1b4: {  	v3 =	vld [tilespmem:s20+$0x200];
	_ =	sdelay $0x4  }
0x1b5: {  	[tilespmem:s21+$0x13400] =	vst.add.f32.msk $0xffff, v3  }
0x1b6: {  	v3 =	vld [tilespmem:s20+$0x210];
	_ =	sdelay $0x4  }
0x1b7: {  	[tilespmem:s21+$0x13410] =	vst.add.f32.msk $0xffff, v3  }
0x1b8: {  	v3 =	vld [tilespmem:s20+$0x220];
	_ =	sdelay $0x4  }
0x1b9: {  	[tilespmem:s21+$0x13420] =	vst.add.f32.msk $0xffff, v3  }
0x1ba: {  	v3 =	vld [tilespmem:s20+$0x230];
	_ =	sdelay $0x4  }
0x1bb: {  	[tilespmem:s21+$0x13430] =	vst.add.f32.msk $0xffff, v3  }
0x1bc: {  	v3 =	vld [tilespmem:s20+$0x240];
	_ =	sdelay $0x4  }
0x1bd: {  	[tilespmem:s21+$0x13440] =	vst.add.f32.msk $0xffff, v3  }
0x1be: {  	v3 =	vld [tilespmem:s20+$0x250];
	_ =	sdelay $0x4  }
0x1bf: {  	[tilespmem:s21+$0x13450] =	vst.add.f32.msk $0xffff, v3  }
0x1c0: {  	v3 =	vld [tilespmem:s20+$0x260];
	_ =	sdelay $0x4  }
0x1c1: {  	[tilespmem:s21+$0x13460] =	vst.add.f32.msk $0xffff, v3  }
0x1c2: {  	v3 =	vld [tilespmem:s20+$0x270];
	_ =	sdelay $0x4  }
0x1c3: {  	[tilespmem:s21+$0x13470] =	vst.add.f32.msk $0xffff, v3  }
0x1c4: {  	v3 =	vld [tilespmem:s20+$0x280];
	_ =	sdelay $0x4  }
0x1c5: {  	[tilespmem:s21+$0x13800] =	vst.add.f32.msk $0xffff, v3  }
0x1c6: {  	v3 =	vld [tilespmem:s20+$0x290];
	_ =	sdelay $0x4  }
0x1c7: {  	[tilespmem:s21+$0x13810] =	vst.add.f32.msk $0xffff, v3  }
0x1c8: {  	v3 =	vld [tilespmem:s20+$0x2A0];
	_ =	sdelay $0x4  }
0x1c9: {  	[tilespmem:s21+$0x13820] =	vst.add.f32.msk $0xffff, v3  }
0x1ca: {  	v3 =	vld [tilespmem:s20+$0x2B0];
	_ =	sdelay $0x4  }
0x1cb: {  	[tilespmem:s21+$0x13830] =	vst.add.f32.msk $0xffff, v3  }
0x1cc: {  	v3 =	vld [tilespmem:s20+$0x2C0];
	_ =	sdelay $0x4  }
0x1cd: {  	[tilespmem:s21+$0x13840] =	vst.add.f32.msk $0xffff, v3  }
0x1ce: {  	v3 =	vld [tilespmem:s20+$0x2D0];
	_ =	sdelay $0x4  }
0x1cf: {  	[tilespmem:s21+$0x13850] =	vst.add.f32.msk $0xffff, v3  }
0x1d0: {  	v3 =	vld [tilespmem:s20+$0x2E0];
	_ =	sdelay $0x4  }
0x1d1: {  	[tilespmem:s21+$0x13860] =	vst.add.f32.msk $0xffff, v3  }
0x1d2: {  	v3 =	vld [tilespmem:s20+$0x2F0];
	_ =	sdelay $0x4  }
0x1d3: {  	[tilespmem:s21+$0x13870] =	vst.add.f32.msk $0xffff, v3  }
0x1d4: {  	v3 =	vld [tilespmem:s20+$0x300];
	_ =	sdelay $0x4  }
0x1d5: {  	[tilespmem:s21+$0x13C00] =	vst.add.f32.msk $0xffff, v3  }
0x1d6: {  	v3 =	vld [tilespmem:s20+$0x310];
	_ =	sdelay $0x4  }
0x1d7: {  	[tilespmem:s21+$0x13C10] =	vst.add.f32.msk $0xffff, v3  }
0x1d8: {  	v3 =	vld [tilespmem:s20+$0x320];
	_ =	sdelay $0x4  }
0x1d9: {  	[tilespmem:s21+$0x13C20] =	vst.add.f32.msk $0xffff, v3  }
0x1da: {  	v3 =	vld [tilespmem:s20+$0x330];
	_ =	sdelay $0x4  }
0x1db: {  	[tilespmem:s21+$0x13C30] =	vst.add.f32.msk $0xffff, v3  }
0x1dc: {  	v3 =	vld [tilespmem:s20+$0x340];
	_ =	sdelay $0x4  }
0x1dd: {  	[tilespmem:s21+$0x13C40] =	vst.add.f32.msk $0xffff, v3  }
0x1de: {  	v3 =	vld [tilespmem:s20+$0x350];
	_ =	sdelay $0x4  }
0x1df: {  	[tilespmem:s21+$0x13C50] =	vst.add.f32.msk $0xffff, v3  }
0x1e0: {  	v3 =	vld [tilespmem:s20+$0x360];
	_ =	sdelay $0x4  }
0x1e1: {  	[tilespmem:s21+$0x13C60] =	vst.add.f32.msk $0xffff, v3  }
0x1e2: {  	v3 =	vld [tilespmem:s20+$0x370];
	_ =	sdelay $0x4  }
0x1e3: {  	[tilespmem:s21+$0x13C70] =	vst.add.f32.msk $0xffff, v3  }
0x1e4: {  	v3 =	vld [tilespmem:s20+$0x380];
	_ =	sdelay $0x4  }
0x1e5: {  	[tilespmem:s21+$0x14000] =	vst.add.f32.msk $0xffff, v3  }
0x1e6: {  	v3 =	vld [tilespmem:s20+$0x390];
	_ =	sdelay $0x4  }
0x1e7: {  	[tilespmem:s21+$0x14010] =	vst.add.f32.msk $0xffff, v3  }
0x1e8: {  	v3 =	vld [tilespmem:s20+$0x3A0];
	_ =	sdelay $0x4  }
.Ltmp1:
0x1e9: {  	[tilespmem:s21+$0x14020] =	vst.add.f32.msk $0xffff, v3;
	(pc) =	sbr.rel @p1 .LBB2_4-.Ltmp1, $3  }
0x1ea: {  	v3 =	vld [tilespmem:s20+$0x3B0];
	_ =	sdelay $0x1  }
0x1eb: {  	s23 =	sadd.s32 $0x1, s23  }
0x1ec: {  	v4 =	vmov s23;
	s24 =	sadd.s32 $0x200, s24  }
0x1ed: {  	vm0 =	veq.s32 v4, v1  }
0x1ee: {  	v2 =	vnsel vm0, $0x80000000, v2;
	[tilespmem:s21+$0x14030] =	vst.add.f32.msk $0xffff, v3  }
0x1ef: {  	(xrf0) =	vmax.scan.msk.u32 $0xffff, v2;
	v2 =	vld [tilespmem:s20+$0x3C0];
	_ =	sdelay $0x4  }
0x1f0: {  	[tilespmem:s21+$0x14040] =	vst.add.f32.msk $0xffff, v2  }
0x1f1: {  	v2, _, _ =	vpop (xrf0);
	v3 =	vld [tilespmem:s20+$0x3D0]  }
0x1f2: {  	(v2sf) =	vpush v2, $0xF;
	_ =	sdelay $0x3  }
0x1f3: {  	[tilespmem:s21+$0x14050] =	vst.add.f32.msk $0xffff, v3  }
0x1f4: {  	v2 =	vld [tilespmem:s20+$0x3E0];
	_ =	sdelay $0x4  }
0x1f5: {  	[tilespmem:s21+$0x14060] =	vst.add.f32.msk $0xffff, v2  }
0x1f6: {  	v2 =	vld [tilespmem:s20+$0x3F0];
	_ =	sdelay $0x3  }
0x1f7: {  	s26 =	spop (v2sf)  }
0x1f8: {  	s23 =	sxor.u32 $0x80000000, s26;
	[tilespmem:s21+$0x14070] =	vst.add.f32.msk $0xffff, v2  }
0x1f9: {  	v2 =	vld [tilespmem:s23+$0x0];
	_ =	sdelay $0x3  }
0x1fa: {  	s28 =	sshra.s32 s22, $0x2  }
0x1fb: {  	[tilespmem:s28+$0x12400] =	vst.add.f32.msk $0xffff, v2  }
0x1fc: {  	v2 =	vld [tilespmem:s26+$0x10];
	_ =	sdelay $0x4  }
0x1fd: {  	[tilespmem:s28+$0x12410] =	vst.add.f32.msk $0xffff, v2  }
0x1fe: {  	v2 =	vld [tilespmem:s26+$0x20];
	_ =	sdelay $0x4  }
0x1ff: {  	[tilespmem:s28+$0x12420] =	vst.add.f32.msk $0xffff, v2  }
0x200: {  	v2 =	vld [tilespmem:s26+$0x30];
	_ =	sdelay $0x4  }
0x201: {  	[tilespmem:s28+$0x12430] =	vst.add.f32.msk $0xffff, v2  }
0x202: {  	v2 =	vld [tilespmem:s26+$0x40];
	_ =	sdelay $0x4  }
0x203: {  	[tilespmem:s28+$0x12440] =	vst.add.f32.msk $0xffff, v2  }
0x204: {  	v2 =	vld [tilespmem:s26+$0x50];
	_ =	sdelay $0x4  }
0x205: {  	[tilespmem:s28+$0x12450] =	vst.add.f32.msk $0xffff, v2  }
0x206: {  	v2 =	vld [tilespmem:s26+$0x60];
	_ =	sdelay $0x4  }
0x207: {  	[tilespmem:s28+$0x12460] =	vst.add.f32.msk $0xffff, v2  }
0x208: {  	v2 =	vld [tilespmem:s26+$0x70];
	_ =	sdelay $0x4  }
0x209: {  	[tilespmem:s28+$0x12470] =	vst.add.f32.msk $0xffff, v2  }
0x20a: {  	v2 =	vld [tilespmem:s26+$0x80];
	_ =	sdelay $0x4  }
0x20b: {  	[tilespmem:s28+$0x12800] =	vst.add.f32.msk $0xffff, v2  }
0x20c: {  	v2 =	vld [tilespmem:s26+$0x90];
	_ =	sdelay $0x4  }
0x20d: {  	[tilespmem:s28+$0x12810] =	vst.add.f32.msk $0xffff, v2  }
0x20e: {  	v2 =	vld [tilespmem:s26+$0xA0];
	_ =	sdelay $0x4  }
0x20f: {  	[tilespmem:s28+$0x12820] =	vst.add.f32.msk $0xffff, v2  }
0x210: {  	v2 =	vld [tilespmem:s26+$0xB0];
	_ =	sdelay $0x4  }
0x211: {  	[tilespmem:s28+$0x12830] =	vst.add.f32.msk $0xffff, v2  }
0x212: {  	v2 =	vld [tilespmem:s26+$0xC0];
	_ =	sdelay $0x4  }
0x213: {  	[tilespmem:s28+$0x12840] =	vst.add.f32.msk $0xffff, v2  }
0x214: {  	v2 =	vld [tilespmem:s26+$0xD0];
	_ =	sdelay $0x4  }
0x215: {  	[tilespmem:s28+$0x12850] =	vst.add.f32.msk $0xffff, v2  }
0x216: {  	v2 =	vld [tilespmem:s26+$0xE0];
	_ =	sdelay $0x4  }
0x217: {  	[tilespmem:s28+$0x12860] =	vst.add.f32.msk $0xffff, v2  }
0x218: {  	v2 =	vld [tilespmem:s26+$0xF0];
	_ =	sdelay $0x4  }
0x219: {  	[tilespmem:s28+$0x12870] =	vst.add.f32.msk $0xffff, v2  }
0x21a: {  	v2 =	vld [tilespmem:s26+$0x100];
	_ =	sdelay $0x4  }
0x21b: {  	[tilespmem:s28+$0x12C00] =	vst.add.f32.msk $0xffff, v2  }
0x21c: {  	v2 =	vld [tilespmem:s26+$0x110];
	_ =	sdelay $0x4  }
0x21d: {  	[tilespmem:s28+$0x12C10] =	vst.add.f32.msk $0xffff, v2  }
0x21e: {  	v2 =	vld [tilespmem:s26+$0x120];
	_ =	sdelay $0x4  }
0x21f: {  	[tilespmem:s28+$0x12C20] =	vst.add.f32.msk $0xffff, v2  }
0x220: {  	v2 =	vld [tilespmem:s26+$0x130];
	_ =	sdelay $0x4  }
0x221: {  	[tilespmem:s28+$0x12C30] =	vst.add.f32.msk $0xffff, v2  }
0x222: {  	v2 =	vld [tilespmem:s26+$0x140];
	_ =	sdelay $0x4  }
0x223: {  	[tilespmem:s28+$0x12C40] =	vst.add.f32.msk $0xffff, v2  }
0x224: {  	v2 =	vld [tilespmem:s26+$0x150];
	_ =	sdelay $0x4  }
0x225: {  	[tilespmem:s28+$0x12C50] =	vst.add.f32.msk $0xffff, v2  }
0x226: {  	v2 =	vld [tilespmem:s26+$0x160];
	_ =	sdelay $0x4  }
0x227: {  	[tilespmem:s28+$0x12C60] =	vst.add.f32.msk $0xffff, v2  }
0x228: {  	v2 =	vld [tilespmem:s26+$0x170];
	_ =	sdelay $0x4  }
0x229: {  	[tilespmem:s28+$0x12C70] =	vst.add.f32.msk $0xffff, v2  }
0x22a: {  	v2 =	vld [tilespmem:s26+$0x180];
	_ =	sdelay $0x4  }
0x22b: {  	[tilespmem:s28+$0x13000] =	vst.add.f32.msk $0xffff, v2  }
0x22c: {  	v2 =	vld [tilespmem:s26+$0x190];
	_ =	sdelay $0x4  }
0x22d: {  	[tilespmem:s28+$0x13010] =	vst.add.f32.msk $0xffff, v2  }
0x22e: {  	v2 =	vld [tilespmem:s26+$0x1A0];
	_ =	sdelay $0x4  }
0x22f: {  	[tilespmem:s28+$0x13020] =	vst.add.f32.msk $0xffff, v2  }
0x230: {  	v2 =	vld [tilespmem:s26+$0x1B0];
	_ =	sdelay $0x4  }
0x231: {  	[tilespmem:s28+$0x13030] =	vst.add.f32.msk $0xffff, v2  }
0x232: {  	v2 =	vld [tilespmem:s26+$0x1C0];
	_ =	sdelay $0x4  }
0x233: {  	[tilespmem:s28+$0x13040] =	vst.add.f32.msk $0xffff, v2  }
0x234: {  	v2 =	vld [tilespmem:s26+$0x1D0];
	_ =	sdelay $0x4  }
0x235: {  	[tilespmem:s28+$0x13050] =	vst.add.f32.msk $0xffff, v2  }
0x236: {  	v2 =	vld [tilespmem:s26+$0x1E0];
	_ =	sdelay $0x4  }
0x237: {  	[tilespmem:s28+$0x13060] =	vst.add.f32.msk $0xffff, v2  }
0x238: {  	v2 =	vld [tilespmem:s26+$0x1F0];
	_ =	sdelay $0x4  }
0x239: {  	[tilespmem:s28+$0x13070] =	vst.add.f32.msk $0xffff, v2  }
0x23a: {  	v2 =	vld [tilespmem:s26+$0x200];
	_ =	sdelay $0x4  }
0x23b: {  	[tilespmem:s28+$0x13400] =	vst.add.f32.msk $0xffff, v2  }
0x23c: {  	v2 =	vld [tilespmem:s26+$0x210];
	_ =	sdelay $0x4  }
0x23d: {  	[tilespmem:s28+$0x13410] =	vst.add.f32.msk $0xffff, v2  }
0x23e: {  	v2 =	vld [tilespmem:s26+$0x220];
	_ =	sdelay $0x4  }
0x23f: {  	[tilespmem:s28+$0x13420] =	vst.add.f32.msk $0xffff, v2  }
0x240: {  	v2 =	vld [tilespmem:s26+$0x230];
	_ =	sdelay $0x4  }
0x241: {  	[tilespmem:s28+$0x13430] =	vst.add.f32.msk $0xffff, v2  }
0x242: {  	v2 =	vld [tilespmem:s26+$0x240];
	_ =	sdelay $0x4  }
0x243: {  	[tilespmem:s28+$0x13440] =	vst.add.f32.msk $0xffff, v2  }
0x244: {  	v2 =	vld [tilespmem:s26+$0x250];
	_ =	sdelay $0x4  }
0x245: {  	[tilespmem:s28+$0x13450] =	vst.add.f32.msk $0xffff, v2  }
0x246: {  	v2 =	vld [tilespmem:s26+$0x260];
	_ =	sdelay $0x4  }
0x247: {  	[tilespmem:s28+$0x13460] =	vst.add.f32.msk $0xffff, v2  }
0x248: {  	v2 =	vld [tilespmem:s26+$0x270];
	_ =	sdelay $0x4  }
0x249: {  	[tilespmem:s28+$0x13470] =	vst.add.f32.msk $0xffff, v2  }
0x24a: {  	v2 =	vld [tilespmem:s26+$0x280];
	_ =	sdelay $0x4  }
0x24b: {  	[tilespmem:s28+$0x13800] =	vst.add.f32.msk $0xffff, v2  }
0x24c: {  	v2 =	vld [tilespmem:s26+$0x290];
	_ =	sdelay $0x4  }
0x24d: {  	[tilespmem:s28+$0x13810] =	vst.add.f32.msk $0xffff, v2  }
0x24e: {  	v2 =	vld [tilespmem:s26+$0x2A0];
	_ =	sdelay $0x4  }
0x24f: {  	[tilespmem:s28+$0x13820] =	vst.add.f32.msk $0xffff, v2  }
0x250: {  	v2 =	vld [tilespmem:s26+$0x2B0];
	_ =	sdelay $0x4  }
0x251: {  	[tilespmem:s28+$0x13830] =	vst.add.f32.msk $0xffff, v2  }
0x252: {  	v2 =	vld [tilespmem:s26+$0x2C0];
	_ =	sdelay $0x4  }
0x253: {  	[tilespmem:s28+$0x13840] =	vst.add.f32.msk $0xffff, v2  }
0x254: {  	v2 =	vld [tilespmem:s26+$0x2D0];
	_ =	sdelay $0x4  }
0x255: {  	[tilespmem:s28+$0x13850] =	vst.add.f32.msk $0xffff, v2  }
0x256: {  	v2 =	vld [tilespmem:s26+$0x2E0];
	_ =	sdelay $0x4  }
0x257: {  	[tilespmem:s28+$0x13860] =	vst.add.f32.msk $0xffff, v2  }
0x258: {  	v2 =	vld [tilespmem:s26+$0x2F0];
	_ =	sdelay $0x4  }
0x259: {  	[tilespmem:s28+$0x13870] =	vst.add.f32.msk $0xffff, v2  }
0x25a: {  	v2 =	vld [tilespmem:s26+$0x300];
	_ =	sdelay $0x4  }
0x25b: {  	[tilespmem:s28+$0x13C00] =	vst.add.f32.msk $0xffff, v2  }
0x25c: {  	v2 =	vld [tilespmem:s26+$0x310];
	_ =	sdelay $0x4  }
0x25d: {  	[tilespmem:s28+$0x13C10] =	vst.add.f32.msk $0xffff, v2  }
0x25e: {  	v2 =	vld [tilespmem:s26+$0x320];
	_ =	sdelay $0x4  }
0x25f: {  	[tilespmem:s28+$0x13C20] =	vst.add.f32.msk $0xffff, v2  }
0x260: {  	v2 =	vld [tilespmem:s26+$0x330];
	_ =	sdelay $0x4  }
0x261: {  	[tilespmem:s28+$0x13C30] =	vst.add.f32.msk $0xffff, v2  }
0x262: {  	v2 =	vld [tilespmem:s26+$0x340];
	_ =	sdelay $0x4  }
0x263: {  	[tilespmem:s28+$0x13C40] =	vst.add.f32.msk $0xffff, v2  }
0x264: {  	v2 =	vld [tilespmem:s26+$0x350];
	_ =	sdelay $0x4  }
0x265: {  	[tilespmem:s28+$0x13C50] =	vst.add.f32.msk $0xffff, v2  }
0x266: {  	v2 =	vld [tilespmem:s26+$0x360];
	_ =	sdelay $0x4  }
0x267: {  	[tilespmem:s28+$0x13C60] =	vst.add.f32.msk $0xffff, v2  }
0x268: {  	v2 =	vld [tilespmem:s26+$0x370];
	_ =	sdelay $0x4  }
0x269: {  	[tilespmem:s28+$0x13C70] =	vst.add.f32.msk $0xffff, v2  }
0x26a: {  	v2 =	vld [tilespmem:s26+$0x380];
	_ =	sdelay $0x4  }
0x26b: {  	[tilespmem:s28+$0x14000] =	vst.add.f32.msk $0xffff, v2  }
0x26c: {  	v2 =	vld [tilespmem:s26+$0x390];
	_ =	sdelay $0x4  }
0x26d: {  	[tilespmem:s28+$0x14010] =	vst.add.f32.msk $0xffff, v2  }
0x26e: {  	v2 =	vld [tilespmem:s26+$0x3A0];
	_ =	sdelay $0x4  }
0x26f: {  	[tilespmem:s28+$0x14020] =	vst.add.f32.msk $0xffff, v2  }
0x270: {  	v2 =	vld [tilespmem:s26+$0x3B0];
	_ =	sdelay $0x4  }
0x271: {  	[tilespmem:s28+$0x14030] =	vst.add.f32.msk $0xffff, v2  }
0x272: {  	v2 =	vld [tilespmem:s26+$0x3C0];
	_ =	sdelay $0x4  }
0x273: {  	[tilespmem:s28+$0x14040] =	vst.add.f32.msk $0xffff, v2  }
0x274: {  	v2 =	vld [tilespmem:s26+$0x3D0];
	_ =	sdelay $0x4  }
0x275: {  	[tilespmem:s28+$0x14050] =	vst.add.f32.msk $0xffff, v2  }
0x276: {  	v2 =	vld [tilespmem:s26+$0x3E0];
	_ =	sdelay $0x4  }
0x277: {  	[tilespmem:s28+$0x14060] =	vst.add.f32.msk $0xffff, v2  }
0x278: {  	v2 =	vld [tilespmem:s26+$0x3F0];
	_ =	sdelay $0x4  }
0x279: {  	s29 =	simm.s32 $0x0;
	[tilespmem:s28+$0x14070] =	vst.add.f32.msk $0xffff, v2  }
0x27a: {  	[hbm4b:s6+s29] =	stream.linear.scatter [tilespmem:s10], [sflag:$0x5], $0x2000, $0x38;
	[tilespmem:$0x17BC0] =	vst v63  }
0x27b: {  	_ =	swait.ge [sflag:s16], $0x2000  }
0x27c: {  	[sflag:s16] =	ssyncset.done $0x0  }
0x27d: {  	[sflag:s16] =	ssyncadd.s32 $0xFFFFE000  }
0x27e: {  	v2 =	vld [tilespmem:$0x16900];
	_ =	sdelay $0x2  }
0x27f: {  	s30 =	simm.s32 $0x8  }
0x280: {  	v3 =	vmov s30  }
0x281: {  	vm15 =	veq.s32 v3, v1;
	v2 =	vxor.u32 $0x80000000, v2  }
0x282: {  	v3 =	vnsel vm15, $0x80000000, v2  }
0x283: {  	(xrf0) =	vmax.scan.msk.u32 $0xffff, v3;
	_ =	sdelay $0x5  }
0x284: {  	v3, _, _ =	vpop (xrf0)  }
0x285: {  	(v2sf) =	vpush v3, $0xF;
	_ =	sdelay $0xe  }
0x286: {  	s20 =	spop (v2sf)  }
0x287: {  	s31 =	sxor.u32 $0x80000000, s20  }
0x288: {  	v3 =	vld [tilespmem:s31+$0x0];
	_ =	sdelay $0x3  }
0x289: {  	s21 =	simm.s32 $0x0  }
0x28a: {  	[tilespmem:s21+$0x14400] =	vst.add.f32.msk $0xffff, v3  }
0x28b: {  	v3 =	vld [tilespmem:s20+$0x10];
	_ =	sdelay $0x4  }
0x28c: {  	[tilespmem:s21+$0x14410] =	vst.add.f32.msk $0xffff, v3  }
0x28d: {  	v3 =	vld [tilespmem:s20+$0x20];
	_ =	sdelay $0x4  }
0x28e: {  	[tilespmem:s21+$0x14420] =	vst.add.f32.msk $0xffff, v3  }
0x28f: {  	v3 =	vld [tilespmem:s20+$0x30];
	_ =	sdelay $0x4  }
0x290: {  	[tilespmem:s21+$0x14430] =	vst.add.f32.msk $0xffff, v3  }
0x291: {  	v3 =	vld [tilespmem:s20+$0x40];
	_ =	sdelay $0x4  }
0x292: {  	[tilespmem:s21+$0x14440] =	vst.add.f32.msk $0xffff, v3  }
0x293: {  	v3 =	vld [tilespmem:s20+$0x50];
	_ =	sdelay $0x4  }
0x294: {  	[tilespmem:s21+$0x14450] =	vst.add.f32.msk $0xffff, v3  }
0x295: {  	v3 =	vld [tilespmem:s20+$0x60];
	_ =	sdelay $0x4  }
0x296: {  	[tilespmem:s21+$0x14460] =	vst.add.f32.msk $0xffff, v3  }
0x297: {  	v3 =	vld [tilespmem:s20+$0x70];
	_ =	sdelay $0x4  }
0x298: {  	[tilespmem:s21+$0x14470] =	vst.add.f32.msk $0xffff, v3  }
0x299: {  	v3 =	vld [tilespmem:s20+$0x80];
	_ =	sdelay $0x4  }
0x29a: {  	[tilespmem:s21+$0x14800] =	vst.add.f32.msk $0xffff, v3  }
0x29b: {  	v3 =	vld [tilespmem:s20+$0x90];
	_ =	sdelay $0x4  }
0x29c: {  	[tilespmem:s21+$0x14810] =	vst.add.f32.msk $0xffff, v3  }
0x29d: {  	v3 =	vld [tilespmem:s20+$0xA0];
	_ =	sdelay $0x4  }
0x29e: {  	[tilespmem:s21+$0x14820] =	vst.add.f32.msk $0xffff, v3  }
0x29f: {  	v3 =	vld [tilespmem:s20+$0xB0];
	_ =	sdelay $0x4  }
0x2a0: {  	[tilespmem:s21+$0x14830] =	vst.add.f32.msk $0xffff, v3  }
0x2a1: {  	v3 =	vld [tilespmem:s20+$0xC0];
	_ =	sdelay $0x4  }
0x2a2: {  	[tilespmem:s21+$0x14840] =	vst.add.f32.msk $0xffff, v3  }
0x2a3: {  	v3 =	vld [tilespmem:s20+$0xD0];
	_ =	sdelay $0x4  }
0x2a4: {  	[tilespmem:s21+$0x14850] =	vst.add.f32.msk $0xffff, v3  }
0x2a5: {  	v3 =	vld [tilespmem:s20+$0xE0];
	_ =	sdelay $0x4  }
0x2a6: {  	[tilespmem:s21+$0x14860] =	vst.add.f32.msk $0xffff, v3  }
0x2a7: {  	v3 =	vld [tilespmem:s20+$0xF0];
	_ =	sdelay $0x4  }
0x2a8: {  	[tilespmem:s21+$0x14870] =	vst.add.f32.msk $0xffff, v3  }
0x2a9: {  	v3 =	vld [tilespmem:s20+$0x100];
	_ =	sdelay $0x4  }
0x2aa: {  	[tilespmem:s21+$0x14C00] =	vst.add.f32.msk $0xffff, v3  }
0x2ab: {  	v3 =	vld [tilespmem:s20+$0x110];
	_ =	sdelay $0x4  }
0x2ac: {  	[tilespmem:s21+$0x14C10] =	vst.add.f32.msk $0xffff, v3  }
0x2ad: {  	v3 =	vld [tilespmem:s20+$0x120];
	_ =	sdelay $0x4  }
0x2ae: {  	[tilespmem:s21+$0x14C20] =	vst.add.f32.msk $0xffff, v3  }
0x2af: {  	v3 =	vld [tilespmem:s20+$0x130];
	_ =	sdelay $0x4  }
0x2b0: {  	[tilespmem:s21+$0x14C30] =	vst.add.f32.msk $0xffff, v3  }
0x2b1: {  	v3 =	vld [tilespmem:s20+$0x140];
	_ =	sdelay $0x4  }
0x2b2: {  	[tilespmem:s21+$0x14C40] =	vst.add.f32.msk $0xffff, v3  }
0x2b3: {  	v3 =	vld [tilespmem:s20+$0x150];
	_ =	sdelay $0x4  }
0x2b4: {  	[tilespmem:s21+$0x14C50] =	vst.add.f32.msk $0xffff, v3  }
0x2b5: {  	v3 =	vld [tilespmem:s20+$0x160];
	_ =	sdelay $0x4  }
0x2b6: {  	[tilespmem:s21+$0x14C60] =	vst.add.f32.msk $0xffff, v3  }
0x2b7: {  	v3 =	vld [tilespmem:s20+$0x170];
	_ =	sdelay $0x4  }
0x2b8: {  	[tilespmem:s21+$0x14C70] =	vst.add.f32.msk $0xffff, v3  }
0x2b9: {  	v3 =	vld [tilespmem:s20+$0x180];
	_ =	sdelay $0x4  }
0x2ba: {  	[tilespmem:s21+$0x15000] =	vst.add.f32.msk $0xffff, v3  }
0x2bb: {  	v3 =	vld [tilespmem:s20+$0x190];
	_ =	sdelay $0x4  }
0x2bc: {  	[tilespmem:s21+$0x15010] =	vst.add.f32.msk $0xffff, v3  }
0x2bd: {  	v3 =	vld [tilespmem:s20+$0x1A0];
	_ =	sdelay $0x4  }
0x2be: {  	[tilespmem:s21+$0x15020] =	vst.add.f32.msk $0xffff, v3  }
0x2bf: {  	v3 =	vld [tilespmem:s20+$0x1B0];
	_ =	sdelay $0x4  }
0x2c0: {  	[tilespmem:s21+$0x15030] =	vst.add.f32.msk $0xffff, v3  }
0x2c1: {  	v3 =	vld [tilespmem:s20+$0x1C0];
	_ =	sdelay $0x4  }
0x2c2: {  	[tilespmem:s21+$0x15040] =	vst.add.f32.msk $0xffff, v3  }
0x2c3: {  	v3 =	vld [tilespmem:s20+$0x1D0];
	_ =	sdelay $0x4  }
0x2c4: {  	[tilespmem:s21+$0x15050] =	vst.add.f32.msk $0xffff, v3  }
0x2c5: {  	v3 =	vld [tilespmem:s20+$0x1E0];
	_ =	sdelay $0x4  }
0x2c6: {  	[tilespmem:s21+$0x15060] =	vst.add.f32.msk $0xffff, v3  }
0x2c7: {  	v3 =	vld [tilespmem:s20+$0x1F0];
	_ =	sdelay $0x4  }
0x2c8: {  	[tilespmem:s21+$0x15070] =	vst.add.f32.msk $0xffff, v3  }
0x2c9: {  	v3 =	vld [tilespmem:s20+$0x200];
	_ =	sdelay $0x4  }
0x2ca: {  	[tilespmem:s21+$0x15400] =	vst.add.f32.msk $0xffff, v3  }
0x2cb: {  	v3 =	vld [tilespmem:s20+$0x210];
	_ =	sdelay $0x4  }
0x2cc: {  	[tilespmem:s21+$0x15410] =	vst.add.f32.msk $0xffff, v3  }
0x2cd: {  	v3 =	vld [tilespmem:s20+$0x220];
	_ =	sdelay $0x4  }
0x2ce: {  	[tilespmem:s21+$0x15420] =	vst.add.f32.msk $0xffff, v3  }
0x2cf: {  	v3 =	vld [tilespmem:s20+$0x230];
	_ =	sdelay $0x4  }
0x2d0: {  	[tilespmem:s21+$0x15430] =	vst.add.f32.msk $0xffff, v3  }
0x2d1: {  	v3 =	vld [tilespmem:s20+$0x240];
	_ =	sdelay $0x4  }
0x2d2: {  	[tilespmem:s21+$0x15440] =	vst.add.f32.msk $0xffff, v3  }
0x2d3: {  	v3 =	vld [tilespmem:s20+$0x250];
	_ =	sdelay $0x4  }
0x2d4: {  	[tilespmem:s21+$0x15450] =	vst.add.f32.msk $0xffff, v3  }
0x2d5: {  	v3 =	vld [tilespmem:s20+$0x260];
	_ =	sdelay $0x4  }
0x2d6: {  	[tilespmem:s21+$0x15460] =	vst.add.f32.msk $0xffff, v3  }
0x2d7: {  	v3 =	vld [tilespmem:s20+$0x270];
	_ =	sdelay $0x4  }
0x2d8: {  	[tilespmem:s21+$0x15470] =	vst.add.f32.msk $0xffff, v3  }
0x2d9: {  	v3 =	vld [tilespmem:s20+$0x280];
	_ =	sdelay $0x4  }
0x2da: {  	[tilespmem:s21+$0x15800] =	vst.add.f32.msk $0xffff, v3  }
0x2db: {  	v3 =	vld [tilespmem:s20+$0x290];
	_ =	sdelay $0x4  }
0x2dc: {  	[tilespmem:s21+$0x15810] =	vst.add.f32.msk $0xffff, v3  }
0x2dd: {  	v3 =	vld [tilespmem:s20+$0x2A0];
	_ =	sdelay $0x4  }
0x2de: {  	[tilespmem:s21+$0x15820] =	vst.add.f32.msk $0xffff, v3  }
0x2df: {  	v3 =	vld [tilespmem:s20+$0x2B0];
	_ =	sdelay $0x4  }
0x2e0: {  	[tilespmem:s21+$0x15830] =	vst.add.f32.msk $0xffff, v3  }
0x2e1: {  	v3 =	vld [tilespmem:s20+$0x2C0];
	_ =	sdelay $0x4  }
0x2e2: {  	[tilespmem:s21+$0x15840] =	vst.add.f32.msk $0xffff, v3  }
0x2e3: {  	v3 =	vld [tilespmem:s20+$0x2D0];
	_ =	sdelay $0x4  }
0x2e4: {  	[tilespmem:s21+$0x15850] =	vst.add.f32.msk $0xffff, v3  }
0x2e5: {  	v3 =	vld [tilespmem:s20+$0x2E0];
	_ =	sdelay $0x4  }
0x2e6: {  	[tilespmem:s21+$0x15860] =	vst.add.f32.msk $0xffff, v3  }
0x2e7: {  	v3 =	vld [tilespmem:s20+$0x2F0];
	_ =	sdelay $0x4  }
0x2e8: {  	[tilespmem:s21+$0x15870] =	vst.add.f32.msk $0xffff, v3  }
0x2e9: {  	v3 =	vld [tilespmem:s20+$0x300];
	_ =	sdelay $0x4  }
0x2ea: {  	[tilespmem:s21+$0x15C00] =	vst.add.f32.msk $0xffff, v3  }
0x2eb: {  	v3 =	vld [tilespmem:s20+$0x310];
	_ =	sdelay $0x4  }
0x2ec: {  	[tilespmem:s21+$0x15C10] =	vst.add.f32.msk $0xffff, v3  }
0x2ed: {  	v3 =	vld [tilespmem:s20+$0x320];
	_ =	sdelay $0x4  }
0x2ee: {  	[tilespmem:s21+$0x15C20] =	vst.add.f32.msk $0xffff, v3  }
0x2ef: {  	v3 =	vld [tilespmem:s20+$0x330];
	_ =	sdelay $0x4  }
0x2f0: {  	[tilespmem:s21+$0x15C30] =	vst.add.f32.msk $0xffff, v3  }
0x2f1: {  	v3 =	vld [tilespmem:s20+$0x340];
	_ =	sdelay $0x4  }
0x2f2: {  	[tilespmem:s21+$0x15C40] =	vst.add.f32.msk $0xffff, v3  }
0x2f3: {  	v3 =	vld [tilespmem:s20+$0x350];
	_ =	sdelay $0x4  }
0x2f4: {  	[tilespmem:s21+$0x15C50] =	vst.add.f32.msk $0xffff, v3  }
0x2f5: {  	v3 =	vld [tilespmem:s20+$0x360];
	_ =	sdelay $0x4  }
0x2f6: {  	[tilespmem:s21+$0x15C60] =	vst.add.f32.msk $0xffff, v3  }
0x2f7: {  	v3 =	vld [tilespmem:s20+$0x370];
	_ =	sdelay $0x4  }
0x2f8: {  	[tilespmem:s21+$0x15C70] =	vst.add.f32.msk $0xffff, v3  }
0x2f9: {  	v3 =	vld [tilespmem:s20+$0x380];
	_ =	sdelay $0x4  }
0x2fa: {  	[tilespmem:s21+$0x16000] =	vst.add.f32.msk $0xffff, v3  }
0x2fb: {  	v3 =	vld [tilespmem:s20+$0x390];
	_ =	sdelay $0x4  }
0x2fc: {  	[tilespmem:s21+$0x16010] =	vst.add.f32.msk $0xffff, v3  }
0x2fd: {  	v3 =	vld [tilespmem:s20+$0x3A0];
	_ =	sdelay $0x4  }
0x2fe: {  	[tilespmem:s21+$0x16020] =	vst.add.f32.msk $0xffff, v3  }
0x2ff: {  	v3 =	vld [tilespmem:s20+$0x3B0];
	_ =	sdelay $0x1  }
0x300: {  	s23 =	simm.s32 $0x9  }
0x301: {  	s22 =	simm.s32 $0x200;
	s24 =	simm.s32 $0x400;
	v4 =	vmov s23  }
.LBB2_6:
0x302: {  	p1 =	sne.s32 s24, $0xE00;
	vm0 =	veq.s32 v4, v1  }
0x303: {  	v4 =	vnsel vm0, $0x80000000, v2;
	[tilespmem:s21+$0x16030] =	vst.add.f32.msk $0xffff, v3  }
0x304: {  	(xrf0) =	vmax.scan.msk.u32 $0xffff, v4;
	v3 =	vld [tilespmem:s20+$0x3C0];
	_ =	sdelay $0x4  }
0x305: {  	[tilespmem:s21+$0x16040] =	vst.add.f32.msk $0xffff, v3  }
0x306: {  	v3, _, _ =	vpop (xrf0);
	v4 =	vld [tilespmem:s20+$0x3D0]  }
0x307: {  	(v2sf) =	vpush v3, $0xF;
	_ =	sdelay $0x3  }
0x308: {  	[tilespmem:s21+$0x16050] =	vst.add.f32.msk $0xffff, v4  }
0x309: {  	v3 =	vld [tilespmem:s20+$0x3E0];
	_ =	sdelay $0x4  }
0x30a: {  	[tilespmem:s21+$0x16060] =	vst.add.f32.msk $0xffff, v3  }
0x30b: {  	v3 =	vld [tilespmem:s20+$0x3F0];
	_ =	sdelay $0x3  }
0x30c: {  	s20 =	spop (v2sf)  }
0x30d: {  	s25 =	sxor.u32 $0x80000000, s20;
	[tilespmem:s21+$0x16070] =	vst.add.f32.msk $0xffff, v3  }
0x30e: {  	v3 =	vld [tilespmem:s25+$0x0];
	_ =	sdelay $0x3  }
0x30f: {  	s21 =	sshra.s32 s22, $0x2;
	s22 =	smov.u32 s24  }
0x310: {  	[tilespmem:s21+$0x14400] =	vst.add.f32.msk $0xffff, v3  }
0x311: {  	v3 =	vld [tilespmem:s20+$0x10];
	_ =	sdelay $0x4  }
0x312: {  	[tilespmem:s21+$0x14410] =	vst.add.f32.msk $0xffff, v3  }
0x313: {  	v3 =	vld [tilespmem:s20+$0x20];
	_ =	sdelay $0x4  }
0x314: {  	[tilespmem:s21+$0x14420] =	vst.add.f32.msk $0xffff, v3  }
0x315: {  	v3 =	vld [tilespmem:s20+$0x30];
	_ =	sdelay $0x4  }
0x316: {  	[tilespmem:s21+$0x14430] =	vst.add.f32.msk $0xffff, v3  }
0x317: {  	v3 =	vld [tilespmem:s20+$0x40];
	_ =	sdelay $0x4  }
0x318: {  	[tilespmem:s21+$0x14440] =	vst.add.f32.msk $0xffff, v3  }
0x319: {  	v3 =	vld [tilespmem:s20+$0x50];
	_ =	sdelay $0x4  }
0x31a: {  	[tilespmem:s21+$0x14450] =	vst.add.f32.msk $0xffff, v3  }
0x31b: {  	v3 =	vld [tilespmem:s20+$0x60];
	_ =	sdelay $0x4  }
0x31c: {  	[tilespmem:s21+$0x14460] =	vst.add.f32.msk $0xffff, v3  }
0x31d: {  	v3 =	vld [tilespmem:s20+$0x70];
	_ =	sdelay $0x4  }
0x31e: {  	[tilespmem:s21+$0x14470] =	vst.add.f32.msk $0xffff, v3  }
0x31f: {  	v3 =	vld [tilespmem:s20+$0x80];
	_ =	sdelay $0x4  }
0x320: {  	[tilespmem:s21+$0x14800] =	vst.add.f32.msk $0xffff, v3  }
0x321: {  	v3 =	vld [tilespmem:s20+$0x90];
	_ =	sdelay $0x4  }
0x322: {  	[tilespmem:s21+$0x14810] =	vst.add.f32.msk $0xffff, v3  }
0x323: {  	v3 =	vld [tilespmem:s20+$0xA0];
	_ =	sdelay $0x4  }
0x324: {  	[tilespmem:s21+$0x14820] =	vst.add.f32.msk $0xffff, v3  }
0x325: {  	v3 =	vld [tilespmem:s20+$0xB0];
	_ =	sdelay $0x4  }
0x326: {  	[tilespmem:s21+$0x14830] =	vst.add.f32.msk $0xffff, v3  }
0x327: {  	v3 =	vld [tilespmem:s20+$0xC0];
	_ =	sdelay $0x4  }
0x328: {  	[tilespmem:s21+$0x14840] =	vst.add.f32.msk $0xffff, v3  }
0x329: {  	v3 =	vld [tilespmem:s20+$0xD0];
	_ =	sdelay $0x4  }
0x32a: {  	[tilespmem:s21+$0x14850] =	vst.add.f32.msk $0xffff, v3  }
0x32b: {  	v3 =	vld [tilespmem:s20+$0xE0];
	_ =	sdelay $0x4  }
0x32c: {  	[tilespmem:s21+$0x14860] =	vst.add.f32.msk $0xffff, v3  }
0x32d: {  	v3 =	vld [tilespmem:s20+$0xF0];
	_ =	sdelay $0x4  }
0x32e: {  	[tilespmem:s21+$0x14870] =	vst.add.f32.msk $0xffff, v3  }
0x32f: {  	v3 =	vld [tilespmem:s20+$0x100];
	_ =	sdelay $0x4  }
0x330: {  	[tilespmem:s21+$0x14C00] =	vst.add.f32.msk $0xffff, v3  }
0x331: {  	v3 =	vld [tilespmem:s20+$0x110];
	_ =	sdelay $0x4  }
0x332: {  	[tilespmem:s21+$0x14C10] =	vst.add.f32.msk $0xffff, v3  }
0x333: {  	v3 =	vld [tilespmem:s20+$0x120];
	_ =	sdelay $0x4  }
0x334: {  	[tilespmem:s21+$0x14C20] =	vst.add.f32.msk $0xffff, v3  }
0x335: {  	v3 =	vld [tilespmem:s20+$0x130];
	_ =	sdelay $0x4  }
0x336: {  	[tilespmem:s21+$0x14C30] =	vst.add.f32.msk $0xffff, v3  }
0x337: {  	v3 =	vld [tilespmem:s20+$0x140];
	_ =	sdelay $0x4  }
0x338: {  	[tilespmem:s21+$0x14C40] =	vst.add.f32.msk $0xffff, v3  }
0x339: {  	v3 =	vld [tilespmem:s20+$0x150];
	_ =	sdelay $0x4  }
0x33a: {  	[tilespmem:s21+$0x14C50] =	vst.add.f32.msk $0xffff, v3  }
0x33b: {  	v3 =	vld [tilespmem:s20+$0x160];
	_ =	sdelay $0x4  }
0x33c: {  	[tilespmem:s21+$0x14C60] =	vst.add.f32.msk $0xffff, v3  }
0x33d: {  	v3 =	vld [tilespmem:s20+$0x170];
	_ =	sdelay $0x4  }
0x33e: {  	[tilespmem:s21+$0x14C70] =	vst.add.f32.msk $0xffff, v3  }
0x33f: {  	v3 =	vld [tilespmem:s20+$0x180];
	_ =	sdelay $0x4  }
0x340: {  	[tilespmem:s21+$0x15000] =	vst.add.f32.msk $0xffff, v3  }
0x341: {  	v3 =	vld [tilespmem:s20+$0x190];
	_ =	sdelay $0x4  }
0x342: {  	[tilespmem:s21+$0x15010] =	vst.add.f32.msk $0xffff, v3  }
0x343: {  	v3 =	vld [tilespmem:s20+$0x1A0];
	_ =	sdelay $0x4  }
0x344: {  	[tilespmem:s21+$0x15020] =	vst.add.f32.msk $0xffff, v3  }
0x345: {  	v3 =	vld [tilespmem:s20+$0x1B0];
	_ =	sdelay $0x4  }
0x346: {  	[tilespmem:s21+$0x15030] =	vst.add.f32.msk $0xffff, v3  }
0x347: {  	v3 =	vld [tilespmem:s20+$0x1C0];
	_ =	sdelay $0x4  }
0x348: {  	[tilespmem:s21+$0x15040] =	vst.add.f32.msk $0xffff, v3  }
0x349: {  	v3 =	vld [tilespmem:s20+$0x1D0];
	_ =	sdelay $0x4  }
0x34a: {  	[tilespmem:s21+$0x15050] =	vst.add.f32.msk $0xffff, v3  }
0x34b: {  	v3 =	vld [tilespmem:s20+$0x1E0];
	_ =	sdelay $0x4  }
0x34c: {  	[tilespmem:s21+$0x15060] =	vst.add.f32.msk $0xffff, v3  }
0x34d: {  	v3 =	vld [tilespmem:s20+$0x1F0];
	_ =	sdelay $0x4  }
0x34e: {  	[tilespmem:s21+$0x15070] =	vst.add.f32.msk $0xffff, v3  }
0x34f: {  	v3 =	vld [tilespmem:s20+$0x200];
	_ =	sdelay $0x4  }
0x350: {  	[tilespmem:s21+$0x15400] =	vst.add.f32.msk $0xffff, v3  }
0x351: {  	v3 =	vld [tilespmem:s20+$0x210];
	_ =	sdelay $0x4  }
0x352: {  	[tilespmem:s21+$0x15410] =	vst.add.f32.msk $0xffff, v3  }
0x353: {  	v3 =	vld [tilespmem:s20+$0x220];
	_ =	sdelay $0x4  }
0x354: {  	[tilespmem:s21+$0x15420] =	vst.add.f32.msk $0xffff, v3  }
0x355: {  	v3 =	vld [tilespmem:s20+$0x230];
	_ =	sdelay $0x4  }
0x356: {  	[tilespmem:s21+$0x15430] =	vst.add.f32.msk $0xffff, v3  }
0x357: {  	v3 =	vld [tilespmem:s20+$0x240];
	_ =	sdelay $0x4  }
0x358: {  	[tilespmem:s21+$0x15440] =	vst.add.f32.msk $0xffff, v3  }
0x359: {  	v3 =	vld [tilespmem:s20+$0x250];
	_ =	sdelay $0x4  }
0x35a: {  	[tilespmem:s21+$0x15450] =	vst.add.f32.msk $0xffff, v3  }
0x35b: {  	v3 =	vld [tilespmem:s20+$0x260];
	_ =	sdelay $0x4  }
0x35c: {  	[tilespmem:s21+$0x15460] =	vst.add.f32.msk $0xffff, v3  }
0x35d: {  	v3 =	vld [tilespmem:s20+$0x270];
	_ =	sdelay $0x4  }
0x35e: {  	[tilespmem:s21+$0x15470] =	vst.add.f32.msk $0xffff, v3  }
0x35f: {  	v3 =	vld [tilespmem:s20+$0x280];
	_ =	sdelay $0x4  }
0x360: {  	[tilespmem:s21+$0x15800] =	vst.add.f32.msk $0xffff, v3  }
0x361: {  	v3 =	vld [tilespmem:s20+$0x290];
	_ =	sdelay $0x4  }
0x362: {  	[tilespmem:s21+$0x15810] =	vst.add.f32.msk $0xffff, v3  }
0x363: {  	v3 =	vld [tilespmem:s20+$0x2A0];
	_ =	sdelay $0x4  }
0x364: {  	[tilespmem:s21+$0x15820] =	vst.add.f32.msk $0xffff, v3  }
0x365: {  	v3 =	vld [tilespmem:s20+$0x2B0];
	_ =	sdelay $0x4  }
0x366: {  	[tilespmem:s21+$0x15830] =	vst.add.f32.msk $0xffff, v3  }
0x367: {  	v3 =	vld [tilespmem:s20+$0x2C0];
	_ =	sdelay $0x4  }
0x368: {  	[tilespmem:s21+$0x15840] =	vst.add.f32.msk $0xffff, v3  }
0x369: {  	v3 =	vld [tilespmem:s20+$0x2D0];
	_ =	sdelay $0x4  }
0x36a: {  	[tilespmem:s21+$0x15850] =	vst.add.f32.msk $0xffff, v3  }
0x36b: {  	v3 =	vld [tilespmem:s20+$0x2E0];
	_ =	sdelay $0x4  }
0x36c: {  	[tilespmem:s21+$0x15860] =	vst.add.f32.msk $0xffff, v3  }
0x36d: {  	v3 =	vld [tilespmem:s20+$0x2F0];
	_ =	sdelay $0x4  }
0x36e: {  	[tilespmem:s21+$0x15870] =	vst.add.f32.msk $0xffff, v3  }
0x36f: {  	v3 =	vld [tilespmem:s20+$0x300];
	_ =	sdelay $0x4  }
0x370: {  	[tilespmem:s21+$0x15C00] =	vst.add.f32.msk $0xffff, v3  }
0x371: {  	v3 =	vld [tilespmem:s20+$0x310];
	_ =	sdelay $0x4  }
0x372: {  	[tilespmem:s21+$0x15C10] =	vst.add.f32.msk $0xffff, v3  }
0x373: {  	v3 =	vld [tilespmem:s20+$0x320];
	_ =	sdelay $0x4  }
0x374: {  	[tilespmem:s21+$0x15C20] =	vst.add.f32.msk $0xffff, v3  }
0x375: {  	v3 =	vld [tilespmem:s20+$0x330];
	_ =	sdelay $0x4  }
0x376: {  	[tilespmem:s21+$0x15C30] =	vst.add.f32.msk $0xffff, v3  }
0x377: {  	v3 =	vld [tilespmem:s20+$0x340];
	_ =	sdelay $0x4  }
0x378: {  	[tilespmem:s21+$0x15C40] =	vst.add.f32.msk $0xffff, v3  }
0x379: {  	v3 =	vld [tilespmem:s20+$0x350];
	_ =	sdelay $0x4  }
0x37a: {  	[tilespmem:s21+$0x15C50] =	vst.add.f32.msk $0xffff, v3  }
0x37b: {  	v3 =	vld [tilespmem:s20+$0x360];
	_ =	sdelay $0x4  }
0x37c: {  	[tilespmem:s21+$0x15C60] =	vst.add.f32.msk $0xffff, v3  }
0x37d: {  	v3 =	vld [tilespmem:s20+$0x370];
	_ =	sdelay $0x4  }
0x37e: {  	[tilespmem:s21+$0x15C70] =	vst.add.f32.msk $0xffff, v3  }
0x37f: {  	v3 =	vld [tilespmem:s20+$0x380];
	_ =	sdelay $0x4  }
0x380: {  	[tilespmem:s21+$0x16000] =	vst.add.f32.msk $0xffff, v3  }
0x381: {  	v3 =	vld [tilespmem:s20+$0x390];
	_ =	sdelay $0x4  }
0x382: {  	[tilespmem:s21+$0x16010] =	vst.add.f32.msk $0xffff, v3  }
0x383: {  	v3 =	vld [tilespmem:s20+$0x3A0];
	_ =	sdelay $0x4  }
.Ltmp2:
0x384: {  	[tilespmem:s21+$0x16020] =	vst.add.f32.msk $0xffff, v3;
	(pc) =	sbr.rel @p1 .LBB2_6-.Ltmp2, $3  }
0x385: {  	v3 =	vld [tilespmem:s20+$0x3B0];
	_ =	sdelay $0x1  }
0x386: {  	s23 =	sadd.s32 $0x1, s23  }
0x387: {  	v4 =	vmov s23;
	s24 =	sadd.s32 $0x200, s24  }
0x388: {  	vm0 =	veq.s32 v4, v1  }
0x389: {  	v2 =	vnsel vm0, $0x80000000, v2;
	[tilespmem:s21+$0x16030] =	vst.add.f32.msk $0xffff, v3  }
0x38a: {  	(xrf0) =	vmax.scan.msk.u32 $0xffff, v2;
	v2 =	vld [tilespmem:s20+$0x3C0];
	_ =	sdelay $0x4  }
0x38b: {  	[tilespmem:s21+$0x16040] =	vst.add.f32.msk $0xffff, v2  }
0x38c: {  	v2, _, _ =	vpop (xrf0);
	v3 =	vld [tilespmem:s20+$0x3D0]  }
0x38d: {  	(v2sf) =	vpush v2, $0xF;
	_ =	sdelay $0x3  }
0x38e: {  	[tilespmem:s21+$0x16050] =	vst.add.f32.msk $0xffff, v3  }
0x38f: {  	v2 =	vld [tilespmem:s20+$0x3E0];
	_ =	sdelay $0x4  }
0x390: {  	[tilespmem:s21+$0x16060] =	vst.add.f32.msk $0xffff, v2  }
0x391: {  	v2 =	vld [tilespmem:s20+$0x3F0];
	_ =	sdelay $0x3  }
0x392: {  	s30 =	spop (v2sf)  }
0x393: {  	s23 =	sxor.u32 $0x80000000, s30;
	[tilespmem:s21+$0x16070] =	vst.add.f32.msk $0xffff, v2  }
0x394: {  	v2 =	vld [tilespmem:s23+$0x0];
	_ =	sdelay $0x3  }
0x395: {  	s31 =	sshra.s32 s22, $0x2  }
0x396: {  	[tilespmem:s31+$0x14400] =	vst.add.f32.msk $0xffff, v2  }
0x397: {  	v2 =	vld [tilespmem:s30+$0x10];
	_ =	sdelay $0x4  }
0x398: {  	[tilespmem:s31+$0x14410] =	vst.add.f32.msk $0xffff, v2  }
0x399: {  	v2 =	vld [tilespmem:s30+$0x20];
	_ =	sdelay $0x4  }
0x39a: {  	[tilespmem:s31+$0x14420] =	vst.add.f32.msk $0xffff, v2  }
0x39b: {  	v2 =	vld [tilespmem:s30+$0x30];
	_ =	sdelay $0x4  }
0x39c: {  	[tilespmem:s31+$0x14430] =	vst.add.f32.msk $0xffff, v2  }
0x39d: {  	v2 =	vld [tilespmem:s30+$0x40];
	_ =	sdelay $0x4  }
0x39e: {  	[tilespmem:s31+$0x14440] =	vst.add.f32.msk $0xffff, v2  }
0x39f: {  	v2 =	vld [tilespmem:s30+$0x50];
	_ =	sdelay $0x4  }
0x3a0: {  	[tilespmem:s31+$0x14450] =	vst.add.f32.msk $0xffff, v2  }
0x3a1: {  	v2 =	vld [tilespmem:s30+$0x60];
	_ =	sdelay $0x4  }
0x3a2: {  	[tilespmem:s31+$0x14460] =	vst.add.f32.msk $0xffff, v2  }
0x3a3: {  	v2 =	vld [tilespmem:s30+$0x70];
	_ =	sdelay $0x4  }
0x3a4: {  	[tilespmem:s31+$0x14470] =	vst.add.f32.msk $0xffff, v2  }
0x3a5: {  	v2 =	vld [tilespmem:s30+$0x80];
	_ =	sdelay $0x4  }
0x3a6: {  	[tilespmem:s31+$0x14800] =	vst.add.f32.msk $0xffff, v2  }
0x3a7: {  	v2 =	vld [tilespmem:s30+$0x90];
	_ =	sdelay $0x4  }
0x3a8: {  	[tilespmem:s31+$0x14810] =	vst.add.f32.msk $0xffff, v2  }
0x3a9: {  	v2 =	vld [tilespmem:s30+$0xA0];
	_ =	sdelay $0x4  }
0x3aa: {  	[tilespmem:s31+$0x14820] =	vst.add.f32.msk $0xffff, v2  }
0x3ab: {  	v2 =	vld [tilespmem:s30+$0xB0];
	_ =	sdelay $0x4  }
0x3ac: {  	[tilespmem:s31+$0x14830] =	vst.add.f32.msk $0xffff, v2  }
0x3ad: {  	v2 =	vld [tilespmem:s30+$0xC0];
	_ =	sdelay $0x4  }
0x3ae: {  	[tilespmem:s31+$0x14840] =	vst.add.f32.msk $0xffff, v2  }
0x3af: {  	v2 =	vld [tilespmem:s30+$0xD0];
	_ =	sdelay $0x4  }
0x3b0: {  	[tilespmem:s31+$0x14850] =	vst.add.f32.msk $0xffff, v2  }
0x3b1: {  	v2 =	vld [tilespmem:s30+$0xE0];
	_ =	sdelay $0x4  }
0x3b2: {  	[tilespmem:s31+$0x14860] =	vst.add.f32.msk $0xffff, v2  }
0x3b3: {  	v2 =	vld [tilespmem:s30+$0xF0];
	_ =	sdelay $0x4  }
0x3b4: {  	[tilespmem:s31+$0x14870] =	vst.add.f32.msk $0xffff, v2  }
0x3b5: {  	v2 =	vld [tilespmem:s30+$0x100];
	_ =	sdelay $0x4  }
0x3b6: {  	[tilespmem:s31+$0x14C00] =	vst.add.f32.msk $0xffff, v2  }
0x3b7: {  	v2 =	vld [tilespmem:s30+$0x110];
	_ =	sdelay $0x4  }
0x3b8: {  	[tilespmem:s31+$0x14C10] =	vst.add.f32.msk $0xffff, v2  }
0x3b9: {  	v2 =	vld [tilespmem:s30+$0x120];
	_ =	sdelay $0x4  }
0x3ba: {  	[tilespmem:s31+$0x14C20] =	vst.add.f32.msk $0xffff, v2  }
0x3bb: {  	v2 =	vld [tilespmem:s30+$0x130];
	_ =	sdelay $0x4  }
0x3bc: {  	[tilespmem:s31+$0x14C30] =	vst.add.f32.msk $0xffff, v2  }
0x3bd: {  	v2 =	vld [tilespmem:s30+$0x140];
	_ =	sdelay $0x4  }
0x3be: {  	[tilespmem:s31+$0x14C40] =	vst.add.f32.msk $0xffff, v2  }
0x3bf: {  	v2 =	vld [tilespmem:s30+$0x150];
	_ =	sdelay $0x4  }
0x3c0: {  	[tilespmem:s31+$0x14C50] =	vst.add.f32.msk $0xffff, v2  }
0x3c1: {  	v2 =	vld [tilespmem:s30+$0x160];
	_ =	sdelay $0x4  }
0x3c2: {  	[tilespmem:s31+$0x14C60] =	vst.add.f32.msk $0xffff, v2  }
0x3c3: {  	v2 =	vld [tilespmem:s30+$0x170];
	_ =	sdelay $0x4  }
0x3c4: {  	[tilespmem:s31+$0x14C70] =	vst.add.f32.msk $0xffff, v2  }
0x3c5: {  	v2 =	vld [tilespmem:s30+$0x180];
	_ =	sdelay $0x4  }
0x3c6: {  	[tilespmem:s31+$0x15000] =	vst.add.f32.msk $0xffff, v2  }
0x3c7: {  	v2 =	vld [tilespmem:s30+$0x190];
	_ =	sdelay $0x4  }
0x3c8: {  	[tilespmem:s31+$0x15010] =	vst.add.f32.msk $0xffff, v2  }
0x3c9: {  	v2 =	vld [tilespmem:s30+$0x1A0];
	_ =	sdelay $0x4  }
0x3ca: {  	[tilespmem:s31+$0x15020] =	vst.add.f32.msk $0xffff, v2  }
0x3cb: {  	v2 =	vld [tilespmem:s30+$0x1B0];
	_ =	sdelay $0x4  }
0x3cc: {  	[tilespmem:s31+$0x15030] =	vst.add.f32.msk $0xffff, v2  }
0x3cd: {  	v2 =	vld [tilespmem:s30+$0x1C0];
	_ =	sdelay $0x4  }
0x3ce: {  	[tilespmem:s31+$0x15040] =	vst.add.f32.msk $0xffff, v2  }
0x3cf: {  	v2 =	vld [tilespmem:s30+$0x1D0];
	_ =	sdelay $0x4  }
0x3d0: {  	[tilespmem:s31+$0x15050] =	vst.add.f32.msk $0xffff, v2  }
0x3d1: {  	v2 =	vld [tilespmem:s30+$0x1E0];
	_ =	sdelay $0x4  }
0x3d2: {  	[tilespmem:s31+$0x15060] =	vst.add.f32.msk $0xffff, v2  }
0x3d3: {  	v2 =	vld [tilespmem:s30+$0x1F0];
	_ =	sdelay $0x4  }
0x3d4: {  	[tilespmem:s31+$0x15070] =	vst.add.f32.msk $0xffff, v2  }
0x3d5: {  	v2 =	vld [tilespmem:s30+$0x200];
	_ =	sdelay $0x4  }
0x3d6: {  	[tilespmem:s31+$0x15400] =	vst.add.f32.msk $0xffff, v2  }
0x3d7: {  	v2 =	vld [tilespmem:s30+$0x210];
	_ =	sdelay $0x4  }
0x3d8: {  	[tilespmem:s31+$0x15410] =	vst.add.f32.msk $0xffff, v2  }
0x3d9: {  	v2 =	vld [tilespmem:s30+$0x220];
	_ =	sdelay $0x4  }
0x3da: {  	[tilespmem:s31+$0x15420] =	vst.add.f32.msk $0xffff, v2  }
0x3db: {  	v2 =	vld [tilespmem:s30+$0x230];
	_ =	sdelay $0x4  }
0x3dc: {  	[tilespmem:s31+$0x15430] =	vst.add.f32.msk $0xffff, v2  }
0x3dd: {  	v2 =	vld [tilespmem:s30+$0x240];
	_ =	sdelay $0x4  }
0x3de: {  	[tilespmem:s31+$0x15440] =	vst.add.f32.msk $0xffff, v2  }
0x3df: {  	v2 =	vld [tilespmem:s30+$0x250];
	_ =	sdelay $0x4  }
0x3e0: {  	[tilespmem:s31+$0x15450] =	vst.add.f32.msk $0xffff, v2  }
0x3e1: {  	v2 =	vld [tilespmem:s30+$0x260];
	_ =	sdelay $0x4  }
0x3e2: {  	[tilespmem:s31+$0x15460] =	vst.add.f32.msk $0xffff, v2  }
0x3e3: {  	v2 =	vld [tilespmem:s30+$0x270];
	_ =	sdelay $0x4  }
0x3e4: {  	[tilespmem:s31+$0x15470] =	vst.add.f32.msk $0xffff, v2  }
0x3e5: {  	v2 =	vld [tilespmem:s30+$0x280];
	_ =	sdelay $0x4  }
0x3e6: {  	[tilespmem:s31+$0x15800] =	vst.add.f32.msk $0xffff, v2  }
0x3e7: {  	v2 =	vld [tilespmem:s30+$0x290];
	_ =	sdelay $0x4  }
0x3e8: {  	[tilespmem:s31+$0x15810] =	vst.add.f32.msk $0xffff, v2  }
0x3e9: {  	v2 =	vld [tilespmem:s30+$0x2A0];
	_ =	sdelay $0x4  }
0x3ea: {  	[tilespmem:s31+$0x15820] =	vst.add.f32.msk $0xffff, v2  }
0x3eb: {  	v2 =	vld [tilespmem:s30+$0x2B0];
	_ =	sdelay $0x4  }
0x3ec: {  	[tilespmem:s31+$0x15830] =	vst.add.f32.msk $0xffff, v2  }
0x3ed: {  	v2 =	vld [tilespmem:s30+$0x2C0];
	_ =	sdelay $0x4  }
0x3ee: {  	[tilespmem:s31+$0x15840] =	vst.add.f32.msk $0xffff, v2  }
0x3ef: {  	v2 =	vld [tilespmem:s30+$0x2D0];
	_ =	sdelay $0x4  }
0x3f0: {  	[tilespmem:s31+$0x15850] =	vst.add.f32.msk $0xffff, v2  }
0x3f1: {  	v2 =	vld [tilespmem:s30+$0x2E0];
	_ =	sdelay $0x4  }
0x3f2: {  	[tilespmem:s31+$0x15860] =	vst.add.f32.msk $0xffff, v2  }
0x3f3: {  	v2 =	vld [tilespmem:s30+$0x2F0];
	_ =	sdelay $0x4  }
0x3f4: {  	[tilespmem:s31+$0x15870] =	vst.add.f32.msk $0xffff, v2  }
0x3f5: {  	v2 =	vld [tilespmem:s30+$0x300];
	_ =	sdelay $0x4  }
0x3f6: {  	[tilespmem:s31+$0x15C00] =	vst.add.f32.msk $0xffff, v2  }
0x3f7: {  	v2 =	vld [tilespmem:s30+$0x310];
	_ =	sdelay $0x4  }
0x3f8: {  	[tilespmem:s31+$0x15C10] =	vst.add.f32.msk $0xffff, v2  }
0x3f9: {  	v2 =	vld [tilespmem:s30+$0x320];
	_ =	sdelay $0x4  }
0x3fa: {  	[tilespmem:s31+$0x15C20] =	vst.add.f32.msk $0xffff, v2  }
0x3fb: {  	v2 =	vld [tilespmem:s30+$0x330];
	_ =	sdelay $0x4  }
0x3fc: {  	[tilespmem:s31+$0x15C30] =	vst.add.f32.msk $0xffff, v2  }
0x3fd: {  	v2 =	vld [tilespmem:s30+$0x340];
	_ =	sdelay $0x4  }
0x3fe: {  	[tilespmem:s31+$0x15C40] =	vst.add.f32.msk $0xffff, v2  }
0x3ff: {  	v2 =	vld [tilespmem:s30+$0x350];
	_ =	sdelay $0x4  }
0x400: {  	[tilespmem:s31+$0x15C50] =	vst.add.f32.msk $0xffff, v2  }
0x401: {  	v2 =	vld [tilespmem:s30+$0x360];
	_ =	sdelay $0x4  }
0x402: {  	[tilespmem:s31+$0x15C60] =	vst.add.f32.msk $0xffff, v2  }
0x403: {  	v2 =	vld [tilespmem:s30+$0x370];
	_ =	sdelay $0x4  }
0x404: {  	[tilespmem:s31+$0x15C70] =	vst.add.f32.msk $0xffff, v2  }
0x405: {  	v2 =	vld [tilespmem:s30+$0x380];
	_ =	sdelay $0x4  }
0x406: {  	[tilespmem:s31+$0x16000] =	vst.add.f32.msk $0xffff, v2  }
0x407: {  	v2 =	vld [tilespmem:s30+$0x390];
	_ =	sdelay $0x4  }
0x408: {  	[tilespmem:s31+$0x16010] =	vst.add.f32.msk $0xffff, v2  }
0x409: {  	v2 =	vld [tilespmem:s30+$0x3A0];
	_ =	sdelay $0x4  }
0x40a: {  	[tilespmem:s31+$0x16020] =	vst.add.f32.msk $0xffff, v2  }
0x40b: {  	v2 =	vld [tilespmem:s30+$0x3B0];
	_ =	sdelay $0x4  }
0x40c: {  	[tilespmem:s31+$0x16030] =	vst.add.f32.msk $0xffff, v2  }
0x40d: {  	v2 =	vld [tilespmem:s30+$0x3C0];
	_ =	sdelay $0x4  }
0x40e: {  	[tilespmem:s31+$0x16040] =	vst.add.f32.msk $0xffff, v2  }
0x40f: {  	v2 =	vld [tilespmem:s30+$0x3D0];
	_ =	sdelay $0x4  }
0x410: {  	[tilespmem:s31+$0x16050] =	vst.add.f32.msk $0xffff, v2  }
0x411: {  	v2 =	vld [tilespmem:s30+$0x3E0];
	_ =	sdelay $0x4  }
0x412: {  	[tilespmem:s31+$0x16060] =	vst.add.f32.msk $0xffff, v2  }
0x413: {  	v2 =	vld [tilespmem:s30+$0x3F0];
	_ =	sdelay $0x4  }
0x414: {  	s19 =	sadd.s32 $0x1, s19;
	[tilespmem:s31+$0x16070] =	vst.add.f32.msk $0xffff, v2  }
0x415: {  	[hbm4b:s7+s3] =	stream.linear.scatter [tilespmem:s11], [sflag:$0x6], $0x2000, $0x38;
	[tilespmem:$0x17BC0] =	vst v63  }
0x416: {  	p1 =	sne.s32 s19, s8;
	_ =	swait.ge [sflag:s17], $0x2000  }
.Ltmp3:
0x417: {  	[sflag:s17] =	ssyncset.done $0x0;
	(pc) =	sbr.rel @p1 .LBB2_1-.Ltmp3, $4  }
0x418: {  	[sflag:s17] =	ssyncadd.s32 $0xFFFFE000  }
0x419: {  	_ =	swait.ge [sflag:s18], $0x2000  }
0x41a: {  	[sflag:s18] =	ssyncset.done $0x0  }
0x41b: {  	[sflag:s18] =	ssyncadd.s32 $0xFFFFE000  }
0x41c: {  	_ =	sfence.sel $0x180000  }
0x41d: {  	[bflag:$0x0] =	sbarrier.arrive $0xFFFF  }
0x41e: {  	_ =	strace $0x90000047  }
0x41f: {  	s0 =	sadd.s32 @!p0 $0x100000, s0;
	[bflag:$0x2] =	sbarrier.arrive $0xFFFF  }
0x420: {  	[sflag:s0] =	ssyncadd.tile.s32 @!p0 $0x1;
	_ =	shalt  }
.Lfunc_end2:
_tile_overlayer_lowered:
.L_overlay_start_2:
0x421: {  	(tag) =	ssettag $0x2  }
0x422: {  	s0 =	rddreg [dreg:$0x0];
	s2 =	stileid.u32  }
0x423: {  	s1 =	rddreg [dreg:$0x1];
	p0 =	sne.s32 s2, $0x0  }
0x424: {  	s3 =	rddreg [dreg:$0x2];
	[bflag:$0x3] =	sbarrier.arrive $0xFFFF;
	s2 =	simm.s32 @!p0 $0x1C07  }
0x425: {  	[timem:s3], [sflag:s2] =	dma.local @!p0 [hbm:s0], s1  }
0x426: {  	s0 =	simm.s32 @!p0 $0x7  }
0x427: {  	_ =	swait.ge @!p0 [sflag:s0], s1  }
0x428: {  	s1 =	ssub.s32 @!p0 $0x0, s1;
	[sflag:s0] =	ssyncset.done @!p0 $0x0  }
0x429: {  	[sflag:s0] =	ssyncadd.s32 @!p0 s1  }
0x42a: {  	[bflag:$0x3] =	sbarrier.arrive $0xFFFF  }
0x42b: {  	_ =	shalt  }

</sc_bundles>
